<compile_context>
chip_gen: v7x
topology: tpu7x:2x2x1
jax: 0.10.2.dev20260603
libtpu: 0.0.44.dev20260713+nightly
codegen_flags: <defaults>
</compile_context>

<pallas_src>
import jax
import jax.numpy as jnp
import numpy as np
from jax import lax
from jax.experimental import pallas as pl
from jax.experimental.pallas import tpu as pltpu
from jax.experimental.pallas import tpu_sc as plsc

K = 50
NROWS = 32
V = 1_000_000
L = 16
CHUNK = 20_000
NCHUNKS = V // CHUNK
GELEMS = 800
GVECS = GELEMS // L
GPC = CHUNK // GELEMS
NGROUPS = V // GELEMS
NBKT = 256
FCAP = 256
OUTP = 64

_SIGN = np.uint32(2 ** 31)


def _sload(ref, i):
    return ref[pl.ds(i, L)][0]


def _ukey(v):
    b = plsc.bitcast(v, jnp.uint32)
    return jnp.where(b >= _SIGN, ~b, b + _SIGN)


def _body(y_ref, w_ref, words_ref, scores_ref,
          buf0, buf1, buf2, maxu, hist_a, hist_b, glist,
          gbuf0, gbuf1, fvals, fidx, outv, outi, wbuf,
          sem0, sem1, sem2, gsem0, gsem1, wsem):
    row = lax.axis_index("s") * 2 + lax.axis_index("c")
    lanes = lax.iota(jnp.int32, L)
    lane0 = lanes == 0
    ones = jnp.ones((L,), jnp.int32)
    zi = jnp.zeros((L,), jnp.int32)
    ninf = jnp.full((L,), float("-inf"), jnp.float32)

    def init_h(b, _):
        hist_a[pl.ds(b * L, L)] = zi
        hist_b[pl.ds(b * L, L)] = zi
        return 0
    lax.fori_loop(0, NBKT, init_h, 0)
    for m in range(FCAP // L):
        fvals[pl.ds(m * L, L)] = ninf
        fidx[pl.ds(m * L, L)] = zi
    for m in range(OUTP // L):
        outv[pl.ds(m * L, L)] = jnp.zeros((L,), jnp.float32)
        outi[pl.ds(m * L, L)] = zi

    def start_chunk(c, buf, sem):
        pltpu.make_async_copy(
            y_ref.at[row, pl.ds(c * CHUNK, CHUNK)], buf, sem).start()

    def wait_chunk(buf, sem):
        pltpu.make_async_copy(
            y_ref.at[row, pl.ds(0, CHUNK)], buf, sem).wait()

    bufs = (buf0, buf1, buf2)
    sems = (sem0, sem1, sem2)
    start_chunk(0, buf0, sem0)
    start_chunk(1, buf1, sem1)
    wait_chunk(buf0, sem0)

    def compute_chunk(buf, c):
        def per_group(g, _):
            base = g * GELEMS
            a0 = buf[pl.ds(base, L)]
            a1 = buf[pl.ds(base + L, L)]
            for t in range(2, GVECS, 2):
                a0 = jnp.maximum(a0, buf[pl.ds(base + t * L, L)])
                a1 = jnp.maximum(a1, buf[pl.ds(base + (t + 1) * L, L)])
            acc = jnp.maximum(a0, a1)
            u = _ukey(acc)
            maxu[pl.ds((c * GPC + g) * L, L)] = u
            ba = (u >> 24).astype(jnp.int32)
            plsc.addupdate_scatter(hist_a, [ba * L + lanes], ones)
            return 0
        lax.fori_loop(0, GPC, per_group, 0)

    def chunk_trio(j, _):
        for k in range(3):
            i = 3 * j + k

            @pl.when(i + 1 < NCHUNKS)
            def _():
                wait_chunk(bufs[(k + 1) % 3], sems[(k + 1) % 3])

            @pl.when(i + 2 < NCHUNKS)
            def _():
                start_chunk(i + 2, bufs[(k + 2) % 3], sems[(k + 2) % 3])

            @pl.when(i < NCHUNKS)
            def _():
                compute_chunk(bufs[k], i)
        return 0
    lax.fori_loop(0, (NCHUNKS + 2) // 3, chunk_trio, 0)

    def scan_a(i, carry):
        cum, bsel, above = carry
        b = NBKT - 1 - i
        s = jnp.sum(hist_a[pl.ds(b * L, L)])
        ncum = cum + s
        hit = jnp.logical_and(ncum >= K, cum < K)
        bsel = jnp.where(hit, b, bsel)
        above = jnp.where(hit, cum, above)
        return ncum, bsel, above
    cum_a, b_a, above = lax.fori_loop(
        0, NBKT, scan_a, (jnp.int32(0), jnp.int32(0), jnp.int32(0)))
    b_a_u = b_a.astype(jnp.uint32)

    def hist_b_pass(g, _):
        u = maxu[pl.ds(g * L, L)]
        msk = (u >> 24) == b_a_u
        b2 = ((u >> 16) & 255).astype(jnp.int32)
        plsc.addupdate_scatter(hist_b, [b2 * L + lanes], ones, mask=msk)
        return 0
    lax.fori_loop(0, NGROUPS, hist_b_pass, 0)

    def scan_b(i, carry):
        cum, bsel = carry
        b = NBKT - 1 - i
        s = jnp.sum(hist_b[pl.ds(b * L, L)])
        ncum = cum + s
        hit = jnp.logical_and(ncum >= K, cum < K)
        bsel = jnp.where(hit, b, bsel)
        return ncum, bsel
    cum_b, b_b = lax.fori_loop(0, NBKT, scan_b, (above, jnp.int32(0)))

    tau_u = (b_a_u << 24) | (b_b.astype(jnp.uint32) << 16)
    tau_bits = jnp.where(tau_u >= _SIGN, tau_u - _SIGN, ~tau_u)
    tauv = plsc.bitcast(jnp.broadcast_to(tau_bits, (L,)), jnp.float32)

    def flag_pass(g, ng):
        u = maxu[pl.ds(g * L, L)]
        hit = jnp.max((u >= tau_u).astype(jnp.int32))

        @pl.when(hit > 0)
        def _():
            plsc.store_scatter(glist, [zi + ng], zi + g, mask=lane0)
        return ng + hit
    ng = lax.fori_loop(0, NGROUPS, flag_pass, jnp.int32(0))

    def gstart(j, gb, gs):
        g = _sload(glist, j)
        pltpu.make_async_copy(
            y_ref.at[row, pl.ds(g * GELEMS, GELEMS)], gb, gs).start()

    def gwait(gb, gs):
        pltpu.make_async_copy(
            y_ref.at[row, pl.ds(0, GELEMS)], gb, gs).wait()

    @pl.when(ng > 0)
    def _():
        gstart(0, gbuf0, gsem0)

    def scan_group(j, gb, fcnt):
        g = _sload(glist, j)

        def per_vec(t, fc):
            v = gb[pl.ds(t * L, L)]
            msk = v >= tauv
            cnt = jnp.sum(msk.astype(jnp.int32))

            @pl.when(cnt > 0)
            def _():
                pfx = plsc.cumsum(msk.astype(jnp.int32))
                dest = jnp.minimum(fc + pfx - 1, FCAP - 1)
                plsc.store_scatter(fvals, [dest], v, mask=msk)
                gi = g * GELEMS + t * L + lanes
                plsc.store_scatter(fidx, [dest], gi, mask=msk)
            return fc + cnt
        return lax.fori_loop(0, GVECS, per_vec, fcnt)

    def gpair(i, fcnt):
        j0 = 2 * i
        gwait(gbuf0, gsem0)

        @pl.when(j0 + 1 < ng)
        def _():
            gstart(j0 + 1, gbuf1, gsem1)
        fcnt = scan_group(j0, gbuf0, fcnt)

        def do_odd(fc):
            gwait(gbuf1, gsem1)

            @pl.when(j0 + 2 < ng)
            def _():
                gstart(j0 + 2, gbuf0, gsem0)
            return scan_group(j0 + 1, gbuf1, fc)
        return lax.cond(j0 + 1 < ng, do_odd, lambda fc: fc, fcnt)
    fcnt_total = lax.fori_loop(0, (ng + 1) // 2, gpair, jnp.int32(0))

    intmax = jnp.int32(2 ** 31 - 1)

    def extract(k, _):
        bestv = ninf
        besti = zi + intmax
        for m in range(FCAP // L):
            v = fvals[pl.ds(m * L, L)]
            ii = fidx[pl.ds(m * L, L)]
            better = jnp.logical_or(
                v > bestv, jnp.logical_and(v == bestv, ii < besti))
            bestv = jnp.where(better, v, bestv)
            besti = jnp.where(better, ii, besti)
        mv = jnp.max(bestv)
        mi = jnp.min(jnp.where(bestv == mv, besti, intmax))
        kv = zi + k
        plsc.store_scatter(outv, [kv], jnp.zeros((L,), jnp.float32) + mv,
                           mask=lane0)
        plsc.store_scatter(outi, [kv], zi + mi, mask=lane0)
        for m in range(FCAP // L):
            ii = fidx[pl.ds(m * L, L)]
            v = fvals[pl.ds(m * L, L)]
            fvals[pl.ds(m * L, L)] = jnp.where(ii == mi, ninf, v)
        return 0
    lax.fori_loop(0, K, extract, 0)

    def dbg(slot, val_f32):
        plsc.store_scatter(outv, [zi + slot],
                           jnp.zeros((L,), jnp.float32) + val_f32, mask=lane0)
    cp = pltpu.make_async_copy(w_ref.at[outi], wbuf, wsem)
    cp.start()
    cp.wait()
    pltpu.sync_copy(outv, scores_ref.at[row])
    pltpu.sync_copy(wbuf, words_ref.at[row])


def _topk_sc(y, w32):
    mesh = plsc.VectorSubcoreMesh(core_axis_name="c", subcore_axis_name="s")
    f = pl.kernel(
        _body,
        out_type=[
            jax.ShapeDtypeStruct((NROWS, OUTP), jnp.int32),
            jax.ShapeDtypeStruct((NROWS, OUTP), jnp.float32),
        ],
        mesh=mesh,
        compiler_params=pltpu.CompilerParams(use_tc_tiling_on_sc=False,
                                             needs_layout_passes=False),
        scratch_types=[
            pltpu.VMEM((CHUNK,), jnp.float32),
            pltpu.VMEM((CHUNK,), jnp.float32),
            pltpu.VMEM((CHUNK,), jnp.float32),
            pltpu.VMEM((NGROUPS * L,), jnp.uint32),
            pltpu.VMEM((NBKT * L,), jnp.int32),
            pltpu.VMEM((NBKT * L,), jnp.int32),
            pltpu.VMEM((NGROUPS + 30,), jnp.int32),
            pltpu.VMEM((GELEMS,), jnp.float32),
            pltpu.VMEM((GELEMS,), jnp.float32),
            pltpu.VMEM((FCAP,), jnp.float32),
            pltpu.VMEM((FCAP,), jnp.int32),
            pltpu.VMEM((OUTP,), jnp.float32),
            pltpu.VMEM((OUTP,), jnp.int32),
            pltpu.VMEM((OUTP,), jnp.int32),
            pltpu.SemaphoreType.DMA,
            pltpu.SemaphoreType.DMA,
            pltpu.SemaphoreType.DMA,
            pltpu.SemaphoreType.DMA,
            pltpu.SemaphoreType.DMA,
            pltpu.SemaphoreType.DMA,
        ],
    )
    return f(y, w32)


def kernel(y_pred, word_ids):
    words_p, scores_p = _topk_sc(y_pred, word_ids.astype(jnp.int32))
    words = words_p[:, :K].astype(word_ids.dtype)
    scores = scores_p[:, :K]
    return (words, scores)

# --- scband reference (transcript-rebuilt; emitter-appended) ---
"""Pipeline reference for scband-top-used-forecasts-layer-63737314673229 (READ-ONLY COPY).

The authoritative reference and input builder live on the scoring server;
editing this copy changes nothing except your own understanding.
"""

import jax, jax.numpy as jnp
import numpy as np

USED = 50
B = 32
VOCAB = 1000000

def setup_inputs(seed: int = 0) -> dict:
    key = jax.random.key(seed)
    k1, _ = jax.random.split(key)
    y_pred = jax.random.normal(k1, (B, VOCAB), dtype=jnp.float32)
    # index_to_word_table: TF StaticHashTable mapping index -> word string.
    # JAX has no string tensors, so we materialize it as an integer word-id table
    # (lookup is the same gather pattern; values are word ids instead of strings).
    word_ids = jnp.arange(VOCAB, dtype=jnp.int64)
    return {"y_pred": y_pred, "word_ids": word_ids}

def reference(y_pred, word_ids):
    # tf.nn.top_k(y_pred, k=used, sorted=True)
    used_pred_scores, used_pred_indices = jax.lax.top_k(y_pred, USED)
    # index_to_word_table.lookup(indices) -> gather from the word table
    used_pred_words = jnp.take(word_ids, used_pred_indices, axis=0)
    # namedtuple(words, scores)
    return (used_pred_words, used_pred_scores)

if __name__ == "__main__":
    import jax
    _d = setup_inputs()
    print(jax.jit(kernel)(*tuple(_d.values())))

</pallas_src>

<mosaic_0001>
#map = affine_map<(d0, d1) -> (0, 0)>
#map1 = affine_map<(d0, d1) -> (0)>
module attributes {stable_mosaic.version = 14 : i64} {
  func.func @_body(%arg0: i32, %arg1: i32, %arg2: memref<32x1000000xf32, #tpu.memory_space<hbm>>, %arg3: memref<1000000xi32, #tpu.memory_space<hbm>>, %arg4: memref<32x64xi32, #tpu.memory_space<hbm>>, %arg5: memref<32x64xf32, #tpu.memory_space<hbm>>, %arg6: memref<20000xf32, #tpu.memory_space<vmem>>, %arg7: memref<20000xf32, #tpu.memory_space<vmem>>, %arg8: memref<20000xf32, #tpu.memory_space<vmem>>, %arg9: memref<20000xi32, #tpu.memory_space<vmem>>, %arg10: memref<4096xi32, #tpu.memory_space<vmem>>, %arg11: memref<4096xi32, #tpu.memory_space<vmem>>, %arg12: memref<1280xi32, #tpu.memory_space<vmem>>, %arg13: memref<800xf32, #tpu.memory_space<vmem>>, %arg14: memref<800xf32, #tpu.memory_space<vmem>>, %arg15: memref<256xf32, #tpu.memory_space<vmem>>, %arg16: memref<256xi32, #tpu.memory_space<vmem>>, %arg17: memref<64xf32, #tpu.memory_space<vmem>>, %arg18: memref<64xi32, #tpu.memory_space<vmem>>, %arg19: memref<64xi32, #tpu.memory_space<vmem>>, %arg20: memref<!tpu.dma_semaphore, #tpu.memory_space<semaphore_mem>>, %arg21: memref<!tpu.dma_semaphore, #tpu.memory_space<semaphore_mem>>, %arg22: memref<!tpu.dma_semaphore, #tpu.memory_space<semaphore_mem>>, %arg23: memref<!tpu.dma_semaphore, #tpu.memory_space<semaphore_mem>>, %arg24: memref<!tpu.dma_semaphore, #tpu.memory_space<semaphore_mem>>, %arg25: memref<!tpu.dma_semaphore, #tpu.memory_space<semaphore_mem>>) attributes {dimension_semantics = [#tpu.dimension_semantics<core_parallel>, #tpu.dimension_semantics<subcore_parallel>], iteration_bounds = array<i64: 2, 16>, scalar_prefetch = 0 : i64, scratch_operands = 20 : i64, tpu.core_type = #tpu.core_type<sc_vector_subcore>, window_params = [{transform_indices = #map}, {transform_indices = #map1}, {transform_indices = #map}, {transform_indices = #map}]} {
    %mul3A = arith.constant 2 : i32
    %mul3A_0 = arith.muli %arg1, %mul3A : i32
    %add3A = arith.addi %mul3A_0, %arg0 : i32
    %iota3A = tpu.iota {dimensions = array<i32: 0>} : vector<16xi32>
    %eq3A = arith.constant 0 : i32
    %eq3A_1 = vector.broadcast %eq3A : i32 to vector<16xi32>
    %eq3A_2 = arith.cmpi eq, %iota3A, %eq3A_1 : vector<16xi32>
    %broadcast_in_dim3A = arith.constant 1 : i32
    %broadcast_in_dim3A_3 = vector.broadcast %broadcast_in_dim3A : i32 to vector<16xi32>
    %broadcast_in_dim3A_4 = arith.constant 0 : i32
    %broadcast_in_dim3A_5 = vector.broadcast %broadcast_in_dim3A_4 : i32 to vector<16xi32>
    %broadcast_in_dim3A_6 = arith.constant 0xFF800000 : f32
    %broadcast_in_dim3A_7 = vector.broadcast %broadcast_in_dim3A_6 : f32 to vector<16xf32>
    %scan3A = arith.constant 0 : i32
    %scan3A_8 = arith.constant 0 : i32
    %scan3A_9 = arith.constant 256 : i32
    %scan3A_10 = arith.addi %scan3A_8, %scan3A_9 : i32
    %scan3A_11 = arith.constant 1 : i32
    %scan3A_12 = scf.for %scan3A_206 = %scan3A_8 to %scan3A_10 step %scan3A_11 iter_args(%scan3A_207 = %scan3A) -> (i32)  : i32 {
      %mul3A_208 = arith.constant 16 : i32
      %mul3A_209 = arith.muli %scan3A_206, %mul3A_208 : i32
      %swap3A_210 = arith.index_cast %mul3A_209 : i32 to index
      %swap3A_211 = tpu.vector_load %arg10[%swap3A_210] {strides = array<i32>} : memref<4096xi32, #tpu.memory_space<vmem>>, vector<16xi32>,
      tpu.vector_store %arg10[%swap3A_210], %broadcast_in_dim3A_5 {strides = array<i32>} : memref<4096xi32, #tpu.memory_space<vmem>>, vector<16xi32>,
      %mul3A_212 = arith.constant 16 : i32
      %mul3A_213 = arith.muli %scan3A_206, %mul3A_212 : i32
      %swap3A_214 = arith.index_cast %mul3A_213 : i32 to index
      %swap3A_215 = tpu.vector_load %arg11[%swap3A_214] {strides = array<i32>} : memref<4096xi32, #tpu.memory_space<vmem>>, vector<16xi32>,
      tpu.vector_store %arg11[%swap3A_214], %broadcast_in_dim3A_5 {strides = array<i32>} : memref<4096xi32, #tpu.memory_space<vmem>>, vector<16xi32>,
      %scan3A_216 = arith.constant 0 : i32
      scf.yield %scan3A_216 : i32
    }
    %scan3A_13 = arith.constant 256 : i32
    %swap3A = arith.constant 0 : index
    %swap3A_14 = tpu.vector_load %arg15[%swap3A] {strides = array<i32>} : memref<256xf32, #tpu.memory_space<vmem>>, vector<16xf32>,
    tpu.vector_store %arg15[%swap3A], %broadcast_in_dim3A_7 {strides = array<i32>} : memref<256xf32, #tpu.memory_space<vmem>>, vector<16xf32>,
    %swap3A_15 = arith.constant 0 : index
    %swap3A_16 = tpu.vector_load %arg16[%swap3A_15] {strides = array<i32>} : memref<256xi32, #tpu.memory_space<vmem>>, vector<16xi32>,
    tpu.vector_store %arg16[%swap3A_15], %broadcast_in_dim3A_5 {strides = array<i32>} : memref<256xi32, #tpu.memory_space<vmem>>, vector<16xi32>,
    %swap3A_17 = arith.constant 16 : index
    %swap3A_18 = tpu.vector_load %arg15[%swap3A_17] {strides = array<i32>} : memref<256xf32, #tpu.memory_space<vmem>>, vector<16xf32>,
    tpu.vector_store %arg15[%swap3A_17], %broadcast_in_dim3A_7 {strides = array<i32>} : memref<256xf32, #tpu.memory_space<vmem>>, vector<16xf32>,
    %swap3A_19 = arith.constant 16 : index
    %swap3A_20 = tpu.vector_load %arg16[%swap3A_19] {strides = array<i32>} : memref<256xi32, #tpu.memory_space<vmem>>, vector<16xi32>,
    tpu.vector_store %arg16[%swap3A_19], %broadcast_in_dim3A_5 {strides = array<i32>} : memref<256xi32, #tpu.memory_space<vmem>>, vector<16xi32>,
    %swap3A_21 = arith.constant 32 : index
    %swap3A_22 = tpu.vector_load %arg15[%swap3A_21] {strides = array<i32>} : memref<256xf32, #tpu.memory_space<vmem>>, vector<16xf32>,
    tpu.vector_store %arg15[%swap3A_21], %broadcast_in_dim3A_7 {strides = array<i32>} : memref<256xf32, #tpu.memory_space<vmem>>, vector<16xf32>,
    %swap3A_23 = arith.constant 32 : index
    %swap3A_24 = tpu.vector_load %arg16[%swap3A_23] {strides = array<i32>} : memref<256xi32, #tpu.memory_space<vmem>>, vector<16xi32>,
    tpu.vector_store %arg16[%swap3A_23], %broadcast_in_dim3A_5 {strides = array<i32>} : memref<256xi32, #tpu.memory_space<vmem>>, vector<16xi32>,
    %swap3A_25 = arith.constant 48 : index
    %swap3A_26 = tpu.vector_load %arg15[%swap3A_25] {strides = array<i32>} : memref<256xf32, #tpu.memory_space<vmem>>, vector<16xf32>,
    tpu.vector_store %arg15[%swap3A_25], %broadcast_in_dim3A_7 {strides = array<i32>} : memref<256xf32, #tpu.memory_space<vmem>>, vector<16xf32>,
    %swap3A_27 = arith.constant 48 : index
    %swap3A_28 = tpu.vector_load %arg16[%swap3A_27] {strides = array<i32>} : memref<256xi32, #tpu.memory_space<vmem>>, vector<16xi32>,
    tpu.vector_store %arg16[%swap3A_27], %broadcast_in_dim3A_5 {strides = array<i32>} : memref<256xi32, #tpu.memory_space<vmem>>, vector<16xi32>,
    %swap3A_29 = arith.constant 64 : index
    %swap3A_30 = tpu.vector_load %arg15[%swap3A_29] {strides = array<i32>} : memref<256xf32, #tpu.memory_space<vmem>>, vector<16xf32>,
    tpu.vector_store %arg15[%swap3A_29], %broadcast_in_dim3A_7 {strides = array<i32>} : memref<256xf32, #tpu.memory_space<vmem>>, vector<16xf32>,
    %swap3A_31 = arith.constant 64 : index
    %swap3A_32 = tpu.vector_load %arg16[%swap3A_31] {strides = array<i32>} : memref<256xi32, #tpu.memory_space<vmem>>, vector<16xi32>,
    tpu.vector_store %arg16[%swap3A_31], %broadcast_in_dim3A_5 {strides = array<i32>} : memref<256xi32, #tpu.memory_space<vmem>>, vector<16xi32>,
    %swap3A_33 = arith.constant 80 : index
    %swap3A_34 = tpu.vector_load %arg15[%swap3A_33] {strides = array<i32>} : memref<256xf32, #tpu.memory_space<vmem>>, vector<16xf32>,
    tpu.vector_store %arg15[%swap3A_33], %broadcast_in_dim3A_7 {strides = array<i32>} : memref<256xf32, #tpu.memory_space<vmem>>, vector<16xf32>,
    %swap3A_35 = arith.constant 80 : index
    %swap3A_36 = tpu.vector_load %arg16[%swap3A_35] {strides = array<i32>} : memref<256xi32, #tpu.memory_space<vmem>>, vector<16xi32>,
    tpu.vector_store %arg16[%swap3A_35], %broadcast_in_dim3A_5 {strides = array<i32>} : memref<256xi32, #tpu.memory_space<vmem>>, vector<16xi32>,
    %swap3A_37 = arith.constant 96 : index
    %swap3A_38 = tpu.vector_load %arg15[%swap3A_37] {strides = array<i32>} : memref<256xf32, #tpu.memory_space<vmem>>, vector<16xf32>,
    tpu.vector_store %arg15[%swap3A_37], %broadcast_in_dim3A_7 {strides = array<i32>} : memref<256xf32, #tpu.memory_space<vmem>>, vector<16xf32>,
    %swap3A_39 = arith.constant 96 : index
    %swap3A_40 = tpu.vector_load %arg16[%swap3A_39] {strides = array<i32>} : memref<256xi32, #tpu.memory_space<vmem>>, vector<16xi32>,
    tpu.vector_store %arg16[%swap3A_39], %broadcast_in_dim3A_5 {strides = array<i32>} : memref<256xi32, #tpu.memory_space<vmem>>, vector<16xi32>,
    %swap3A_41 = arith.constant 112 : index
    %swap3A_42 = tpu.vector_load %arg15[%swap3A_41] {strides = array<i32>} : memref<256xf32, #tpu.memory_space<vmem>>, vector<16xf32>,
    tpu.vector_store %arg15[%swap3A_41], %broadcast_in_dim3A_7 {strides = array<i32>} : memref<256xf32, #tpu.memory_space<vmem>>, vector<16xf32>,
    %swap3A_43 = arith.constant 112 : index
    %swap3A_44 = tpu.vector_load %arg16[%swap3A_43] {strides = array<i32>} : memref<256xi32, #tpu.memory_space<vmem>>, vector<16xi32>,
    tpu.vector_store %arg16[%swap3A_43], %broadcast_in_dim3A_5 {strides = array<i32>} : memref<256xi32, #tpu.memory_space<vmem>>, vector<16xi32>,
    %swap3A_45 = arith.constant 128 : index
    %swap3A_46 = tpu.vector_load %arg15[%swap3A_45] {strides = array<i32>} : memref<256xf32, #tpu.memory_space<vmem>>, vector<16xf32>,
    tpu.vector_store %arg15[%swap3A_45], %broadcast_in_dim3A_7 {strides = array<i32>} : memref<256xf32, #tpu.memory_space<vmem>>, vector<16xf32>,
    %swap3A_47 = arith.constant 128 : index
    %swap3A_48 = tpu.vector_load %arg16[%swap3A_47] {strides = array<i32>} : memref<256xi32, #tpu.memory_space<vmem>>, vector<16xi32>,
    tpu.vector_store %arg16[%swap3A_47], %broadcast_in_dim3A_5 {strides = array<i32>} : memref<256xi32, #tpu.memory_space<vmem>>, vector<16xi32>,
    %swap3A_49 = arith.constant 144 : index
    %swap3A_50 = tpu.vector_load %arg15[%swap3A_49] {strides = array<i32>} : memref<256xf32, #tpu.memory_space<vmem>>, vector<16xf32>,
    tpu.vector_store %arg15[%swap3A_49], %broadcast_in_dim3A_7 {strides = array<i32>} : memref<256xf32, #tpu.memory_space<vmem>>, vector<16xf32>,
    %swap3A_51 = arith.constant 144 : index
    %swap3A_52 = tpu.vector_load %arg16[%swap3A_51] {strides = array<i32>} : memref<256xi32, #tpu.memory_space<vmem>>, vector<16xi32>,
    tpu.vector_store %arg16[%swap3A_51], %broadcast_in_dim3A_5 {strides = array<i32>} : memref<256xi32, #tpu.memory_space<vmem>>, vector<16xi32>,
    %swap3A_53 = arith.constant 160 : index
    %swap3A_54 = tpu.vector_load %arg15[%swap3A_53] {strides = array<i32>} : memref<256xf32, #tpu.memory_space<vmem>>, vector<16xf32>,
    tpu.vector_store %arg15[%swap3A_53], %broadcast_in_dim3A_7 {strides = array<i32>} : memref<256xf32, #tpu.memory_space<vmem>>, vector<16xf32>,
    %swap3A_55 = arith.constant 160 : index
    %swap3A_56 = tpu.vector_load %arg16[%swap3A_55] {strides = array<i32>} : memref<256xi32, #tpu.memory_space<vmem>>, vector<16xi32>,
    tpu.vector_store %arg16[%swap3A_55], %broadcast_in_dim3A_5 {strides = array<i32>} : memref<256xi32, #tpu.memory_space<vmem>>, vector<16xi32>,
    %swap3A_57 = arith.constant 176 : index
    %swap3A_58 = tpu.vector_load %arg15[%swap3A_57] {strides = array<i32>} : memref<256xf32, #tpu.memory_space<vmem>>, vector<16xf32>,
    tpu.vector_store %arg15[%swap3A_57], %broadcast_in_dim3A_7 {strides = array<i32>} : memref<256xf32, #tpu.memory_space<vmem>>, vector<16xf32>,
    %swap3A_59 = arith.constant 176 : index
    %swap3A_60 = tpu.vector_load %arg16[%swap3A_59] {strides = array<i32>} : memref<256xi32, #tpu.memory_space<vmem>>, vector<16xi32>,
    tpu.vector_store %arg16[%swap3A_59], %broadcast_in_dim3A_5 {strides = array<i32>} : memref<256xi32, #tpu.memory_space<vmem>>, vector<16xi32>,
    %swap3A_61 = arith.constant 192 : index
    %swap3A_62 = tpu.vector_load %arg15[%swap3A_61] {strides = array<i32>} : memref<256xf32, #tpu.memory_space<vmem>>, vector<16xf32>,
    tpu.vector_store %arg15[%swap3A_61], %broadcast_in_dim3A_7 {strides = array<i32>} : memref<256xf32, #tpu.memory_space<vmem>>, vector<16xf32>,
    %swap3A_63 = arith.constant 192 : index
    %swap3A_64 = tpu.vector_load %arg16[%swap3A_63] {strides = array<i32>} : memref<256xi32, #tpu.memory_space<vmem>>, vector<16xi32>,
    tpu.vector_store %arg16[%swap3A_63], %broadcast_in_dim3A_5 {strides = array<i32>} : memref<256xi32, #tpu.memory_space<vmem>>, vector<16xi32>,
    %swap3A_65 = arith.constant 208 : index
    %swap3A_66 = tpu.vector_load %arg15[%swap3A_65] {strides = array<i32>} : memref<256xf32, #tpu.memory_space<vmem>>, vector<16xf32>,
    tpu.vector_store %arg15[%swap3A_65], %broadcast_in_dim3A_7 {strides = array<i32>} : memref<256xf32, #tpu.memory_space<vmem>>, vector<16xf32>,
    %swap3A_67 = arith.constant 208 : index
    %swap3A_68 = tpu.vector_load %arg16[%swap3A_67] {strides = array<i32>} : memref<256xi32, #tpu.memory_space<vmem>>, vector<16xi32>,
    tpu.vector_store %arg16[%swap3A_67], %broadcast_in_dim3A_5 {strides = array<i32>} : memref<256xi32, #tpu.memory_space<vmem>>, vector<16xi32>,
    %swap3A_69 = arith.constant 224 : index
    %swap3A_70 = tpu.vector_load %arg15[%swap3A_69] {strides = array<i32>} : memref<256xf32, #tpu.memory_space<vmem>>, vector<16xf32>,
    tpu.vector_store %arg15[%swap3A_69], %broadcast_in_dim3A_7 {strides = array<i32>} : memref<256xf32, #tpu.memory_space<vmem>>, vector<16xf32>,
    %swap3A_71 = arith.constant 224 : index
    %swap3A_72 = tpu.vector_load %arg16[%swap3A_71] {strides = array<i32>} : memref<256xi32, #tpu.memory_space<vmem>>, vector<16xi32>,
    tpu.vector_store %arg16[%swap3A_71], %broadcast_in_dim3A_5 {strides = array<i32>} : memref<256xi32, #tpu.memory_space<vmem>>, vector<16xi32>,
    %swap3A_73 = arith.constant 240 : index
    %swap3A_74 = tpu.vector_load %arg15[%swap3A_73] {strides = array<i32>} : memref<256xf32, #tpu.memory_space<vmem>>, vector<16xf32>,
    tpu.vector_store %arg15[%swap3A_73], %broadcast_in_dim3A_7 {strides = array<i32>} : memref<256xf32, #tpu.memory_space<vmem>>, vector<16xf32>,
    %swap3A_75 = arith.constant 240 : index
    %swap3A_76 = tpu.vector_load %arg16[%swap3A_75] {strides = array<i32>} : memref<256xi32, #tpu.memory_space<vmem>>, vector<16xi32>,
    tpu.vector_store %arg16[%swap3A_75], %broadcast_in_dim3A_5 {strides = array<i32>} : memref<256xi32, #tpu.memory_space<vmem>>, vector<16xi32>,
    %broadcast_in_dim3A_77 = arith.constant 0.000000e+00 : f32
    %broadcast_in_dim3A_78 = vector.broadcast %broadcast_in_dim3A_77 : f32 to vector<16xf32>
    %swap3A_79 = arith.constant 0 : index
    %swap3A_80 = tpu.vector_load %arg17[%swap3A_79] {strides = array<i32>} : memref<64xf32, #tpu.memory_space<vmem>>, vector<16xf32>,
    tpu.vector_store %arg17[%swap3A_79], %broadcast_in_dim3A_78 {strides = array<i32>} : memref<64xf32, #tpu.memory_space<vmem>>, vector<16xf32>,
    %swap3A_81 = arith.constant 0 : index
    %swap3A_82 = tpu.vector_load %arg18[%swap3A_81] {strides = array<i32>} : memref<64xi32, #tpu.memory_space<vmem>>, vector<16xi32>,
    tpu.vector_store %arg18[%swap3A_81], %broadcast_in_dim3A_5 {strides = array<i32>} : memref<64xi32, #tpu.memory_space<vmem>>, vector<16xi32>,
    %broadcast_in_dim3A_83 = arith.constant 0.000000e+00 : f32
    %broadcast_in_dim3A_84 = vector.broadcast %broadcast_in_dim3A_83 : f32 to vector<16xf32>
    %swap3A_85 = arith.constant 16 : index
    %swap3A_86 = tpu.vector_load %arg17[%swap3A_85] {strides = array<i32>} : memref<64xf32, #tpu.memory_space<vmem>>, vector<16xf32>,
    tpu.vector_store %arg17[%swap3A_85], %broadcast_in_dim3A_84 {strides = array<i32>} : memref<64xf32, #tpu.memory_space<vmem>>, vector<16xf32>,
    %swap3A_87 = arith.constant 16 : index
    %swap3A_88 = tpu.vector_load %arg18[%swap3A_87] {strides = array<i32>} : memref<64xi32, #tpu.memory_space<vmem>>, vector<16xi32>,
    tpu.vector_store %arg18[%swap3A_87], %broadcast_in_dim3A_5 {strides = array<i32>} : memref<64xi32, #tpu.memory_space<vmem>>, vector<16xi32>,
    %broadcast_in_dim3A_89 = arith.constant 0.000000e+00 : f32
    %broadcast_in_dim3A_90 = vector.broadcast %broadcast_in_dim3A_89 : f32 to vector<16xf32>
    %swap3A_91 = arith.constant 32 : index
    %swap3A_92 = tpu.vector_load %arg17[%swap3A_91] {strides = array<i32>} : memref<64xf32, #tpu.memory_space<vmem>>, vector<16xf32>,
    tpu.vector_store %arg17[%swap3A_91], %broadcast_in_dim3A_90 {strides = array<i32>} : memref<64xf32, #tpu.memory_space<vmem>>, vector<16xf32>,
    %swap3A_93 = arith.constant 32 : index
    %swap3A_94 = tpu.vector_load %arg18[%swap3A_93] {strides = array<i32>} : memref<64xi32, #tpu.memory_space<vmem>>, vector<16xi32>,
    tpu.vector_store %arg18[%swap3A_93], %broadcast_in_dim3A_5 {strides = array<i32>} : memref<64xi32, #tpu.memory_space<vmem>>, vector<16xi32>,
    %broadcast_in_dim3A_95 = arith.constant 0.000000e+00 : f32
    %broadcast_in_dim3A_96 = vector.broadcast %broadcast_in_dim3A_95 : f32 to vector<16xf32>
    %swap3A_97 = arith.constant 48 : index
    %swap3A_98 = tpu.vector_load %arg17[%swap3A_97] {strides = array<i32>} : memref<64xf32, #tpu.memory_space<vmem>>, vector<16xf32>,
    tpu.vector_store %arg17[%swap3A_97], %broadcast_in_dim3A_96 {strides = array<i32>} : memref<64xf32, #tpu.memory_space<vmem>>, vector<16xf32>,
    %swap3A_99 = arith.constant 48 : index
    %swap3A_100 = tpu.vector_load %arg18[%swap3A_99] {strides = array<i32>} : memref<64xi32, #tpu.memory_space<vmem>>, vector<16xi32>,
    tpu.vector_store %arg18[%swap3A_99], %broadcast_in_dim3A_5 {strides = array<i32>} : memref<64xi32, #tpu.memory_space<vmem>>, vector<16xi32>,
    %dma_start3A = arith.constant 0 : i32
    %dma_start3A_101 = tpu.memref_slice %arg2[%add3A, %dma_start3A] : memref<32x1000000xf32, #tpu.memory_space<hbm>> -> memref<1x20000xf32, #tpu.memory_space<hbm>>
    %dma_start3A_102 = tpu.memref_squeeze %dma_start3A_101 : memref<1x20000xf32, #tpu.memory_space<hbm>> -> memref<20000xf32, #tpu.memory_space<hbm>>
    %dma_start3A_103 = arith.constant 0 : i32
    %dma_start3A_104 = tpu.memref_slice %arg2[%add3A, %dma_start3A_103] : memref<32x1000000xf32, #tpu.memory_space<hbm>> -> memref<1x20000xf32, #tpu.memory_space<hbm>>
    %dma_start3A_105 = tpu.memref_squeeze %dma_start3A_104 : memref<1x20000xf32, #tpu.memory_space<hbm>> -> memref<20000xf32, #tpu.memory_space<hbm>>
    tpu.enqueue_dma source(%dma_start3A_105 : memref<20000xf32, #tpu.memory_space<hbm>>) target(%arg6 : memref<20000xf32, #tpu.memory_space<vmem>>) target_semaphore(%arg20 : memref<!tpu.dma_semaphore, #tpu.memory_space<semaphore_mem>>)
    %dma_start3A_106 = arith.constant 20000 : i32
    %dma_start3A_107 = tpu.memref_slice %arg2[%add3A, %dma_start3A_106] : memref<32x1000000xf32, #tpu.memory_space<hbm>> -> memref<1x20000xf32, #tpu.memory_space<hbm>>
    %dma_start3A_108 = tpu.memref_squeeze %dma_start3A_107 : memref<1x20000xf32, #tpu.memory_space<hbm>> -> memref<20000xf32, #tpu.memory_space<hbm>>
    %dma_start3A_109 = arith.constant 20000 : i32
    %dma_start3A_110 = tpu.memref_slice %arg2[%add3A, %dma_start3A_109] : memref<32x1000000xf32, #tpu.memory_space<hbm>> -> memref<1x20000xf32, #tpu.memory_space<hbm>>
    %dma_start3A_111 = tpu.memref_squeeze %dma_start3A_110 : memref<1x20000xf32, #tpu.memory_space<hbm>> -> memref<20000xf32, #tpu.memory_space<hbm>>
    tpu.enqueue_dma source(%dma_start3A_111 : memref<20000xf32, #tpu.memory_space<hbm>>) target(%arg7 : memref<20000xf32, #tpu.memory_space<vmem>>) target_semaphore(%arg21 : memref<!tpu.dma_semaphore, #tpu.memory_space<semaphore_mem>>)
    %dma_wait3A = arith.constant 0 : i32
    %dma_wait3A_112 = tpu.memref_slice %arg2[%add3A, %dma_wait3A] : memref<32x1000000xf32, #tpu.memory_space<hbm>> -> memref<1x20000xf32, #tpu.memory_space<hbm>>
    %dma_wait3A_113 = tpu.memref_squeeze %dma_wait3A_112 : memref<1x20000xf32, #tpu.memory_space<hbm>> -> memref<20000xf32, #tpu.memory_space<hbm>>
    %dma_wait3A_114 = arith.constant 0 : i32
    %dma_wait3A_115 = tpu.memref_slice %arg2[%add3A, %dma_wait3A_114] : memref<32x1000000xf32, #tpu.memory_space<hbm>> -> memref<1x20000xf32, #tpu.memory_space<hbm>>
    %dma_wait3A_116 = tpu.memref_squeeze %dma_wait3A_115 : memref<1x20000xf32, #tpu.memory_space<hbm>> -> memref<20000xf32, #tpu.memory_space<hbm>>
    tpu.wait_dma2 semaphore(%arg20 : memref<!tpu.dma_semaphore, #tpu.memory_space<semaphore_mem>>) src(%dma_wait3A_116 : memref<20000xf32, #tpu.memory_space<hbm>>) dst(%arg6 : memref<20000xf32, #tpu.memory_space<vmem>>)
    %scan3A_117 = arith.constant 0 : i32
    %scan3A_118 = arith.constant 0 : i32
    %scan3A_119 = arith.constant 17 : i32
    %scan3A_120 = arith.addi %scan3A_118, %scan3A_119 : i32
    %scan3A_121 = arith.constant 1 : i32
    %scan3A_122 = scf.for %scan3A_206 = %scan3A_118 to %scan3A_120 step %scan3A_121 iter_args(%scan3A_207 = %scan3A_117) -> (i32)  : i32 {
      %mul3A_208 = arith.constant 3 : i32
      %mul3A_209 = arith.muli %mul3A_208, %scan3A_206 : i32
      %add3A_210 = arith.constant 0 : i32
      %add3A_211 = arith.addi %mul3A_209, %add3A_210 : i32
      %add3A_212 = arith.constant 1 : i32
      %add3A_213 = arith.addi %add3A_211, %add3A_212 : i32
      %lt3A = arith.constant 50 : i32
      %lt3A_214 = arith.cmpi slt, %add3A_213, %lt3A : i32
      %convert_element_type3A_215 = arith.extui %lt3A_214 : i1 to i32
      %cond3A_216 = arith.constant 0 : i32
      %cond3A_217 = arith.cmpi ne, %convert_element_type3A_215, %cond3A_216 : i32
      scf.if %cond3A_217 {
        %dma_wait3A_277 = arith.constant 0 : i32
        %dma_wait3A_278 = tpu.memref_slice %arg2[%add3A, %dma_wait3A_277] : memref<32x1000000xf32, #tpu.memory_space<hbm>> -> memref<1x20000xf32, #tpu.memory_space<hbm>>
        %dma_wait3A_279 = tpu.memref_squeeze %dma_wait3A_278 : memref<1x20000xf32, #tpu.memory_space<hbm>> -> memref<20000xf32, #tpu.memory_space<hbm>>
        %dma_wait3A_280 = arith.constant 0 : i32
        %dma_wait3A_281 = tpu.memref_slice %arg2[%add3A, %dma_wait3A_280] : memref<32x1000000xf32, #tpu.memory_space<hbm>> -> memref<1x20000xf32, #tpu.memory_space<hbm>>
        %dma_wait3A_282 = tpu.memref_squeeze %dma_wait3A_281 : memref<1x20000xf32, #tpu.memory_space<hbm>> -> memref<20000xf32, #tpu.memory_space<hbm>>
        tpu.wait_dma2 semaphore(%arg21 : memref<!tpu.dma_semaphore, #tpu.memory_space<semaphore_mem>>) src(%dma_wait3A_282 : memref<20000xf32, #tpu.memory_space<hbm>>) dst(%arg7 : memref<20000xf32, #tpu.memory_space<vmem>>)
      } else {
      }
      %add3A_218 = arith.constant 2 : i32
      %add3A_219 = arith.addi %add3A_211, %add3A_218 : i32
      %lt3A_220 = arith.constant 50 : i32
      %lt3A_221 = arith.cmpi slt, %add3A_219, %lt3A_220 : i32
      %convert_element_type3A_222 = arith.extui %lt3A_221 : i1 to i32
      %cond3A_223 = arith.constant 0 : i32
      %cond3A_224 = arith.cmpi ne, %convert_element_type3A_222, %cond3A_223 : i32
      scf.if %cond3A_224 {
        %add3A_277 = arith.constant 2 : i32
        %add3A_278 = arith.addi %add3A_211, %add3A_277 : i32
        %mul3A_279 = arith.constant 20000 : i32
        %mul3A_280 = arith.muli %add3A_278, %mul3A_279 : i32
        %dma_start3A_281 = tpu.memref_slice %arg2[%add3A, %mul3A_280] : memref<32x1000000xf32, #tpu.memory_space<hbm>> -> memref<1x20000xf32, #tpu.memory_space<hbm>>
        %dma_start3A_282 = tpu.memref_squeeze %dma_start3A_281 : memref<1x20000xf32, #tpu.memory_space<hbm>> -> memref<20000xf32, #tpu.memory_space<hbm>>
        %dma_start3A_283 = tpu.memref_slice %arg2[%add3A, %mul3A_280] : memref<32x1000000xf32, #tpu.memory_space<hbm>> -> memref<1x20000xf32, #tpu.memory_space<hbm>>
        %dma_start3A_284 = tpu.memref_squeeze %dma_start3A_283 : memref<1x20000xf32, #tpu.memory_space<hbm>> -> memref<20000xf32, #tpu.memory_space<hbm>>
        tpu.enqueue_dma source(%dma_start3A_284 : memref<20000xf32, #tpu.memory_space<hbm>>) target(%arg8 : memref<20000xf32, #tpu.memory_space<vmem>>) target_semaphore(%arg22 : memref<!tpu.dma_semaphore, #tpu.memory_space<semaphore_mem>>)
      } else {
      }
      %lt3A_225 = arith.constant 50 : i32
      %lt3A_226 = arith.cmpi slt, %add3A_211, %lt3A_225 : i32
      %convert_element_type3A_227 = arith.extui %lt3A_226 : i1 to i32
      %cond3A_228 = arith.constant 0 : i32
      %cond3A_229 = arith.cmpi ne, %convert_element_type3A_227, %cond3A_228 : i32
      scf.if %cond3A_229 {
        %scan3A_277 = arith.constant 0 : i32
        %scan3A_278 = arith.constant 0 : i32
        %scan3A_279 = arith.constant 25 : i32
        %scan3A_280 = arith.addi %scan3A_278, %scan3A_279 : i32
        %scan3A_281 = arith.constant 1 : i32
        %scan3A_282 = scf.for %scan3A_284 = %scan3A_278 to %scan3A_280 step %scan3A_281 iter_args(%scan3A_285 = %scan3A_277) -> (i32)  : i32 {
          %mul3A_286 = arith.constant 800 : i32
          %mul3A_287 = arith.muli %scan3A_284, %mul3A_286 : i32
          %get3A = arith.index_cast %mul3A_287 : i32 to index
          %get3A_288 = tpu.vector_load %arg6[%get3A] {strides = array<i32>} : memref<20000xf32, #tpu.memory_space<vmem>>, vector<16xf32>,
          %add3A_289 = arith.constant 16 : i32
          %add3A_290 = arith.addi %mul3A_287, %add3A_289 : i32
          %get3A_291 = arith.index_cast %add3A_290 : i32 to index
          %get3A_292 = tpu.vector_load %arg6[%get3A_291] {strides = array<i32>} : memref<20000xf32, #tpu.memory_space<vmem>>, vector<16xf32>,
          %add3A_293 = arith.constant 32 : i32
          %add3A_294 = arith.addi %mul3A_287, %add3A_293 : i32
          %get3A_295 = arith.index_cast %add3A_294 : i32 to index
          %get3A_296 = tpu.vector_load %arg6[%get3A_295] {strides = array<i32>} : memref<20000xf32, #tpu.memory_space<vmem>>, vector<16xf32>,
          %max3A = arith.maximumf %get3A_288, %get3A_296 : vector<16xf32>
          %add3A_297 = arith.constant 48 : i32
          %add3A_298 = arith.addi %mul3A_287, %add3A_297 : i32
          %get3A_299 = arith.index_cast %add3A_298 : i32 to index
          %get3A_300 = tpu.vector_load %arg6[%get3A_299] {strides = array<i32>} : memref<20000xf32, #tpu.memory_space<vmem>>, vector<16xf32>,
          %max3A_301 = arith.maximumf %get3A_292, %get3A_300 : vector<16xf32>
          %add3A_302 = arith.constant 64 : i32
          %add3A_303 = arith.addi %mul3A_287, %add3A_302 : i32
          %get3A_304 = arith.index_cast %add3A_303 : i32 to index
          %get3A_305 = tpu.vector_load %arg6[%get3A_304] {strides = array<i32>} : memref<20000xf32, #tpu.memory_space<vmem>>, vector<16xf32>,
          %max3A_306 = arith.maximumf %max3A, %get3A_305 : vector<16xf32>
          %add3A_307 = arith.constant 80 : i32
          %add3A_308 = arith.addi %mul3A_287, %add3A_307 : i32
          %get3A_309 = arith.index_cast %add3A_308 : i32 to index
          %get3A_310 = tpu.vector_load %arg6[%get3A_309] {strides = array<i32>} : memref<20000xf32, #tpu.memory_space<vmem>>, vector<16xf32>,
          %max3A_311 = arith.maximumf %max3A_301, %get3A_310 : vector<16xf32>
          %add3A_312 = arith.constant 96 : i32
          %add3A_313 = arith.addi %mul3A_287, %add3A_312 : i32
          %get3A_314 = arith.index_cast %add3A_313 : i32 to index
          %get3A_315 = tpu.vector_load %arg6[%get3A_314] {strides = array<i32>} : memref<20000xf32, #tpu.memory_space<vmem>>, vector<16xf32>,
          %max3A_316 = arith.maximumf %max3A_306, %get3A_315 : vector<16xf32>
          %add3A_317 = arith.constant 112 : i32
          %add3A_318 = arith.addi %mul3A_287, %add3A_317 : i32
          %get3A_319 = arith.index_cast %add3A_318 : i32 to index
          %get3A_320 = tpu.vector_load %arg6[%get3A_319] {strides = array<i32>} : memref<20000xf32, #tpu.memory_space<vmem>>, vector<16xf32>,
          %max3A_321 = arith.maximumf %max3A_311, %get3A_320 : vector<16xf32>
          %add3A_322 = arith.constant 128 : i32
          %add3A_323 = arith.addi %mul3A_287, %add3A_322 : i32
          %get3A_324 = arith.index_cast %add3A_323 : i32 to index
          %get3A_325 = tpu.vector_load %arg6[%get3A_324] {strides = array<i32>} : memref<20000xf32, #tpu.memory_space<vmem>>, vector<16xf32>,
          %max3A_326 = arith.maximumf %max3A_316, %get3A_325 : vector<16xf32>
          %add3A_327 = arith.constant 144 : i32
          %add3A_328 = arith.addi %mul3A_287, %add3A_327 : i32
          %get3A_329 = arith.index_cast %add3A_328 : i32 to index
          %get3A_330 = tpu.vector_load %arg6[%get3A_329] {strides = array<i32>} : memref<20000xf32, #tpu.memory_space<vmem>>, vector<16xf32>,
          %max3A_331 = arith.maximumf %max3A_321, %get3A_330 : vector<16xf32>
          %add3A_332 = arith.constant 160 : i32
          %add3A_333 = arith.addi %mul3A_287, %add3A_332 : i32
          %get3A_334 = arith.index_cast %add3A_333 : i32 to index
          %get3A_335 = tpu.vector_load %arg6[%get3A_334] {strides = array<i32>} : memref<20000xf32, #tpu.memory_space<vmem>>, vector<16xf32>,
          %max3A_336 = arith.maximumf %max3A_326, %get3A_335 : vector<16xf32>
          %add3A_337 = arith.constant 176 : i32
          %add3A_338 = arith.addi %mul3A_287, %add3A_337 : i32
          %get3A_339 = arith.index_cast %add3A_338 : i32 to index
          %get3A_340 = tpu.vector_load %arg6[%get3A_339] {strides = array<i32>} : memref<20000xf32, #tpu.memory_space<vmem>>, vector<16xf32>,
          %max3A_341 = arith.maximumf %max3A_331, %get3A_340 : vector<16xf32>
          %add3A_342 = arith.constant 192 : i32
          %add3A_343 = arith.addi %mul3A_287, %add3A_342 : i32
          %get3A_344 = arith.index_cast %add3A_343 : i32 to index
          %get3A_345 = tpu.vector_load %arg6[%get3A_344] {strides = array<i32>} : memref<20000xf32, #tpu.memory_space<vmem>>, vector<16xf32>,
          %max3A_346 = arith.maximumf %max3A_336, %get3A_345 : vector<16xf32>
          %add3A_347 = arith.constant 208 : i32
          %add3A_348 = arith.addi %mul3A_287, %add3A_347 : i32
          %get3A_349 = arith.index_cast %add3A_348 : i32 to index
          %get3A_350 = tpu.vector_load %arg6[%get3A_349] {strides = array<i32>} : memref<20000xf32, #tpu.memory_space<vmem>>, vector<16xf32>,
          %max3A_351 = arith.maximumf %max3A_341, %get3A_350 : vector<16xf32>
          %add3A_352 = arith.constant 224 : i32
          %add3A_353 = arith.addi %mul3A_287, %add3A_352 : i32
          %get3A_354 = arith.index_cast %add3A_353 : i32 to index
          %get3A_355 = tpu.vector_load %arg6[%get3A_354] {strides = array<i32>} : memref<20000xf32, #tpu.memory_space<vmem>>, vector<16xf32>,
          %max3A_356 = arith.maximumf %max3A_346, %get3A_355 : vector<16xf32>
          %add3A_357 = arith.constant 240 : i32
          %add3A_358 = arith.addi %mul3A_287, %add3A_357 : i32
          %get3A_359 = arith.index_cast %add3A_358 : i32 to index
          %get3A_360 = tpu.vector_load %arg6[%get3A_359] {strides = array<i32>} : memref<20000xf32, #tpu.memory_space<vmem>>, vector<16xf32>,
          %max3A_361 = arith.maximumf %max3A_351, %get3A_360 : vector<16xf32>
          %add3A_362 = arith.constant 256 : i32
          %add3A_363 = arith.addi %mul3A_287, %add3A_362 : i32
          %get3A_364 = arith.index_cast %add3A_363 : i32 to index
          %get3A_365 = tpu.vector_load %arg6[%get3A_364] {strides = array<i32>} : memref<20000xf32, #tpu.memory_space<vmem>>, vector<16xf32>,
          %max3A_366 = arith.maximumf %max3A_356, %get3A_365 : vector<16xf32>
          %add3A_367 = arith.constant 272 : i32
          %add3A_368 = arith.addi %mul3A_287, %add3A_367 : i32
          %get3A_369 = arith.index_cast %add3A_368 : i32 to index
          %get3A_370 = tpu.vector_load %arg6[%get3A_369] {strides = array<i32>} : memref<20000xf32, #tpu.memory_space<vmem>>, vector<16xf32>,
          %max3A_371 = arith.maximumf %max3A_361, %get3A_370 : vector<16xf32>
          %add3A_372 = arith.constant 288 : i32
          %add3A_373 = arith.addi %mul3A_287, %add3A_372 : i32
          %get3A_374 = arith.index_cast %add3A_373 : i32 to index
          %get3A_375 = tpu.vector_load %arg6[%get3A_374] {strides = array<i32>} : memref<20000xf32, #tpu.memory_space<vmem>>, vector<16xf32>,
          %max3A_376 = arith.maximumf %max3A_366, %get3A_375 : vector<16xf32>
          %add3A_377 = arith.constant 304 : i32
          %add3A_378 = arith.addi %mul3A_287, %add3A_377 : i32
          %get3A_379 = arith.index_cast %add3A_378 : i32 to index
          %get3A_380 = tpu.vector_load %arg6[%get3A_379] {strides = array<i32>} : memref<20000xf32, #tpu.memory_space<vmem>>, vector<16xf32>,
          %max3A_381 = arith.maximumf %max3A_371, %get3A_380 : vector<16xf32>
          %add3A_382 = arith.constant 320 : i32
          %add3A_383 = arith.addi %mul3A_287, %add3A_382 : i32
          %get3A_384 = arith.index_cast %add3A_383 : i32 to index
          %get3A_385 = tpu.vector_load %arg6[%get3A_384] {strides = array<i32>} : memref<20000xf32, #tpu.memory_space<vmem>>, vector<16xf32>,
          %max3A_386 = arith.maximumf %max3A_376, %get3A_385 : vector<16xf32>
          %add3A_387 = arith.constant 336 : i32
          %add3A_388 = arith.addi %mul3A_287, %add3A_387 : i32
          %get3A_389 = arith.index_cast %add3A_388 : i32 to index
          %get3A_390 = tpu.vector_load %arg6[%get3A_389] {strides = array<i32>} : memref<20000xf32, #tpu.memory_space<vmem>>, vector<16xf32>,
          %max3A_391 = arith.maximumf %max3A_381, %get3A_390 : vector<16xf32>
          %add3A_392 = arith.constant 352 : i32
          %add3A_393 = arith.addi %mul3A_287, %add3A_392 : i32
          %get3A_394 = arith.index_cast %add3A_393 : i32 to index
          %get3A_395 = tpu.vector_load %arg6[%get3A_394] {strides = array<i32>} : memref<20000xf32, #tpu.memory_space<vmem>>, vector<16xf32>,
          %max3A_396 = arith.maximumf %max3A_386, %get3A_395 : vector<16xf32>
          %add3A_397 = arith.constant 368 : i32
          %add3A_398 = arith.addi %mul3A_287, %add3A_397 : i32
          %get3A_399 = arith.index_cast %add3A_398 : i32 to index
          %get3A_400 = tpu.vector_load %arg6[%get3A_399] {strides = array<i32>} : memref<20000xf32, #tpu.memory_space<vmem>>, vector<16xf32>,
          %max3A_401 = arith.maximumf %max3A_391, %get3A_400 : vector<16xf32>
          %add3A_402 = arith.constant 384 : i32
          %add3A_403 = arith.addi %mul3A_287, %add3A_402 : i32
          %get3A_404 = arith.index_cast %add3A_403 : i32 to index
          %get3A_405 = tpu.vector_load %arg6[%get3A_404] {strides = array<i32>} : memref<20000xf32, #tpu.memory_space<vmem>>, vector<16xf32>,
          %max3A_406 = arith.maximumf %max3A_396, %get3A_405 : vector<16xf32>
          %add3A_407 = arith.constant 400 : i32
          %add3A_408 = arith.addi %mul3A_287, %add3A_407 : i32
          %get3A_409 = arith.index_cast %add3A_408 : i32 to index
          %get3A_410 = tpu.vector_load %arg6[%get3A_409] {strides = array<i32>} : memref<20000xf32, #tpu.memory_space<vmem>>, vector<16xf32>,
          %max3A_411 = arith.maximumf %max3A_401, %get3A_410 : vector<16xf32>
          %add3A_412 = arith.constant 416 : i32
          %add3A_413 = arith.addi %mul3A_287, %add3A_412 : i32
          %get3A_414 = arith.index_cast %add3A_413 : i32 to index
          %get3A_415 = tpu.vector_load %arg6[%get3A_414] {strides = array<i32>} : memref<20000xf32, #tpu.memory_space<vmem>>, vector<16xf32>,
          %max3A_416 = arith.maximumf %max3A_406, %get3A_415 : vector<16xf32>
          %add3A_417 = arith.constant 432 : i32
          %add3A_418 = arith.addi %mul3A_287, %add3A_417 : i32
          %get3A_419 = arith.index_cast %add3A_418 : i32 to index
          %get3A_420 = tpu.vector_load %arg6[%get3A_419] {strides = array<i32>} : memref<20000xf32, #tpu.memory_space<vmem>>, vector<16xf32>,
          %max3A_421 = arith.maximumf %max3A_411, %get3A_420 : vector<16xf32>
          %add3A_422 = arith.constant 448 : i32
          %add3A_423 = arith.addi %mul3A_287, %add3A_422 : i32
          %get3A_424 = arith.index_cast %add3A_423 : i32 to index
          %get3A_425 = tpu.vector_load %arg6[%get3A_424] {strides = array<i32>} : memref<20000xf32, #tpu.memory_space<vmem>>, vector<16xf32>,
          %max3A_426 = arith.maximumf %max3A_416, %get3A_425 : vector<16xf32>
          %add3A_427 = arith.constant 464 : i32
          %add3A_428 = arith.addi %mul3A_287, %add3A_427 : i32
          %get3A_429 = arith.index_cast %add3A_428 : i32 to index
          %get3A_430 = tpu.vector_load %arg6[%get3A_429] {strides = array<i32>} : memref<20000xf32, #tpu.memory_space<vmem>>, vector<16xf32>,
          %max3A_431 = arith.maximumf %max3A_421, %get3A_430 : vector<16xf32>
          %add3A_432 = arith.constant 480 : i32
          %add3A_433 = arith.addi %mul3A_287, %add3A_432 : i32
          %get3A_434 = arith.index_cast %add3A_433 : i32 to index
          %get3A_435 = tpu.vector_load %arg6[%get3A_434] {strides = array<i32>} : memref<20000xf32, #tpu.memory_space<vmem>>, vector<16xf32>,
          %max3A_436 = arith.maximumf %max3A_426, %get3A_435 : vector<16xf32>
          %add3A_437 = arith.constant 496 : i32
          %add3A_438 = arith.addi %mul3A_287, %add3A_437 : i32
          %get3A_439 = arith.index_cast %add3A_438 : i32 to index
          %get3A_440 = tpu.vector_load %arg6[%get3A_439] {strides = array<i32>} : memref<20000xf32, #tpu.memory_space<vmem>>, vector<16xf32>,
          %max3A_441 = arith.maximumf %max3A_431, %get3A_440 : vector<16xf32>
          %add3A_442 = arith.constant 512 : i32
          %add3A_443 = arith.addi %mul3A_287, %add3A_442 : i32
          %get3A_444 = arith.index_cast %add3A_443 : i32 to index
          %get3A_445 = tpu.vector_load %arg6[%get3A_444] {strides = array<i32>} : memref<20000xf32, #tpu.memory_space<vmem>>, vector<16xf32>,
          %max3A_446 = arith.maximumf %max3A_436, %get3A_445 : vector<16xf32>
          %add3A_447 = arith.constant 528 : i32
          %add3A_448 = arith.addi %mul3A_287, %add3A_447 : i32
          %get3A_449 = arith.index_cast %add3A_448 : i32 to index
          %get3A_450 = tpu.vector_load %arg6[%get3A_449] {strides = array<i32>} : memref<20000xf32, #tpu.memory_space<vmem>>, vector<16xf32>,
          %max3A_451 = arith.maximumf %max3A_441, %get3A_450 : vector<16xf32>
          %add3A_452 = arith.constant 544 : i32
          %add3A_453 = arith.addi %mul3A_287, %add3A_452 : i32
          %get3A_454 = arith.index_cast %add3A_453 : i32 to index
          %get3A_455 = tpu.vector_load %arg6[%get3A_454] {strides = array<i32>} : memref<20000xf32, #tpu.memory_space<vmem>>, vector<16xf32>,
          %max3A_456 = arith.maximumf %max3A_446, %get3A_455 : vector<16xf32>
          %add3A_457 = arith.constant 560 : i32
          %add3A_458 = arith.addi %mul3A_287, %add3A_457 : i32
          %get3A_459 = arith.index_cast %add3A_458 : i32 to index
          %get3A_460 = tpu.vector_load %arg6[%get3A_459] {strides = array<i32>} : memref<20000xf32, #tpu.memory_space<vmem>>, vector<16xf32>,
          %max3A_461 = arith.maximumf %max3A_451, %get3A_460 : vector<16xf32>
          %add3A_462 = arith.constant 576 : i32
          %add3A_463 = arith.addi %mul3A_287, %add3A_462 : i32
          %get3A_464 = arith.index_cast %add3A_463 : i32 to index
          %get3A_465 = tpu.vector_load %arg6[%get3A_464] {strides = array<i32>} : memref<20000xf32, #tpu.memory_space<vmem>>, vector<16xf32>,
          %max3A_466 = arith.maximumf %max3A_456, %get3A_465 : vector<16xf32>
          %add3A_467 = arith.constant 592 : i32
          %add3A_468 = arith.addi %mul3A_287, %add3A_467 : i32
          %get3A_469 = arith.index_cast %add3A_468 : i32 to index
          %get3A_470 = tpu.vector_load %arg6[%get3A_469] {strides = array<i32>} : memref<20000xf32, #tpu.memory_space<vmem>>, vector<16xf32>,
          %max3A_471 = arith.maximumf %max3A_461, %get3A_470 : vector<16xf32>
          %add3A_472 = arith.constant 608 : i32
          %add3A_473 = arith.addi %mul3A_287, %add3A_472 : i32
          %get3A_474 = arith.index_cast %add3A_473 : i32 to index
          %get3A_475 = tpu.vector_load %arg6[%get3A_474] {strides = array<i32>} : memref<20000xf32, #tpu.memory_space<vmem>>, vector<16xf32>,
          %max3A_476 = arith.maximumf %max3A_466, %get3A_475 : vector<16xf32>
          %add3A_477 = arith.constant 624 : i32
          %add3A_478 = arith.addi %mul3A_287, %add3A_477 : i32
          %get3A_479 = arith.index_cast %add3A_478 : i32 to index
          %get3A_480 = tpu.vector_load %arg6[%get3A_479] {strides = array<i32>} : memref<20000xf32, #tpu.memory_space<vmem>>, vector<16xf32>,
          %max3A_481 = arith.maximumf %max3A_471, %get3A_480 : vector<16xf32>
          %add3A_482 = arith.constant 640 : i32
          %add3A_483 = arith.addi %mul3A_287, %add3A_482 : i32
          %get3A_484 = arith.index_cast %add3A_483 : i32 to index
          %get3A_485 = tpu.vector_load %arg6[%get3A_484] {strides = array<i32>} : memref<20000xf32, #tpu.memory_space<vmem>>, vector<16xf32>,
          %max3A_486 = arith.maximumf %max3A_476, %get3A_485 : vector<16xf32>
          %add3A_487 = arith.constant 656 : i32
          %add3A_488 = arith.addi %mul3A_287, %add3A_487 : i32
          %get3A_489 = arith.index_cast %add3A_488 : i32 to index
          %get3A_490 = tpu.vector_load %arg6[%get3A_489] {strides = array<i32>} : memref<20000xf32, #tpu.memory_space<vmem>>, vector<16xf32>,
          %max3A_491 = arith.maximumf %max3A_481, %get3A_490 : vector<16xf32>
          %add3A_492 = arith.constant 672 : i32
          %add3A_493 = arith.addi %mul3A_287, %add3A_492 : i32
          %get3A_494 = arith.index_cast %add3A_493 : i32 to index
          %get3A_495 = tpu.vector_load %arg6[%get3A_494] {strides = array<i32>} : memref<20000xf32, #tpu.memory_space<vmem>>, vector<16xf32>,
          %max3A_496 = arith.maximumf %max3A_486, %get3A_495 : vector<16xf32>
          %add3A_497 = arith.constant 688 : i32
          %add3A_498 = arith.addi %mul3A_287, %add3A_497 : i32
          %get3A_499 = arith.index_cast %add3A_498 : i32 to index
          %get3A_500 = tpu.vector_load %arg6[%get3A_499] {strides = array<i32>} : memref<20000xf32, #tpu.memory_space<vmem>>, vector<16xf32>,
          %max3A_501 = arith.maximumf %max3A_491, %get3A_500 : vector<16xf32>
          %add3A_502 = arith.constant 704 : i32
          %add3A_503 = arith.addi %mul3A_287, %add3A_502 : i32
          %get3A_504 = arith.index_cast %add3A_503 : i32 to index
          %get3A_505 = tpu.vector_load %arg6[%get3A_504] {strides = array<i32>} : memref<20000xf32, #tpu.memory_space<vmem>>, vector<16xf32>,
          %max3A_506 = arith.maximumf %max3A_496, %get3A_505 : vector<16xf32>
          %add3A_507 = arith.constant 720 : i32
          %add3A_508 = arith.addi %mul3A_287, %add3A_507 : i32
          %get3A_509 = arith.index_cast %add3A_508 : i32 to index
          %get3A_510 = tpu.vector_load %arg6[%get3A_509] {strides = array<i32>} : memref<20000xf32, #tpu.memory_space<vmem>>, vector<16xf32>,
          %max3A_511 = arith.maximumf %max3A_501, %get3A_510 : vector<16xf32>
          %add3A_512 = arith.constant 736 : i32
          %add3A_513 = arith.addi %mul3A_287, %add3A_512 : i32
          %get3A_514 = arith.index_cast %add3A_513 : i32 to index
          %get3A_515 = tpu.vector_load %arg6[%get3A_514] {strides = array<i32>} : memref<20000xf32, #tpu.memory_space<vmem>>, vector<16xf32>,
          %max3A_516 = arith.maximumf %max3A_506, %get3A_515 : vector<16xf32>
          %add3A_517 = arith.constant 752 : i32
          %add3A_518 = arith.addi %mul3A_287, %add3A_517 : i32
          %get3A_519 = arith.index_cast %add3A_518 : i32 to index
          %get3A_520 = tpu.vector_load %arg6[%get3A_519] {strides = array<i32>} : memref<20000xf32, #tpu.memory_space<vmem>>, vector<16xf32>,
          %max3A_521 = arith.maximumf %max3A_511, %get3A_520 : vector<16xf32>
          %add3A_522 = arith.constant 768 : i32
          %add3A_523 = arith.addi %mul3A_287, %add3A_522 : i32
          %get3A_524 = arith.index_cast %add3A_523 : i32 to index
          %get3A_525 = tpu.vector_load %arg6[%get3A_524] {strides = array<i32>} : memref<20000xf32, #tpu.memory_space<vmem>>, vector<16xf32>,
          %max3A_526 = arith.maximumf %max3A_516, %get3A_525 : vector<16xf32>
          %add3A_527 = arith.constant 784 : i32
          %add3A_528 = arith.addi %mul3A_287, %add3A_527 : i32
          %get3A_529 = arith.index_cast %add3A_528 : i32 to index
          %get3A_530 = tpu.vector_load %arg6[%get3A_529] {strides = array<i32>} : memref<20000xf32, #tpu.memory_space<vmem>>, vector<16xf32>,
          %max3A_531 = arith.maximumf %max3A_521, %get3A_530 : vector<16xf32>
          %max3A_532 = arith.maximumf %max3A_526, %max3A_531 : vector<16xf32>
          %bitcast3A_533 = vector.bitcast %max3A_532 : vector<16xf32> to vector<16xi32>
          %ge3A_534 = arith.constant -2147483648 : i32
          %ge3A_535 = vector.broadcast %ge3A_534 : i32 to vector<16xi32>
          %ge3A_536 = arith.cmpi uge, %bitcast3A_533, %ge3A_535 : vector<16xi32>
          %not3A_537 = arith.constant dense<-1> : vector<16xi32>
          %not3A_538 = arith.xori %bitcast3A_533, %not3A_537 : vector<16xi32>
          %add3A_539 = arith.constant -2147483648 : i32
          %add3A_540 = vector.broadcast %add3A_539 : i32 to vector<16xi32>
          %add3A_541 = arith.addi %bitcast3A_533, %add3A_540 : vector<16xi32>
          %select_n3A_542 = arith.select %ge3A_536, %not3A_538, %add3A_541 : vector<16xi1>, vector<16xi32>
          %mul3A_543 = arith.constant 25 : i32
          %mul3A_544 = arith.muli %add3A_211, %mul3A_543 : i32
          %add3A_545 = arith.addi %mul3A_544, %scan3A_284 : i32
          %mul3A_546 = arith.constant 16 : i32
          %mul3A_547 = arith.muli %add3A_545, %mul3A_546 : i32
          %swap3A_548 = arith.index_cast %mul3A_547 : i32 to index
          %swap3A_549 = tpu.vector_load %arg9[%swap3A_548] {strides = array<i32>} : memref<20000xi32, #tpu.memory_space<vmem>>, vector<16xi32>,
          tpu.vector_store %arg9[%swap3A_548], %select_n3A_542 {strides = array<i32>} : memref<20000xi32, #tpu.memory_space<vmem>>, vector<16xi32>,
          %shift_right_logical3A = arith.constant 24 : i32
          %shift_right_logical3A_550 = vector.broadcast %shift_right_logical3A : i32 to vector<16xi32>
          %shift_right_logical3A_551 = arith.shrui %select_n3A_542, %shift_right_logical3A_550 : vector<16xi32>
          %mul3A_552 = arith.constant 16 : i32
          %mul3A_553 = vector.broadcast %mul3A_552 : i32 to vector<16xi32>
          %mul3A_554 = arith.muli %shift_right_logical3A_551, %mul3A_553 : vector<16xi32>
          %add3A_555 = arith.addi %mul3A_554, %iota3A : vector<16xi32>
          tpu.vector_store_idx %arg10[%add3A_555], %broadcast_in_dim3A_3 {add = true} : memref<4096xi32, #tpu.memory_space<vmem>>[vector<16xi32>], vector<16xi32>,
          %scan3A_556 = arith.constant 0 : i32
          scf.yield %scan3A_556 : i32
        }
        %scan3A_283 = arith.constant 25 : i32
      } else {
      }
      %mul3A_230 = arith.constant 3 : i32
      %mul3A_231 = arith.muli %mul3A_230, %scan3A_206 : i32
      %add3A_232 = arith.constant 1 : i32
      %add3A_233 = arith.addi %mul3A_231, %add3A_232 : i32
      %add3A_234 = arith.constant 1 : i32
      %add3A_235 = arith.addi %add3A_233, %add3A_234 : i32
      %lt3A_236 = arith.constant 50 : i32
      %lt3A_237 = arith.cmpi slt, %add3A_235, %lt3A_236 : i32
      %convert_element_type3A_238 = arith.extui %lt3A_237 : i1 to i32
      %cond3A_239 = arith.constant 0 : i32
      %cond3A_240 = arith.cmpi ne, %convert_element_type3A_238, %cond3A_239 : i32
      scf.if %cond3A_240 {
        %dma_wait3A_277 = arith.constant 0 : i32
        %dma_wait3A_278 = tpu.memref_slice %arg2[%add3A, %dma_wait3A_277] : memref<32x1000000xf32, #tpu.memory_space<hbm>> -> memref<1x20000xf32, #tpu.memory_space<hbm>>
        %dma_wait3A_279 = tpu.memref_squeeze %dma_wait3A_278 : memref<1x20000xf32, #tpu.memory_space<hbm>> -> memref<20000xf32, #tpu.memory_space<hbm>>
        %dma_wait3A_280 = arith.constant 0 : i32
        %dma_wait3A_281 = tpu.memref_slice %arg2[%add3A, %dma_wait3A_280] : memref<32x1000000xf32, #tpu.memory_space<hbm>> -> memref<1x20000xf32, #tpu.memory_space<hbm>>
        %dma_wait3A_282 = tpu.memref_squeeze %dma_wait3A_281 : memref<1x20000xf32, #tpu.memory_space<hbm>> -> memref<20000xf32, #tpu.memory_space<hbm>>
        tpu.wait_dma2 semaphore(%arg22 : memref<!tpu.dma_semaphore, #tpu.memory_space<semaphore_mem>>) src(%dma_wait3A_282 : memref<20000xf32, #tpu.memory_space<hbm>>) dst(%arg8 : memref<20000xf32, #tpu.memory_space<vmem>>)
      } else {
      }
      %add3A_241 = arith.constant 2 : i32
      %add3A_242 = arith.addi %add3A_233, %add3A_241 : i32
      %lt3A_243 = arith.constant 50 : i32
      %lt3A_244 = arith.cmpi slt, %add3A_242, %lt3A_243 : i32
      %convert_element_type3A_245 = arith.extui %lt3A_244 : i1 to i32
      %cond3A_246 = arith.constant 0 : i32
      %cond3A_247 = arith.cmpi ne, %convert_element_type3A_245, %cond3A_246 : i32
      scf.if %cond3A_247 {
        %add3A_277 = arith.constant 2 : i32
        %add3A_278 = arith.addi %add3A_233, %add3A_277 : i32
        %mul3A_279 = arith.constant 20000 : i32
        %mul3A_280 = arith.muli %add3A_278, %mul3A_279 : i32
        %dma_start3A_281 = tpu.memref_slice %arg2[%add3A, %mul3A_280] : memref<32x1000000xf32, #tpu.memory_space<hbm>> -> memref<1x20000xf32, #tpu.memory_space<hbm>>
        %dma_start3A_282 = tpu.memref_squeeze %dma_start3A_281 : memref<1x20000xf32, #tpu.memory_space<hbm>> -> memref<20000xf32, #tpu.memory_space<hbm>>
        %dma_start3A_283 = tpu.memref_slice %arg2[%add3A, %mul3A_280] : memref<32x1000000xf32, #tpu.memory_space<hbm>> -> memref<1x20000xf32, #tpu.memory_space<hbm>>
        %dma_start3A_284 = tpu.memref_squeeze %dma_start3A_283 : memref<1x20000xf32, #tpu.memory_space<hbm>> -> memref<20000xf32, #tpu.memory_space<hbm>>
        tpu.enqueue_dma source(%dma_start3A_284 : memref<20000xf32, #tpu.memory_space<hbm>>) target(%arg6 : memref<20000xf32, #tpu.memory_space<vmem>>) target_semaphore(%arg20 : memref<!tpu.dma_semaphore, #tpu.memory_space<semaphore_mem>>)
      } else {
      }
      %lt3A_248 = arith.constant 50 : i32
      %lt3A_249 = arith.cmpi slt, %add3A_233, %lt3A_248 : i32
      %convert_element_type3A_250 = arith.extui %lt3A_249 : i1 to i32
      %cond3A_251 = arith.constant 0 : i32
      %cond3A_252 = arith.cmpi ne, %convert_element_type3A_250, %cond3A_251 : i32
      scf.if %cond3A_252 {
        %scan3A_277 = arith.constant 0 : i32
        %scan3A_278 = arith.constant 0 : i32
        %scan3A_279 = arith.constant 25 : i32
        %scan3A_280 = arith.addi %scan3A_278, %scan3A_279 : i32
        %scan3A_281 = arith.constant 1 : i32
        %scan3A_282 = scf.for %scan3A_284 = %scan3A_278 to %scan3A_280 step %scan3A_281 iter_args(%scan3A_285 = %scan3A_277) -> (i32)  : i32 {
          %mul3A_286 = arith.constant 800 : i32
          %mul3A_287 = arith.muli %scan3A_284, %mul3A_286 : i32
          %get3A = arith.index_cast %mul3A_287 : i32 to index
          %get3A_288 = tpu.vector_load %arg7[%get3A] {strides = array<i32>} : memref<20000xf32, #tpu.memory_space<vmem>>, vector<16xf32>,
          %add3A_289 = arith.constant 16 : i32
          %add3A_290 = arith.addi %mul3A_287, %add3A_289 : i32
          %get3A_291 = arith.index_cast %add3A_290 : i32 to index
          %get3A_292 = tpu.vector_load %arg7[%get3A_291] {strides = array<i32>} : memref<20000xf32, #tpu.memory_space<vmem>>, vector<16xf32>,
          %add3A_293 = arith.constant 32 : i32
          %add3A_294 = arith.addi %mul3A_287, %add3A_293 : i32
          %get3A_295 = arith.index_cast %add3A_294 : i32 to index
          %get3A_296 = tpu.vector_load %arg7[%get3A_295] {strides = array<i32>} : memref<20000xf32, #tpu.memory_space<vmem>>, vector<16xf32>,
          %max3A = arith.maximumf %get3A_288, %get3A_296 : vector<16xf32>
          %add3A_297 = arith.constant 48 : i32
          %add3A_298 = arith.addi %mul3A_287, %add3A_297 : i32
          %get3A_299 = arith.index_cast %add3A_298 : i32 to index
          %get3A_300 = tpu.vector_load %arg7[%get3A_299] {strides = array<i32>} : memref<20000xf32, #tpu.memory_space<vmem>>, vector<16xf32>,
          %max3A_301 = arith.maximumf %get3A_292, %get3A_300 : vector<16xf32>
          %add3A_302 = arith.constant 64 : i32
          %add3A_303 = arith.addi %mul3A_287, %add3A_302 : i32
          %get3A_304 = arith.index_cast %add3A_303 : i32 to index
          %get3A_305 = tpu.vector_load %arg7[%get3A_304] {strides = array<i32>} : memref<20000xf32, #tpu.memory_space<vmem>>, vector<16xf32>,
          %max3A_306 = arith.maximumf %max3A, %get3A_305 : vector<16xf32>
          %add3A_307 = arith.constant 80 : i32
          %add3A_308 = arith.addi %mul3A_287, %add3A_307 : i32
          %get3A_309 = arith.index_cast %add3A_308 : i32 to index
          %get3A_310 = tpu.vector_load %arg7[%get3A_309] {strides = array<i32>} : memref<20000xf32, #tpu.memory_space<vmem>>, vector<16xf32>,
          %max3A_311 = arith.maximumf %max3A_301, %get3A_310 : vector<16xf32>
          %add3A_312 = arith.constant 96 : i32
          %add3A_313 = arith.addi %mul3A_287, %add3A_312 : i32
          %get3A_314 = arith.index_cast %add3A_313 : i32 to index
          %get3A_315 = tpu.vector_load %arg7[%get3A_314] {strides = array<i32>} : memref<20000xf32, #tpu.memory_space<vmem>>, vector<16xf32>,
          %max3A_316 = arith.maximumf %max3A_306, %get3A_315 : vector<16xf32>
          %add3A_317 = arith.constant 112 : i32
          %add3A_318 = arith.addi %mul3A_287, %add3A_317 : i32
          %get3A_319 = arith.index_cast %add3A_318 : i32 to index
          %get3A_320 = tpu.vector_load %arg7[%get3A_319] {strides = array<i32>} : memref<20000xf32, #tpu.memory_space<vmem>>, vector<16xf32>,
          %max3A_321 = arith.maximumf %max3A_311, %get3A_320 : vector<16xf32>
          %add3A_322 = arith.constant 128 : i32
          %add3A_323 = arith.addi %mul3A_287, %add3A_322 : i32
          %get3A_324 = arith.index_cast %add3A_323 : i32 to index
          %get3A_325 = tpu.vector_load %arg7[%get3A_324] {strides = array<i32>} : memref<20000xf32, #tpu.memory_space<vmem>>, vector<16xf32>,
          %max3A_326 = arith.maximumf %max3A_316, %get3A_325 : vector<16xf32>
          %add3A_327 = arith.constant 144 : i32
          %add3A_328 = arith.addi %mul3A_287, %add3A_327 : i32
          %get3A_329 = arith.index_cast %add3A_328 : i32 to index
          %get3A_330 = tpu.vector_load %arg7[%get3A_329] {strides = array<i32>} : memref<20000xf32, #tpu.memory_space<vmem>>, vector<16xf32>,
          %max3A_331 = arith.maximumf %max3A_321, %get3A_330 : vector<16xf32>
          %add3A_332 = arith.constant 160 : i32
          %add3A_333 = arith.addi %mul3A_287, %add3A_332 : i32
          %get3A_334 = arith.index_cast %add3A_333 : i32 to index
          %get3A_335 = tpu.vector_load %arg7[%get3A_334] {strides = array<i32>} : memref<20000xf32, #tpu.memory_space<vmem>>, vector<16xf32>,
          %max3A_336 = arith.maximumf %max3A_326, %get3A_335 : vector<16xf32>
          %add3A_337 = arith.constant 176 : i32
          %add3A_338 = arith.addi %mul3A_287, %add3A_337 : i32
          %get3A_339 = arith.index_cast %add3A_338 : i32 to index
          %get3A_340 = tpu.vector_load %arg7[%get3A_339] {strides = array<i32>} : memref<20000xf32, #tpu.memory_space<vmem>>, vector<16xf32>,
          %max3A_341 = arith.maximumf %max3A_331, %get3A_340 : vector<16xf32>
          %add3A_342 = arith.constant 192 : i32
          %add3A_343 = arith.addi %mul3A_287, %add3A_342 : i32
          %get3A_344 = arith.index_cast %add3A_343 : i32 to index
          %get3A_345 = tpu.vector_load %arg7[%get3A_344] {strides = array<i32>} : memref<20000xf32, #tpu.memory_space<vmem>>, vector<16xf32>,
          %max3A_346 = arith.maximumf %max3A_336, %get3A_345 : vector<16xf32>
          %add3A_347 = arith.constant 208 : i32
          %add3A_348 = arith.addi %mul3A_287, %add3A_347 : i32
          %get3A_349 = arith.index_cast %add3A_348 : i32 to index
          %get3A_350 = tpu.vector_load %arg7[%get3A_349] {strides = array<i32>} : memref<20000xf32, #tpu.memory_space<vmem>>, vector<16xf32>,
          %max3A_351 = arith.maximumf %max3A_341, %get3A_350 : vector<16xf32>
          %add3A_352 = arith.constant 224 : i32
          %add3A_353 = arith.addi %mul3A_287, %add3A_352 : i32
          %get3A_354 = arith.index_cast %add3A_353 : i32 to index
          %get3A_355 = tpu.vector_load %arg7[%get3A_354] {strides = array<i32>} : memref<20000xf32, #tpu.memory_space<vmem>>, vector<16xf32>,
          %max3A_356 = arith.maximumf %max3A_346, %get3A_355 : vector<16xf32>
          %add3A_357 = arith.constant 240 : i32
          %add3A_358 = arith.addi %mul3A_287, %add3A_357 : i32
          %get3A_359 = arith.index_cast %add3A_358 : i32 to index
          %get3A_360 = tpu.vector_load %arg7[%get3A_359] {strides = array<i32>} : memref<20000xf32, #tpu.memory_space<vmem>>, vector<16xf32>,
          %max3A_361 = arith.maximumf %max3A_351, %get3A_360 : vector<16xf32>
          %add3A_362 = arith.constant 256 : i32
          %add3A_363 = arith.addi %mul3A_287, %add3A_362 : i32
          %get3A_364 = arith.index_cast %add3A_363 : i32 to index
          %get3A_365 = tpu.vector_load %arg7[%get3A_364] {strides = array<i32>} : memref<20000xf32, #tpu.memory_space<vmem>>, vector<16xf32>,
          %max3A_366 = arith.maximumf %max3A_356, %get3A_365 : vector<16xf32>
          %add3A_367 = arith.constant 272 : i32
          %add3A_368 = arith.addi %mul3A_287, %add3A_367 : i32
          %get3A_369 = arith.index_cast %add3A_368 : i32 to index
          %get3A_370 = tpu.vector_load %arg7[%get3A_369] {strides = array<i32>} : memref<20000xf32, #tpu.memory_space<vmem>>, vector<16xf32>,
          %max3A_371 = arith.maximumf %max3A_361, %get3A_370 : vector<16xf32>
          %add3A_372 = arith.constant 288 : i32
          %add3A_373 = arith.addi %mul3A_287, %add3A_372 : i32
          %get3A_374 = arith.index_cast %add3A_373 : i32 to index
          %get3A_375 = tpu.vector_load %arg7[%get3A_374] {strides = array<i32>} : memref<20000xf32, #tpu.memory_space<vmem>>, vector<16xf32>,
          %max3A_376 = arith.maximumf %max3A_366, %get3A_375 : vector<16xf32>
          %add3A_377 = arith.constant 304 : i32
          %add3A_378 = arith.addi %mul3A_287, %add3A_377 : i32
          %get3A_379 = arith.index_cast %add3A_378 : i32 to index
          %get3A_380 = tpu.vector_load %arg7[%get3A_379] {strides = array<i32>} : memref<20000xf32, #tpu.memory_space<vmem>>, vector<16xf32>,
          %max3A_381 = arith.maximumf %max3A_371, %get3A_380 : vector<16xf32>
          %add3A_382 = arith.constant 320 : i32
          %add3A_383 = arith.addi %mul3A_287, %add3A_382 : i32
          %get3A_384 = arith.index_cast %add3A_383 : i32 to index
          %get3A_385 = tpu.vector_load %arg7[%get3A_384] {strides = array<i32>} : memref<20000xf32, #tpu.memory_space<vmem>>, vector<16xf32>,
          %max3A_386 = arith.maximumf %max3A_376, %get3A_385 : vector<16xf32>
          %add3A_387 = arith.constant 336 : i32
          %add3A_388 = arith.addi %mul3A_287, %add3A_387 : i32
          %get3A_389 = arith.index_cast %add3A_388 : i32 to index
          %get3A_390 = tpu.vector_load %arg7[%get3A_389] {strides = array<i32>} : memref<20000xf32, #tpu.memory_space<vmem>>, vector<16xf32>,
          %max3A_391 = arith.maximumf %max3A_381, %get3A_390 : vector<16xf32>
          %add3A_392 = arith.constant 352 : i32
          %add3A_393 = arith.addi %mul3A_287, %add3A_392 : i32
          %get3A_394 = arith.index_cast %add3A_393 : i32 to index
          %get3A_395 = tpu.vector_load %arg7[%get3A_394] {strides = array<i32>} : memref<20000xf32, #tpu.memory_space<vmem>>, vector<16xf32>,
          %max3A_396 = arith.maximumf %max3A_386, %get3A_395 : vector<16xf32>
          %add3A_397 = arith.constant 368 : i32
          %add3A_398 = arith.addi %mul3A_287, %add3A_397 : i32
          %get3A_399 = arith.index_cast %add3A_398 : i32 to index
          %get3A_400 = tpu.vector_load %arg7[%get3A_399] {strides = array<i32>} : memref<20000xf32, #tpu.memory_space<vmem>>, vector<16xf32>,
          %max3A_401 = arith.maximumf %max3A_391, %get3A_400 : vector<16xf32>
          %add3A_402 = arith.constant 384 : i32
          %add3A_403 = arith.addi %mul3A_287, %add3A_402 : i32
          %get3A_404 = arith.index_cast %add3A_403 : i32 to index
          %get3A_405 = tpu.vector_load %arg7[%get3A_404] {strides = array<i32>} : memref<20000xf32, #tpu.memory_space<vmem>>, vector<16xf32>,
          %max3A_406 = arith.maximumf %max3A_396, %get3A_405 : vector<16xf32>
          %add3A_407 = arith.constant 400 : i32
          %add3A_408 = arith.addi %mul3A_287, %add3A_407 : i32
          %get3A_409 = arith.index_cast %add3A_408 : i32 to index
          %get3A_410 = tpu.vector_load %arg7[%get3A_409] {strides = array<i32>} : memref<20000xf32, #tpu.memory_space<vmem>>, vector<16xf32>,
          %max3A_411 = arith.maximumf %max3A_401, %get3A_410 : vector<16xf32>
          %add3A_412 = arith.constant 416 : i32
          %add3A_413 = arith.addi %mul3A_287, %add3A_412 : i32
          %get3A_414 = arith.index_cast %add3A_413 : i32 to index
          %get3A_415 = tpu.vector_load %arg7[%get3A_414] {strides = array<i32>} : memref<20000xf32, #tpu.memory_space<vmem>>, vector<16xf32>,
          %max3A_416 = arith.maximumf %max3A_406, %get3A_415 : vector<16xf32>
          %add3A_417 = arith.constant 432 : i32
          %add3A_418 = arith.addi %mul3A_287, %add3A_417 : i32
          %get3A_419 = arith.index_cast %add3A_418 : i32 to index
          %get3A_420 = tpu.vector_load %arg7[%get3A_419] {strides = array<i32>} : memref<20000xf32, #tpu.memory_space<vmem>>, vector<16xf32>,
          %max3A_421 = arith.maximumf %max3A_411, %get3A_420 : vector<16xf32>
          %add3A_422 = arith.constant 448 : i32
          %add3A_423 = arith.addi %mul3A_287, %add3A_422 : i32
          %get3A_424 = arith.index_cast %add3A_423 : i32 to index
          %get3A_425 = tpu.vector_load %arg7[%get3A_424] {strides = array<i32>} : memref<20000xf32, #tpu.memory_space<vmem>>, vector<16xf32>,
          %max3A_426 = arith.maximumf %max3A_416, %get3A_425 : vector<16xf32>
          %add3A_427 = arith.constant 464 : i32
          %add3A_428 = arith.addi %mul3A_287, %add3A_427 : i32
          %get3A_429 = arith.index_cast %add3A_428 : i32 to index
          %get3A_430 = tpu.vector_load %arg7[%get3A_429] {strides = array<i32>} : memref<20000xf32, #tpu.memory_space<vmem>>, vector<16xf32>,
          %max3A_431 = arith.maximumf %max3A_421, %get3A_430 : vector<16xf32>
          %add3A_432 = arith.constant 480 : i32
          %add3A_433 = arith.addi %mul3A_287, %add3A_432 : i32
          %get3A_434 = arith.index_cast %add3A_433 : i32 to index
          %get3A_435 = tpu.vector_load %arg7[%get3A_434] {strides = array<i32>} : memref<20000xf32, #tpu.memory_space<vmem>>, vector<16xf32>,
          %max3A_436 = arith.maximumf %max3A_426, %get3A_435 : vector<16xf32>
          %add3A_437 = arith.constant 496 : i32
          %add3A_438 = arith.addi %mul3A_287, %add3A_437 : i32
          %get3A_439 = arith.index_cast %add3A_438 : i32 to index
          %get3A_440 = tpu.vector_load %arg7[%get3A_439] {strides = array<i32>} : memref<20000xf32, #tpu.memory_space<vmem>>, vector<16xf32>,
          %max3A_441 = arith.maximumf %max3A_431, %get3A_440 : vector<16xf32>
          %add3A_442 = arith.constant 512 : i32
          %add3A_443 = arith.addi %mul3A_287, %add3A_442 : i32
          %get3A_444 = arith.index_cast %add3A_443 : i32 to index
          %get3A_445 = tpu.vector_load %arg7[%get3A_444] {strides = array<i32>} : memref<20000xf32, #tpu.memory_space<vmem>>, vector<16xf32>,
          %max3A_446 = arith.maximumf %max3A_436, %get3A_445 : vector<16xf32>
          %add3A_447 = arith.constant 528 : i32
          %add3A_448 = arith.addi %mul3A_287, %add3A_447 : i32
          %get3A_449 = arith.index_cast %add3A_448 : i32 to index
          %get3A_450 = tpu.vector_load %arg7[%get3A_449] {strides = array<i32>} : memref<20000xf32, #tpu.memory_space<vmem>>, vector<16xf32>,
          %max3A_451 = arith.maximumf %max3A_441, %get3A_450 : vector<16xf32>
          %add3A_452 = arith.constant 544 : i32
          %add3A_453 = arith.addi %mul3A_287, %add3A_452 : i32
          %get3A_454 = arith.index_cast %add3A_453 : i32 to index
          %get3A_455 = tpu.vector_load %arg7[%get3A_454] {strides = array<i32>} : memref<20000xf32, #tpu.memory_space<vmem>>, vector<16xf32>,
          %max3A_456 = arith.maximumf %max3A_446, %get3A_455 : vector<16xf32>
          %add3A_457 = arith.constant 560 : i32
          %add3A_458 = arith.addi %mul3A_287, %add3A_457 : i32
          %get3A_459 = arith.index_cast %add3A_458 : i32 to index
          %get3A_460 = tpu.vector_load %arg7[%get3A_459] {strides = array<i32>} : memref<20000xf32, #tpu.memory_space<vmem>>, vector<16xf32>,
          %max3A_461 = arith.maximumf %max3A_451, %get3A_460 : vector<16xf32>
          %add3A_462 = arith.constant 576 : i32
          %add3A_463 = arith.addi %mul3A_287, %add3A_462 : i32
          %get3A_464 = arith.index_cast %add3A_463 : i32 to index
          %get3A_465 = tpu.vector_load %arg7[%get3A_464] {strides = array<i32>} : memref<20000xf32, #tpu.memory_space<vmem>>, vector<16xf32>,
          %max3A_466 = arith.maximumf %max3A_456, %get3A_465 : vector<16xf32>
          %add3A_467 = arith.constant 592 : i32
          %add3A_468 = arith.addi %mul3A_287, %add3A_467 : i32
          %get3A_469 = arith.index_cast %add3A_468 : i32 to index
          %get3A_470 = tpu.vector_load %arg7[%get3A_469] {strides = array<i32>} : memref<20000xf32, #tpu.memory_space<vmem>>, vector<16xf32>,
          %max3A_471 = arith.maximumf %max3A_461, %get3A_470 : vector<16xf32>
          %add3A_472 = arith.constant 608 : i32
          %add3A_473 = arith.addi %mul3A_287, %add3A_472 : i32
          %get3A_474 = arith.index_cast %add3A_473 : i32 to index
          %get3A_475 = tpu.vector_load %arg7[%get3A_474] {strides = array<i32>} : memref<20000xf32, #tpu.memory_space<vmem>>, vector<16xf32>,
          %max3A_476 = arith.maximumf %max3A_466, %get3A_475 : vector<16xf32>
          %add3A_477 = arith.constant 624 : i32
          %add3A_478 = arith.addi %mul3A_287, %add3A_477 : i32
          %get3A_479 = arith.index_cast %add3A_478 : i32 to index
          %get3A_480 = tpu.vector_load %arg7[%get3A_479] {strides = array<i32>} : memref<20000xf32, #tpu.memory_space<vmem>>, vector<16xf32>,
          %max3A_481 = arith.maximumf %max3A_471, %get3A_480 : vector<16xf32>
          %add3A_482 = arith.constant 640 : i32
          %add3A_483 = arith.addi %mul3A_287, %add3A_482 : i32
          %get3A_484 = arith.index_cast %add3A_483 : i32 to index
          %get3A_485 = tpu.vector_load %arg7[%get3A_484] {strides = array<i32>} : memref<20000xf32, #tpu.memory_space<vmem>>, vector<16xf32>,
          %max3A_486 = arith.maximumf %max3A_476, %get3A_485 : vector<16xf32>
          %add3A_487 = arith.constant 656 : i32
          %add3A_488 = arith.addi %mul3A_287, %add3A_487 : i32
          %get3A_489 = arith.index_cast %add3A_488 : i32 to index
          %get3A_490 = tpu.vector_load %arg7[%get3A_489] {strides = array<i32>} : memref<20000xf32, #tpu.memory_space<vmem>>, vector<16xf32>,
          %max3A_491 = arith.maximumf %max3A_481, %get3A_490 : vector<16xf32>
          %add3A_492 = arith.constant 672 : i32
          %add3A_493 = arith.addi %mul3A_287, %add3A_492 : i32
          %get3A_494 = arith.index_cast %add3A_493 : i32 to index
          %get3A_495 = tpu.vector_load %arg7[%get3A_494] {strides = array<i32>} : memref<20000xf32, #tpu.memory_space<vmem>>, vector<16xf32>,
          %max3A_496 = arith.maximumf %max3A_486, %get3A_495 : vector<16xf32>
          %add3A_497 = arith.constant 688 : i32
          %add3A_498 = arith.addi %mul3A_287, %add3A_497 : i32
          %get3A_499 = arith.index_cast %add3A_498 : i32 to index
          %get3A_500 = tpu.vector_load %arg7[%get3A_499] {strides = array<i32>} : memref<20000xf32, #tpu.memory_space<vmem>>, vector<16xf32>,
          %max3A_501 = arith.maximumf %max3A_491, %get3A_500 : vector<16xf32>
          %add3A_502 = arith.constant 704 : i32
          %add3A_503 = arith.addi %mul3A_287, %add3A_502 : i32
          %get3A_504 = arith.index_cast %add3A_503 : i32 to index
          %get3A_505 = tpu.vector_load %arg7[%get3A_504] {strides = array<i32>} : memref<20000xf32, #tpu.memory_space<vmem>>, vector<16xf32>,
          %max3A_506 = arith.maximumf %max3A_496, %get3A_505 : vector<16xf32>
          %add3A_507 = arith.constant 720 : i32
          %add3A_508 = arith.addi %mul3A_287, %add3A_507 : i32
          %get3A_509 = arith.index_cast %add3A_508 : i32 to index
          %get3A_510 = tpu.vector_load %arg7[%get3A_509] {strides = array<i32>} : memref<20000xf32, #tpu.memory_space<vmem>>, vector<16xf32>,
          %max3A_511 = arith.maximumf %max3A_501, %get3A_510 : vector<16xf32>
          %add3A_512 = arith.constant 736 : i32
          %add3A_513 = arith.addi %mul3A_287, %add3A_512 : i32
          %get3A_514 = arith.index_cast %add3A_513 : i32 to index
          %get3A_515 = tpu.vector_load %arg7[%get3A_514] {strides = array<i32>} : memref<20000xf32, #tpu.memory_space<vmem>>, vector<16xf32>,
          %max3A_516 = arith.maximumf %max3A_506, %get3A_515 : vector<16xf32>
          %add3A_517 = arith.constant 752 : i32
          %add3A_518 = arith.addi %mul3A_287, %add3A_517 : i32
          %get3A_519 = arith.index_cast %add3A_518 : i32 to index
          %get3A_520 = tpu.vector_load %arg7[%get3A_519] {strides = array<i32>} : memref<20000xf32, #tpu.memory_space<vmem>>, vector<16xf32>,
          %max3A_521 = arith.maximumf %max3A_511, %get3A_520 : vector<16xf32>
          %add3A_522 = arith.constant 768 : i32
          %add3A_523 = arith.addi %mul3A_287, %add3A_522 : i32
          %get3A_524 = arith.index_cast %add3A_523 : i32 to index
          %get3A_525 = tpu.vector_load %arg7[%get3A_524] {strides = array<i32>} : memref<20000xf32, #tpu.memory_space<vmem>>, vector<16xf32>,
          %max3A_526 = arith.maximumf %max3A_516, %get3A_525 : vector<16xf32>
          %add3A_527 = arith.constant 784 : i32
          %add3A_528 = arith.addi %mul3A_287, %add3A_527 : i32
          %get3A_529 = arith.index_cast %add3A_528 : i32 to index
          %get3A_530 = tpu.vector_load %arg7[%get3A_529] {strides = array<i32>} : memref<20000xf32, #tpu.memory_space<vmem>>, vector<16xf32>,
          %max3A_531 = arith.maximumf %max3A_521, %get3A_530 : vector<16xf32>
          %max3A_532 = arith.maximumf %max3A_526, %max3A_531 : vector<16xf32>
          %bitcast3A_533 = vector.bitcast %max3A_532 : vector<16xf32> to vector<16xi32>
          %ge3A_534 = arith.constant -2147483648 : i32
          %ge3A_535 = vector.broadcast %ge3A_534 : i32 to vector<16xi32>
          %ge3A_536 = arith.cmpi uge, %bitcast3A_533, %ge3A_535 : vector<16xi32>
          %not3A_537 = arith.constant dense<-1> : vector<16xi32>
          %not3A_538 = arith.xori %bitcast3A_533, %not3A_537 : vector<16xi32>
          %add3A_539 = arith.constant -2147483648 : i32
          %add3A_540 = vector.broadcast %add3A_539 : i32 to vector<16xi32>
          %add3A_541 = arith.addi %bitcast3A_533, %add3A_540 : vector<16xi32>
          %select_n3A_542 = arith.select %ge3A_536, %not3A_538, %add3A_541 : vector<16xi1>, vector<16xi32>
          %mul3A_543 = arith.constant 25 : i32
          %mul3A_544 = arith.muli %add3A_233, %mul3A_543 : i32
          %add3A_545 = arith.addi %mul3A_544, %scan3A_284 : i32
          %mul3A_546 = arith.constant 16 : i32
          %mul3A_547 = arith.muli %add3A_545, %mul3A_546 : i32
          %swap3A_548 = arith.index_cast %mul3A_547 : i32 to index
          %swap3A_549 = tpu.vector_load %arg9[%swap3A_548] {strides = array<i32>} : memref<20000xi32, #tpu.memory_space<vmem>>, vector<16xi32>,
          tpu.vector_store %arg9[%swap3A_548], %select_n3A_542 {strides = array<i32>} : memref<20000xi32, #tpu.memory_space<vmem>>, vector<16xi32>,
          %shift_right_logical3A = arith.constant 24 : i32
          %shift_right_logical3A_550 = vector.broadcast %shift_right_logical3A : i32 to vector<16xi32>
          %shift_right_logical3A_551 = arith.shrui %select_n3A_542, %shift_right_logical3A_550 : vector<16xi32>
          %mul3A_552 = arith.constant 16 : i32
          %mul3A_553 = vector.broadcast %mul3A_552 : i32 to vector<16xi32>
          %mul3A_554 = arith.muli %shift_right_logical3A_551, %mul3A_553 : vector<16xi32>
          %add3A_555 = arith.addi %mul3A_554, %iota3A : vector<16xi32>
          tpu.vector_store_idx %arg10[%add3A_555], %broadcast_in_dim3A_3 {add = true} : memref<4096xi32, #tpu.memory_space<vmem>>[vector<16xi32>], vector<16xi32>,
          %scan3A_556 = arith.constant 0 : i32
          scf.yield %scan3A_556 : i32
        }
        %scan3A_283 = arith.constant 25 : i32
      } else {
      }
      %mul3A_253 = arith.constant 3 : i32
      %mul3A_254 = arith.muli %mul3A_253, %scan3A_206 : i32
      %add3A_255 = arith.constant 2 : i32
      %add3A_256 = arith.addi %mul3A_254, %add3A_255 : i32
      %add3A_257 = arith.constant 1 : i32
      %add3A_258 = arith.addi %add3A_256, %add3A_257 : i32
      %lt3A_259 = arith.constant 50 : i32
      %lt3A_260 = arith.cmpi slt, %add3A_258, %lt3A_259 : i32
      %convert_element_type3A_261 = arith.extui %lt3A_260 : i1 to i32
      %cond3A_262 = arith.constant 0 : i32
      %cond3A_263 = arith.cmpi ne, %convert_element_type3A_261, %cond3A_262 : i32
      scf.if %cond3A_263 {
        %dma_wait3A_277 = arith.constant 0 : i32
        %dma_wait3A_278 = tpu.memref_slice %arg2[%add3A, %dma_wait3A_277] : memref<32x1000000xf32, #tpu.memory_space<hbm>> -> memref<1x20000xf32, #tpu.memory_space<hbm>>
        %dma_wait3A_279 = tpu.memref_squeeze %dma_wait3A_278 : memref<1x20000xf32, #tpu.memory_space<hbm>> -> memref<20000xf32, #tpu.memory_space<hbm>>
        %dma_wait3A_280 = arith.constant 0 : i32
        %dma_wait3A_281 = tpu.memref_slice %arg2[%add3A, %dma_wait3A_280] : memref<32x1000000xf32, #tpu.memory_space<hbm>> -> memref<1x20000xf32, #tpu.memory_space<hbm>>
        %dma_wait3A_282 = tpu.memref_squeeze %dma_wait3A_281 : memref<1x20000xf32, #tpu.memory_space<hbm>> -> memref<20000xf32, #tpu.memory_space<hbm>>
        tpu.wait_dma2 semaphore(%arg20 : memref<!tpu.dma_semaphore, #tpu.memory_space<semaphore_mem>>) src(%dma_wait3A_282 : memref<20000xf32, #tpu.memory_space<hbm>>) dst(%arg6 : memref<20000xf32, #tpu.memory_space<vmem>>)
      } else {
      }
      %add3A_264 = arith.constant 2 : i32
      %add3A_265 = arith.addi %add3A_256, %add3A_264 : i32
      %lt3A_266 = arith.constant 50 : i32
      %lt3A_267 = arith.cmpi slt, %add3A_265, %lt3A_266 : i32
      %convert_element_type3A_268 = arith.extui %lt3A_267 : i1 to i32
      %cond3A_269 = arith.constant 0 : i32
      %cond3A_270 = arith.cmpi ne, %convert_element_type3A_268, %cond3A_269 : i32
      scf.if %cond3A_270 {
        %add3A_277 = arith.constant 2 : i32
        %add3A_278 = arith.addi %add3A_256, %add3A_277 : i32
        %mul3A_279 = arith.constant 20000 : i32
        %mul3A_280 = arith.muli %add3A_278, %mul3A_279 : i32
        %dma_start3A_281 = tpu.memref_slice %arg2[%add3A, %mul3A_280] : memref<32x1000000xf32, #tpu.memory_space<hbm>> -> memref<1x20000xf32, #tpu.memory_space<hbm>>
        %dma_start3A_282 = tpu.memref_squeeze %dma_start3A_281 : memref<1x20000xf32, #tpu.memory_space<hbm>> -> memref<20000xf32, #tpu.memory_space<hbm>>
        %dma_start3A_283 = tpu.memref_slice %arg2[%add3A, %mul3A_280] : memref<32x1000000xf32, #tpu.memory_space<hbm>> -> memref<1x20000xf32, #tpu.memory_space<hbm>>
        %dma_start3A_284 = tpu.memref_squeeze %dma_start3A_283 : memref<1x20000xf32, #tpu.memory_space<hbm>> -> memref<20000xf32, #tpu.memory_space<hbm>>
        tpu.enqueue_dma source(%dma_start3A_284 : memref<20000xf32, #tpu.memory_space<hbm>>) target(%arg7 : memref<20000xf32, #tpu.memory_space<vmem>>) target_semaphore(%arg21 : memref<!tpu.dma_semaphore, #tpu.memory_space<semaphore_mem>>)
      } else {
      }
      %lt3A_271 = arith.constant 50 : i32
      %lt3A_272 = arith.cmpi slt, %add3A_256, %lt3A_271 : i32
      %convert_element_type3A_273 = arith.extui %lt3A_272 : i1 to i32
      %cond3A_274 = arith.constant 0 : i32
      %cond3A_275 = arith.cmpi ne, %convert_element_type3A_273, %cond3A_274 : i32
      scf.if %cond3A_275 {
        %scan3A_277 = arith.constant 0 : i32
        %scan3A_278 = arith.constant 0 : i32
        %scan3A_279 = arith.constant 25 : i32
        %scan3A_280 = arith.addi %scan3A_278, %scan3A_279 : i32
        %scan3A_281 = arith.constant 1 : i32
        %scan3A_282 = scf.for %scan3A_284 = %scan3A_278 to %scan3A_280 step %scan3A_281 iter_args(%scan3A_285 = %scan3A_277) -> (i32)  : i32 {
          %mul3A_286 = arith.constant 800 : i32
          %mul3A_287 = arith.muli %scan3A_284, %mul3A_286 : i32
          %get3A = arith.index_cast %mul3A_287 : i32 to index
          %get3A_288 = tpu.vector_load %arg8[%get3A] {strides = array<i32>} : memref<20000xf32, #tpu.memory_space<vmem>>, vector<16xf32>,
          %add3A_289 = arith.constant 16 : i32
          %add3A_290 = arith.addi %mul3A_287, %add3A_289 : i32
          %get3A_291 = arith.index_cast %add3A_290 : i32 to index
          %get3A_292 = tpu.vector_load %arg8[%get3A_291] {strides = array<i32>} : memref<20000xf32, #tpu.memory_space<vmem>>, vector<16xf32>,
          %add3A_293 = arith.constant 32 : i32
          %add3A_294 = arith.addi %mul3A_287, %add3A_293 : i32
          %get3A_295 = arith.index_cast %add3A_294 : i32 to index
          %get3A_296 = tpu.vector_load %arg8[%get3A_295] {strides = array<i32>} : memref<20000xf32, #tpu.memory_space<vmem>>, vector<16xf32>,
          %max3A = arith.maximumf %get3A_288, %get3A_296 : vector<16xf32>
          %add3A_297 = arith.constant 48 : i32
          %add3A_298 = arith.addi %mul3A_287, %add3A_297 : i32
          %get3A_299 = arith.index_cast %add3A_298 : i32 to index
          %get3A_300 = tpu.vector_load %arg8[%get3A_299] {strides = array<i32>} : memref<20000xf32, #tpu.memory_space<vmem>>, vector<16xf32>,
          %max3A_301 = arith.maximumf %get3A_292, %get3A_300 : vector<16xf32>
          %add3A_302 = arith.constant 64 : i32
          %add3A_303 = arith.addi %mul3A_287, %add3A_302 : i32
          %get3A_304 = arith.index_cast %add3A_303 : i32 to index
          %get3A_305 = tpu.vector_load %arg8[%get3A_304] {strides = array<i32>} : memref<20000xf32, #tpu.memory_space<vmem>>, vector<16xf32>,
          %max3A_306 = arith.maximumf %max3A, %get3A_305 : vector<16xf32>
          %add3A_307 = arith.constant 80 : i32
          %add3A_308 = arith.addi %mul3A_287, %add3A_307 : i32
          %get3A_309 = arith.index_cast %add3A_308 : i32 to index
          %get3A_310 = tpu.vector_load %arg8[%get3A_309] {strides = array<i32>} : memref<20000xf32, #tpu.memory_space<vmem>>, vector<16xf32>,
          %max3A_311 = arith.maximumf %max3A_301, %get3A_310 : vector<16xf32>
          %add3A_312 = arith.constant 96 : i32
          %add3A_313 = arith.addi %mul3A_287, %add3A_312 : i32
          %get3A_314 = arith.index_cast %add3A_313 : i32 to index
          %get3A_315 = tpu.vector_load %arg8[%get3A_314] {strides = array<i32>} : memref<20000xf32, #tpu.memory_space<vmem>>, vector<16xf32>,
          %max3A_316 = arith.maximumf %max3A_306, %get3A_315 : vector<16xf32>
          %add3A_317 = arith.constant 112 : i32
          %add3A_318 = arith.addi %mul3A_287, %add3A_317 : i32
          %get3A_319 = arith.index_cast %add3A_318 : i32 to index
          %get3A_320 = tpu.vector_load %arg8[%get3A_319] {strides = array<i32>} : memref<20000xf32, #tpu.memory_space<vmem>>, vector<16xf32>,
          %max3A_321 = arith.maximumf %max3A_311, %get3A_320 : vector<16xf32>
          %add3A_322 = arith.constant 128 : i32
          %add3A_323 = arith.addi %mul3A_287, %add3A_322 : i32
          %get3A_324 = arith.index_cast %add3A_323 : i32 to index
          %get3A_325 = tpu.vector_load %arg8[%get3A_324] {strides = array<i32>} : memref<20000xf32, #tpu.memory_space<vmem>>, vector<16xf32>,
          %max3A_326 = arith.maximumf %max3A_316, %get3A_325 : vector<16xf32>
          %add3A_327 = arith.constant 144 : i32
          %add3A_328 = arith.addi %mul3A_287, %add3A_327 : i32
          %get3A_329 = arith.index_cast %add3A_328 : i32 to index
          %get3A_330 = tpu.vector_load %arg8[%get3A_329] {strides = array<i32>} : memref<20000xf32, #tpu.memory_space<vmem>>, vector<16xf32>,
          %max3A_331 = arith.maximumf %max3A_321, %get3A_330 : vector<16xf32>
          %add3A_332 = arith.constant 160 : i32
          %add3A_333 = arith.addi %mul3A_287, %add3A_332 : i32
          %get3A_334 = arith.index_cast %add3A_333 : i32 to index
          %get3A_335 = tpu.vector_load %arg8[%get3A_334] {strides = array<i32>} : memref<20000xf32, #tpu.memory_space<vmem>>, vector<16xf32>,
          %max3A_336 = arith.maximumf %max3A_326, %get3A_335 : vector<16xf32>
          %add3A_337 = arith.constant 176 : i32
          %add3A_338 = arith.addi %mul3A_287, %add3A_337 : i32
          %get3A_339 = arith.index_cast %add3A_338 : i32 to index
          %get3A_340 = tpu.vector_load %arg8[%get3A_339] {strides = array<i32>} : memref<20000xf32, #tpu.memory_space<vmem>>, vector<16xf32>,
          %max3A_341 = arith.maximumf %max3A_331, %get3A_340 : vector<16xf32>
          %add3A_342 = arith.constant 192 : i32
          %add3A_343 = arith.addi %mul3A_287, %add3A_342 : i32
          %get3A_344 = arith.index_cast %add3A_343 : i32 to index
          %get3A_345 = tpu.vector_load %arg8[%get3A_344] {strides = array<i32>} : memref<20000xf32, #tpu.memory_space<vmem>>, vector<16xf32>,
          %max3A_346 = arith.maximumf %max3A_336, %get3A_345 : vector<16xf32>
          %add3A_347 = arith.constant 208 : i32
          %add3A_348 = arith.addi %mul3A_287, %add3A_347 : i32
          %get3A_349 = arith.index_cast %add3A_348 : i32 to index
          %get3A_350 = tpu.vector_load %arg8[%get3A_349] {strides = array<i32>} : memref<20000xf32, #tpu.memory_space<vmem>>, vector<16xf32>,
          %max3A_351 = arith.maximumf %max3A_341, %get3A_350 : vector<16xf32>
          %add3A_352 = arith.constant 224 : i32
          %add3A_353 = arith.addi %mul3A_287, %add3A_352 : i32
          %get3A_354 = arith.index_cast %add3A_353 : i32 to index
          %get3A_355 = tpu.vector_load %arg8[%get3A_354] {strides = array<i32>} : memref<20000xf32, #tpu.memory_space<vmem>>, vector<16xf32>,
          %max3A_356 = arith.maximumf %max3A_346, %get3A_355 : vector<16xf32>
          %add3A_357 = arith.constant 240 : i32
          %add3A_358 = arith.addi %mul3A_287, %add3A_357 : i32
          %get3A_359 = arith.index_cast %add3A_358 : i32 to index
          %get3A_360 = tpu.vector_load %arg8[%get3A_359] {strides = array<i32>} : memref<20000xf32, #tpu.memory_space<vmem>>, vector<16xf32>,
          %max3A_361 = arith.maximumf %max3A_351, %get3A_360 : vector<16xf32>
          %add3A_362 = arith.constant 256 : i32
          %add3A_363 = arith.addi %mul3A_287, %add3A_362 : i32
          %get3A_364 = arith.index_cast %add3A_363 : i32 to index
          %get3A_365 = tpu.vector_load %arg8[%get3A_364] {strides = array<i32>} : memref<20000xf32, #tpu.memory_space<vmem>>, vector<16xf32>,
          %max3A_366 = arith.maximumf %max3A_356, %get3A_365 : vector<16xf32>
          %add3A_367 = arith.constant 272 : i32
          %add3A_368 = arith.addi %mul3A_287, %add3A_367 : i32
          %get3A_369 = arith.index_cast %add3A_368 : i32 to index
          %get3A_370 = tpu.vector_load %arg8[%get3A_369] {strides = array<i32>} : memref<20000xf32, #tpu.memory_space<vmem>>, vector<16xf32>,
          %max3A_371 = arith.maximumf %max3A_361, %get3A_370 : vector<16xf32>
          %add3A_372 = arith.constant 288 : i32
          %add3A_373 = arith.addi %mul3A_287, %add3A_372 : i32
          %get3A_374 = arith.index_cast %add3A_373 : i32 to index
          %get3A_375 = tpu.vector_load %arg8[%get3A_374] {strides = array<i32>} : memref<20000xf32, #tpu.memory_space<vmem>>, vector<16xf32>,
          %max3A_376 = arith.maximumf %max3A_366, %get3A_375 : vector<16xf32>
          %add3A_377 = arith.constant 304 : i32
          %add3A_378 = arith.addi %mul3A_287, %add3A_377 : i32
          %get3A_379 = arith.index_cast %add3A_378 : i32 to index
          %get3A_380 = tpu.vector_load %arg8[%get3A_379] {strides = array<i32>} : memref<20000xf32, #tpu.memory_space<vmem>>, vector<16xf32>,
          %max3A_381 = arith.maximumf %max3A_371, %get3A_380 : vector<16xf32>
          %add3A_382 = arith.constant 320 : i32
          %add3A_383 = arith.addi %mul3A_287, %add3A_382 : i32
          %get3A_384 = arith.index_cast %add3A_383 : i32 to index
          %get3A_385 = tpu.vector_load %arg8[%get3A_384] {strides = array<i32>} : memref<20000xf32, #tpu.memory_space<vmem>>, vector<16xf32>,
          %max3A_386 = arith.maximumf %max3A_376, %get3A_385 : vector<16xf32>
          %add3A_387 = arith.constant 336 : i32
          %add3A_388 = arith.addi %mul3A_287, %add3A_387 : i32
          %get3A_389 = arith.index_cast %add3A_388 : i32 to index
          %get3A_390 = tpu.vector_load %arg8[%get3A_389] {strides = array<i32>} : memref<20000xf32, #tpu.memory_space<vmem>>, vector<16xf32>,
          %max3A_391 = arith.maximumf %max3A_381, %get3A_390 : vector<16xf32>
          %add3A_392 = arith.constant 352 : i32
          %add3A_393 = arith.addi %mul3A_287, %add3A_392 : i32
          %get3A_394 = arith.index_cast %add3A_393 : i32 to index
          %get3A_395 = tpu.vector_load %arg8[%get3A_394] {strides = array<i32>} : memref<20000xf32, #tpu.memory_space<vmem>>, vector<16xf32>,
          %max3A_396 = arith.maximumf %max3A_386, %get3A_395 : vector<16xf32>
          %add3A_397 = arith.constant 368 : i32
          %add3A_398 = arith.addi %mul3A_287, %add3A_397 : i32
          %get3A_399 = arith.index_cast %add3A_398 : i32 to index
          %get3A_400 = tpu.vector_load %arg8[%get3A_399] {strides = array<i32>} : memref<20000xf32, #tpu.memory_space<vmem>>, vector<16xf32>,
          %max3A_401 = arith.maximumf %max3A_391, %get3A_400 : vector<16xf32>
          %add3A_402 = arith.constant 384 : i32
          %add3A_403 = arith.addi %mul3A_287, %add3A_402 : i32
          %get3A_404 = arith.index_cast %add3A_403 : i32 to index
          %get3A_405 = tpu.vector_load %arg8[%get3A_404] {strides = array<i32>} : memref<20000xf32, #tpu.memory_space<vmem>>, vector<16xf32>,
          %max3A_406 = arith.maximumf %max3A_396, %get3A_405 : vector<16xf32>
          %add3A_407 = arith.constant 400 : i32
          %add3A_408 = arith.addi %mul3A_287, %add3A_407 : i32
          %get3A_409 = arith.index_cast %add3A_408 : i32 to index
          %get3A_410 = tpu.vector_load %arg8[%get3A_409] {strides = array<i32>} : memref<20000xf32, #tpu.memory_space<vmem>>, vector<16xf32>,
          %max3A_411 = arith.maximumf %max3A_401, %get3A_410 : vector<16xf32>
          %add3A_412 = arith.constant 416 : i32
          %add3A_413 = arith.addi %mul3A_287, %add3A_412 : i32
          %get3A_414 = arith.index_cast %add3A_413 : i32 to index
          %get3A_415 = tpu.vector_load %arg8[%get3A_414] {strides = array<i32>} : memref<20000xf32, #tpu.memory_space<vmem>>, vector<16xf32>,
          %max3A_416 = arith.maximumf %max3A_406, %get3A_415 : vector<16xf32>
          %add3A_417 = arith.constant 432 : i32
          %add3A_418 = arith.addi %mul3A_287, %add3A_417 : i32
          %get3A_419 = arith.index_cast %add3A_418 : i32 to index
          %get3A_420 = tpu.vector_load %arg8[%get3A_419] {strides = array<i32>} : memref<20000xf32, #tpu.memory_space<vmem>>, vector<16xf32>,
          %max3A_421 = arith.maximumf %max3A_411, %get3A_420 : vector<16xf32>
          %add3A_422 = arith.constant 448 : i32
          %add3A_423 = arith.addi %mul3A_287, %add3A_422 : i32
          %get3A_424 = arith.index_cast %add3A_423 : i32 to index
          %get3A_425 = tpu.vector_load %arg8[%get3A_424] {strides = array<i32>} : memref<20000xf32, #tpu.memory_space<vmem>>, vector<16xf32>,
          %max3A_426 = arith.maximumf %max3A_416, %get3A_425 : vector<16xf32>
          %add3A_427 = arith.constant 464 : i32
          %add3A_428 = arith.addi %mul3A_287, %add3A_427 : i32
          %get3A_429 = arith.index_cast %add3A_428 : i32 to index
          %get3A_430 = tpu.vector_load %arg8[%get3A_429] {strides = array<i32>} : memref<20000xf32, #tpu.memory_space<vmem>>, vector<16xf32>,
          %max3A_431 = arith.maximumf %max3A_421, %get3A_430 : vector<16xf32>
          %add3A_432 = arith.constant 480 : i32
          %add3A_433 = arith.addi %mul3A_287, %add3A_432 : i32
          %get3A_434 = arith.index_cast %add3A_433 : i32 to index
          %get3A_435 = tpu.vector_load %arg8[%get3A_434] {strides = array<i32>} : memref<20000xf32, #tpu.memory_space<vmem>>, vector<16xf32>,
          %max3A_436 = arith.maximumf %max3A_426, %get3A_435 : vector<16xf32>
          %add3A_437 = arith.constant 496 : i32
          %add3A_438 = arith.addi %mul3A_287, %add3A_437 : i32
          %get3A_439 = arith.index_cast %add3A_438 : i32 to index
          %get3A_440 = tpu.vector_load %arg8[%get3A_439] {strides = array<i32>} : memref<20000xf32, #tpu.memory_space<vmem>>, vector<16xf32>,
          %max3A_441 = arith.maximumf %max3A_431, %get3A_440 : vector<16xf32>
          %add3A_442 = arith.constant 512 : i32
          %add3A_443 = arith.addi %mul3A_287, %add3A_442 : i32
          %get3A_444 = arith.index_cast %add3A_443 : i32 to index
          %get3A_445 = tpu.vector_load %arg8[%get3A_444] {strides = array<i32>} : memref<20000xf32, #tpu.memory_space<vmem>>, vector<16xf32>,
          %max3A_446 = arith.maximumf %max3A_436, %get3A_445 : vector<16xf32>
          %add3A_447 = arith.constant 528 : i32
          %add3A_448 = arith.addi %mul3A_287, %add3A_447 : i32
          %get3A_449 = arith.index_cast %add3A_448 : i32 to index
          %get3A_450 = tpu.vector_load %arg8[%get3A_449] {strides = array<i32>} : memref<20000xf32, #tpu.memory_space<vmem>>, vector<16xf32>,
          %max3A_451 = arith.maximumf %max3A_441, %get3A_450 : vector<16xf32>
          %add3A_452 = arith.constant 544 : i32
          %add3A_453 = arith.addi %mul3A_287, %add3A_452 : i32
          %get3A_454 = arith.index_cast %add3A_453 : i32 to index
          %get3A_455 = tpu.vector_load %arg8[%get3A_454] {strides = array<i32>} : memref<20000xf32, #tpu.memory_space<vmem>>, vector<16xf32>,
          %max3A_456 = arith.maximumf %max3A_446, %get3A_455 : vector<16xf32>
          %add3A_457 = arith.constant 560 : i32
          %add3A_458 = arith.addi %mul3A_287, %add3A_457 : i32
          %get3A_459 = arith.index_cast %add3A_458 : i32 to index
          %get3A_460 = tpu.vector_load %arg8[%get3A_459] {strides = array<i32>} : memref<20000xf32, #tpu.memory_space<vmem>>, vector<16xf32>,
          %max3A_461 = arith.maximumf %max3A_451, %get3A_460 : vector<16xf32>
          %add3A_462 = arith.constant 576 : i32
          %add3A_463 = arith.addi %mul3A_287, %add3A_462 : i32
          %get3A_464 = arith.index_cast %add3A_463 : i32 to index
          %get3A_465 = tpu.vector_load %arg8[%get3A_464] {strides = array<i32>} : memref<20000xf32, #tpu.memory_space<vmem>>, vector<16xf32>,
          %max3A_466 = arith.maximumf %max3A_456, %get3A_465 : vector<16xf32>
          %add3A_467 = arith.constant 592 : i32
          %add3A_468 = arith.addi %mul3A_287, %add3A_467 : i32
          %get3A_469 = arith.index_cast %add3A_468 : i32 to index
          %get3A_470 = tpu.vector_load %arg8[%get3A_469] {strides = array<i32>} : memref<20000xf32, #tpu.memory_space<vmem>>, vector<16xf32>,
          %max3A_471 = arith.maximumf %max3A_461, %get3A_470 : vector<16xf32>
          %add3A_472 = arith.constant 608 : i32
          %add3A_473 = arith.addi %mul3A_287, %add3A_472 : i32
          %get3A_474 = arith.index_cast %add3A_473 : i32 to index
          %get3A_475 = tpu.vector_load %arg8[%get3A_474] {strides = array<i32>} : memref<20000xf32, #tpu.memory_space<vmem>>, vector<16xf32>,
          %max3A_476 = arith.maximumf %max3A_466, %get3A_475 : vector<16xf32>
          %add3A_477 = arith.constant 624 : i32
          %add3A_478 = arith.addi %mul3A_287, %add3A_477 : i32
          %get3A_479 = arith.index_cast %add3A_478 : i32 to index
          %get3A_480 = tpu.vector_load %arg8[%get3A_479] {strides = array<i32>} : memref<20000xf32, #tpu.memory_space<vmem>>, vector<16xf32>,
          %max3A_481 = arith.maximumf %max3A_471, %get3A_480 : vector<16xf32>
          %add3A_482 = arith.constant 640 : i32
          %add3A_483 = arith.addi %mul3A_287, %add3A_482 : i32
          %get3A_484 = arith.index_cast %add3A_483 : i32 to index
          %get3A_485 = tpu.vector_load %arg8[%get3A_484] {strides = array<i32>} : memref<20000xf32, #tpu.memory_space<vmem>>, vector<16xf32>,
          %max3A_486 = arith.maximumf %max3A_476, %get3A_485 : vector<16xf32>
          %add3A_487 = arith.constant 656 : i32
          %add3A_488 = arith.addi %mul3A_287, %add3A_487 : i32
          %get3A_489 = arith.index_cast %add3A_488 : i32 to index
          %get3A_490 = tpu.vector_load %arg8[%get3A_489] {strides = array<i32>} : memref<20000xf32, #tpu.memory_space<vmem>>, vector<16xf32>,
          %max3A_491 = arith.maximumf %max3A_481, %get3A_490 : vector<16xf32>
          %add3A_492 = arith.constant 672 : i32
          %add3A_493 = arith.addi %mul3A_287, %add3A_492 : i32
          %get3A_494 = arith.index_cast %add3A_493 : i32 to index
          %get3A_495 = tpu.vector_load %arg8[%get3A_494] {strides = array<i32>} : memref<20000xf32, #tpu.memory_space<vmem>>, vector<16xf32>,
          %max3A_496 = arith.maximumf %max3A_486, %get3A_495 : vector<16xf32>
          %add3A_497 = arith.constant 688 : i32
          %add3A_498 = arith.addi %mul3A_287, %add3A_497 : i32
          %get3A_499 = arith.index_cast %add3A_498 : i32 to index
          %get3A_500 = tpu.vector_load %arg8[%get3A_499] {strides = array<i32>} : memref<20000xf32, #tpu.memory_space<vmem>>, vector<16xf32>,
          %max3A_501 = arith.maximumf %max3A_491, %get3A_500 : vector<16xf32>
          %add3A_502 = arith.constant 704 : i32
          %add3A_503 = arith.addi %mul3A_287, %add3A_502 : i32
          %get3A_504 = arith.index_cast %add3A_503 : i32 to index
          %get3A_505 = tpu.vector_load %arg8[%get3A_504] {strides = array<i32>} : memref<20000xf32, #tpu.memory_space<vmem>>, vector<16xf32>,
          %max3A_506 = arith.maximumf %max3A_496, %get3A_505 : vector<16xf32>
          %add3A_507 = arith.constant 720 : i32
          %add3A_508 = arith.addi %mul3A_287, %add3A_507 : i32
          %get3A_509 = arith.index_cast %add3A_508 : i32 to index
          %get3A_510 = tpu.vector_load %arg8[%get3A_509] {strides = array<i32>} : memref<20000xf32, #tpu.memory_space<vmem>>, vector<16xf32>,
          %max3A_511 = arith.maximumf %max3A_501, %get3A_510 : vector<16xf32>
          %add3A_512 = arith.constant 736 : i32
          %add3A_513 = arith.addi %mul3A_287, %add3A_512 : i32
          %get3A_514 = arith.index_cast %add3A_513 : i32 to index
          %get3A_515 = tpu.vector_load %arg8[%get3A_514] {strides = array<i32>} : memref<20000xf32, #tpu.memory_space<vmem>>, vector<16xf32>,
          %max3A_516 = arith.maximumf %max3A_506, %get3A_515 : vector<16xf32>
          %add3A_517 = arith.constant 752 : i32
          %add3A_518 = arith.addi %mul3A_287, %add3A_517 : i32
          %get3A_519 = arith.index_cast %add3A_518 : i32 to index
          %get3A_520 = tpu.vector_load %arg8[%get3A_519] {strides = array<i32>} : memref<20000xf32, #tpu.memory_space<vmem>>, vector<16xf32>,
          %max3A_521 = arith.maximumf %max3A_511, %get3A_520 : vector<16xf32>
          %add3A_522 = arith.constant 768 : i32
          %add3A_523 = arith.addi %mul3A_287, %add3A_522 : i32
          %get3A_524 = arith.index_cast %add3A_523 : i32 to index
          %get3A_525 = tpu.vector_load %arg8[%get3A_524] {strides = array<i32>} : memref<20000xf32, #tpu.memory_space<vmem>>, vector<16xf32>,
          %max3A_526 = arith.maximumf %max3A_516, %get3A_525 : vector<16xf32>
          %add3A_527 = arith.constant 784 : i32
          %add3A_528 = arith.addi %mul3A_287, %add3A_527 : i32
          %get3A_529 = arith.index_cast %add3A_528 : i32 to index
          %get3A_530 = tpu.vector_load %arg8[%get3A_529] {strides = array<i32>} : memref<20000xf32, #tpu.memory_space<vmem>>, vector<16xf32>,
          %max3A_531 = arith.maximumf %max3A_521, %get3A_530 : vector<16xf32>
          %max3A_532 = arith.maximumf %max3A_526, %max3A_531 : vector<16xf32>
          %bitcast3A_533 = vector.bitcast %max3A_532 : vector<16xf32> to vector<16xi32>
          %ge3A_534 = arith.constant -2147483648 : i32
          %ge3A_535 = vector.broadcast %ge3A_534 : i32 to vector<16xi32>
          %ge3A_536 = arith.cmpi uge, %bitcast3A_533, %ge3A_535 : vector<16xi32>
          %not3A_537 = arith.constant dense<-1> : vector<16xi32>
          %not3A_538 = arith.xori %bitcast3A_533, %not3A_537 : vector<16xi32>
          %add3A_539 = arith.constant -2147483648 : i32
          %add3A_540 = vector.broadcast %add3A_539 : i32 to vector<16xi32>
          %add3A_541 = arith.addi %bitcast3A_533, %add3A_540 : vector<16xi32>
          %select_n3A_542 = arith.select %ge3A_536, %not3A_538, %add3A_541 : vector<16xi1>, vector<16xi32>
          %mul3A_543 = arith.constant 25 : i32
          %mul3A_544 = arith.muli %add3A_256, %mul3A_543 : i32
          %add3A_545 = arith.addi %mul3A_544, %scan3A_284 : i32
          %mul3A_546 = arith.constant 16 : i32
          %mul3A_547 = arith.muli %add3A_545, %mul3A_546 : i32
          %swap3A_548 = arith.index_cast %mul3A_547 : i32 to index
          %swap3A_549 = tpu.vector_load %arg9[%swap3A_548] {strides = array<i32>} : memref<20000xi32, #tpu.memory_space<vmem>>, vector<16xi32>,
          tpu.vector_store %arg9[%swap3A_548], %select_n3A_542 {strides = array<i32>} : memref<20000xi32, #tpu.memory_space<vmem>>, vector<16xi32>,
          %shift_right_logical3A = arith.constant 24 : i32
          %shift_right_logical3A_550 = vector.broadcast %shift_right_logical3A : i32 to vector<16xi32>
          %shift_right_logical3A_551 = arith.shrui %select_n3A_542, %shift_right_logical3A_550 : vector<16xi32>
          %mul3A_552 = arith.constant 16 : i32
          %mul3A_553 = vector.broadcast %mul3A_552 : i32 to vector<16xi32>
          %mul3A_554 = arith.muli %shift_right_logical3A_551, %mul3A_553 : vector<16xi32>
          %add3A_555 = arith.addi %mul3A_554, %iota3A : vector<16xi32>
          tpu.vector_store_idx %arg10[%add3A_555], %broadcast_in_dim3A_3 {add = true} : memref<4096xi32, #tpu.memory_space<vmem>>[vector<16xi32>], vector<16xi32>,
          %scan3A_556 = arith.constant 0 : i32
          scf.yield %scan3A_556 : i32
        }
        %scan3A_283 = arith.constant 25 : i32
      } else {
      }
      %scan3A_276 = arith.constant 0 : i32
      scf.yield %scan3A_276 : i32
    }
    %scan3A_123 = arith.constant 17 : i32
    %scan3A_124 = arith.constant 0 : i32
    %scan3A_125 = arith.constant 0 : i32
    %scan3A_126 = arith.constant 0 : i32
    %scan3A_127 = arith.constant 0 : i32
    %scan3A_128 = arith.constant 256 : i32
    %scan3A_129 = arith.addi %scan3A_127, %scan3A_128 : i32
    %scan3A_130 = arith.constant 1 : i32
    %scan3A_131:3 = scf.for %scan3A_206 = %scan3A_127 to %scan3A_129 step %scan3A_130 iter_args(%scan3A_207 = %scan3A_124, %scan3A_208 = %scan3A_125, %scan3A_209 = %scan3A_126) -> (i32, i32, i32)  : i32 {
      %sub3A_210 = arith.constant 255 : i32
      %sub3A_211 = arith.subi %sub3A_210, %scan3A_206 : i32
      %mul3A_212 = arith.constant 16 : i32
      %mul3A_213 = arith.muli %sub3A_211, %mul3A_212 : i32
      %get3A = arith.index_cast %mul3A_213 : i32 to index
      %get3A_214 = tpu.vector_load %arg10[%get3A] {strides = array<i32>} : memref<4096xi32, #tpu.memory_space<vmem>>, vector<16xi32>,
      %reduce_sum3A = arith.constant true
      %reduce_sum3A_215 = vector.broadcast %reduce_sum3A : i1 to vector<16xi1>
      %reduce_sum3A_216 = tpu.scan <sum>, %get3A_214 masked %reduce_sum3A_215 : vector<16xi32>, vector<16xi1> -> vector<16xi32>
      %reduce_sum3A_217 = vector.extract %reduce_sum3A_216[15] : i32 from vector<16xi32>
      %add3A_218 = arith.addi %scan3A_207, %reduce_sum3A_217 : i32
      %ge3A_219 = arith.constant 50 : i32
      %ge3A_220 = arith.cmpi sge, %add3A_218, %ge3A_219 : i32
      %lt3A = arith.constant 50 : i32
      %lt3A_221 = arith.cmpi slt, %scan3A_207, %lt3A : i32
      %and3A_222 = arith.andi %ge3A_220, %lt3A_221 : i1
      %select_n3A_223 = arith.select %and3A_222, %sub3A_211, %scan3A_208 : i32
      %select_n3A_224 = arith.select %and3A_222, %scan3A_207, %scan3A_209 : i32
      scf.yield %add3A_218, %select_n3A_223, %select_n3A_224 : i32, i32, i32
    }
    %scan3A_132 = arith.constant 256 : i32
    %scan3A_133 = arith.constant 0 : i32
    %scan3A_134 = arith.constant 0 : i32
    %scan3A_135 = arith.constant 1250 : i32
    %scan3A_136 = arith.addi %scan3A_134, %scan3A_135 : i32
    %scan3A_137 = arith.constant 1 : i32
    %scan3A_138 = scf.for %scan3A_206 = %scan3A_134 to %scan3A_136 step %scan3A_137 iter_args(%scan3A_207 = %scan3A_133) -> (i32)  : i32 {
      %mul3A_208 = arith.constant 16 : i32
      %mul3A_209 = arith.muli %scan3A_206, %mul3A_208 : i32
      %get3A = arith.index_cast %mul3A_209 : i32 to index
      %get3A_210 = tpu.vector_load %arg9[%get3A] {strides = array<i32>} : memref<20000xi32, #tpu.memory_space<vmem>>, vector<16xi32>,
      %shift_right_logical3A = arith.constant 24 : i32
      %shift_right_logical3A_211 = vector.broadcast %shift_right_logical3A : i32 to vector<16xi32>
      %shift_right_logical3A_212 = arith.shrui %get3A_210, %shift_right_logical3A_211 : vector<16xi32>
      %eq3A_213 = vector.broadcast %scan3A_131#1 : i32 to vector<16xi32>
      %eq3A_214 = arith.cmpi eq, %shift_right_logical3A_212, %eq3A_213 : vector<16xi32>
      %shift_right_logical3A_215 = arith.constant 16 : i32
      %shift_right_logical3A_216 = vector.broadcast %shift_right_logical3A_215 : i32 to vector<16xi32>
      %shift_right_logical3A_217 = arith.shrui %get3A_210, %shift_right_logical3A_216 : vector<16xi32>
      %and3A_218 = arith.constant 255 : i32
      %and3A_219 = vector.broadcast %and3A_218 : i32 to vector<16xi32>
      %and3A_220 = arith.andi %shift_right_logical3A_217, %and3A_219 : vector<16xi32>
      %mul3A_221 = arith.constant 16 : i32
      %mul3A_222 = vector.broadcast %mul3A_221 : i32 to vector<16xi32>
      %mul3A_223 = arith.muli %and3A_220, %mul3A_222 : vector<16xi32>
      %add3A_224 = arith.addi %mul3A_223, %iota3A : vector<16xi32>
      tpu.vector_store_idx %arg11[%add3A_224], %broadcast_in_dim3A_3 masked %eq3A_214 {add = true} : memref<4096xi32, #tpu.memory_space<vmem>>[vector<16xi32>], vector<16xi32>, vector<16xi1>
      %scan3A_225 = arith.constant 0 : i32
      scf.yield %scan3A_225 : i32
    }
    %scan3A_139 = arith.constant 1250 : i32
    %scan3A_140 = arith.constant 0 : i32
    %scan3A_141 = arith.constant 0 : i32
    %scan3A_142 = arith.constant 256 : i32
    %scan3A_143 = arith.addi %scan3A_141, %scan3A_142 : i32
    %scan3A_144 = arith.constant 1 : i32
    %scan3A_145:2 = scf.for %scan3A_206 = %scan3A_141 to %scan3A_143 step %scan3A_144 iter_args(%scan3A_207 = %scan3A_131#2, %scan3A_208 = %scan3A_140) -> (i32, i32)  : i32 {
      %sub3A_209 = arith.constant 255 : i32
      %sub3A_210 = arith.subi %sub3A_209, %scan3A_206 : i32
      %mul3A_211 = arith.constant 16 : i32
      %mul3A_212 = arith.muli %sub3A_210, %mul3A_211 : i32
      %get3A = arith.index_cast %mul3A_212 : i32 to index
      %get3A_213 = tpu.vector_load %arg11[%get3A] {strides = array<i32>} : memref<4096xi32, #tpu.memory_space<vmem>>, vector<16xi32>,
      %reduce_sum3A = arith.constant true
      %reduce_sum3A_214 = vector.broadcast %reduce_sum3A : i1 to vector<16xi1>
      %reduce_sum3A_215 = tpu.scan <sum>, %get3A_213 masked %reduce_sum3A_214 : vector<16xi32>, vector<16xi1> -> vector<16xi32>
      %reduce_sum3A_216 = vector.extract %reduce_sum3A_215[15] : i32 from vector<16xi32>
      %add3A_217 = arith.addi %scan3A_207, %reduce_sum3A_216 : i32
      %ge3A_218 = arith.constant 50 : i32
      %ge3A_219 = arith.cmpi sge, %add3A_217, %ge3A_218 : i32
      %lt3A = arith.constant 50 : i32
      %lt3A_220 = arith.cmpi slt, %scan3A_207, %lt3A : i32
      %and3A_221 = arith.andi %ge3A_219, %lt3A_220 : i1
      %select_n3A_222 = arith.select %and3A_221, %sub3A_210, %scan3A_208 : i32
      scf.yield %add3A_217, %select_n3A_222 : i32, i32
    }
    %scan3A_146 = arith.constant 256 : i32
    %shift_left3A = arith.constant 24 : i32
    %shift_left3A_147 = arith.shli %scan3A_131#1, %shift_left3A : i32
    %shift_left3A_148 = arith.constant 16 : i32
    %shift_left3A_149 = arith.shli %scan3A_145#1, %shift_left3A_148 : i32
    %or3A = arith.ori %shift_left3A_147, %shift_left3A_149 : i32
    %ge3A = arith.constant -2147483648 : i32
    %ge3A_150 = arith.cmpi uge, %or3A, %ge3A : i32
    %sub3A = arith.constant -2147483648 : i32
    %sub3A_151 = arith.subi %or3A, %sub3A : i32
    %not3A = arith.constant -1 : i32
    %not3A_152 = arith.xori %or3A, %not3A : i32
    %select_n3A = arith.select %ge3A_150, %sub3A_151, %not3A_152 : i32
    %broadcast_in_dim3A_153 = vector.broadcast %select_n3A : i32 to vector<16xi32>
    %bitcast3A = vector.bitcast %broadcast_in_dim3A_153 : vector<16xi32> to vector<16xf32>
    %scan3A_154 = arith.constant 0 : i32
    %scan3A_155 = arith.constant 0 : i32
    %scan3A_156 = arith.constant 1250 : i32
    %scan3A_157 = arith.addi %scan3A_155, %scan3A_156 : i32
    %scan3A_158 = arith.constant 1 : i32
    %scan3A_159 = scf.for %scan3A_206 = %scan3A_155 to %scan3A_157 step %scan3A_158 iter_args(%scan3A_207 = %scan3A_154) -> (i32)  : i32 {
      %mul3A_208 = arith.constant 16 : i32
      %mul3A_209 = arith.muli %scan3A_206, %mul3A_208 : i32
      %get3A = arith.index_cast %mul3A_209 : i32 to index
      %get3A_210 = tpu.vector_load %arg9[%get3A] {strides = array<i32>} : memref<20000xi32, #tpu.memory_space<vmem>>, vector<16xi32>,
      %ge3A_211 = vector.broadcast %or3A : i32 to vector<16xi32>
      %ge3A_212 = arith.cmpi uge, %get3A_210, %ge3A_211 : vector<16xi32>
      %convert_element_type3A_213 = arith.extui %ge3A_212 : vector<16xi1> to vector<16xi32>
      %reduce_max3A = arith.constant true
      %reduce_max3A_214 = vector.broadcast %reduce_max3A : i1 to vector<16xi1>
      %reduce_max3A_215 = arith.constant -2147483648 : i32
      %reduce_max3A_216 = vector.broadcast %reduce_max3A_215 : i32 to vector<16xi32>
      %reduce_max3A_217 = arith.xori %convert_element_type3A_213, %reduce_max3A_216 : vector<16xi32>
      %reduce_max3A_218 = tpu.scan <max>, %reduce_max3A_217 masked %reduce_max3A_214 : vector<16xi32>, vector<16xi1> -> vector<16xi32>
      %reduce_max3A_219 = arith.xori %reduce_max3A_218, %reduce_max3A_216 : vector<16xi32>
      %reduce_max3A_220 = vector.extract %reduce_max3A_219[15] : i32 from vector<16xi32>
      %gt3A_221 = arith.constant 0 : i32
      %gt3A_222 = arith.cmpi sgt, %reduce_max3A_220, %gt3A_221 : i32
      %convert_element_type3A_223 = arith.extui %gt3A_222 : i1 to i32
      %cond3A_224 = arith.constant 0 : i32
      %cond3A_225 = arith.cmpi ne, %convert_element_type3A_223, %cond3A_224 : i32
      scf.if %cond3A_225 {
        %add3A_227 = vector.broadcast %scan3A_207 : i32 to vector<16xi32>
        %add3A_228 = arith.addi %broadcast_in_dim3A_5, %add3A_227 : vector<16xi32>
        %add3A_229 = vector.broadcast %scan3A_206 : i32 to vector<16xi32>
        %add3A_230 = arith.addi %broadcast_in_dim3A_5, %add3A_229 : vector<16xi32>
        tpu.vector_store_idx %arg12[%add3A_228], %add3A_230 masked %eq3A_2 : memref<1280xi32, #tpu.memory_space<vmem>>[vector<16xi32>], vector<16xi32>, vector<16xi1>
      } else {
      }
      %add3A_226 = arith.addi %scan3A_207, %reduce_max3A_220 : i32
      scf.yield %add3A_226 : i32
    }
    %scan3A_160 = arith.constant 1250 : i32
    %gt3A = arith.constant 0 : i32
    %gt3A_161 = arith.cmpi sgt, %scan3A_159, %gt3A : i32
    %convert_element_type3A = arith.extui %gt3A_161 : i1 to i32
    %cond3A = arith.constant 0 : i32
    %cond3A_162 = arith.cmpi ne, %convert_element_type3A, %cond3A : i32
    scf.if %cond3A_162 {
      %get3A = arith.constant 0 : index
      %get3A_206 = tpu.vector_load %arg12[%get3A] {strides = array<i32>} : memref<1280xi32, #tpu.memory_space<vmem>>, vector<16xi32>,
      %slice3A = vector.extract_strided_slice %get3A_206 {offsets = [0], sizes = [1], strides = [1]} : vector<16xi32> to vector<1xi32>
      %squeeze3A = vector.extract %slice3A[0] : i32 from vector<1xi32>
      %mul3A_207 = arith.constant 800 : i32
      %mul3A_208 = arith.muli %squeeze3A, %mul3A_207 : i32
      %dma_start3A_209 = tpu.memref_slice %arg2[%add3A, %mul3A_208] : memref<32x1000000xf32, #tpu.memory_space<hbm>> -> memref<1x800xf32, #tpu.memory_space<hbm>>
      %dma_start3A_210 = tpu.memref_squeeze %dma_start3A_209 : memref<1x800xf32, #tpu.memory_space<hbm>> -> memref<800xf32, #tpu.memory_space<hbm>>
      %dma_start3A_211 = tpu.memref_slice %arg2[%add3A, %mul3A_208] : memref<32x1000000xf32, #tpu.memory_space<hbm>> -> memref<1x800xf32, #tpu.memory_space<hbm>>
      %dma_start3A_212 = tpu.memref_squeeze %dma_start3A_211 : memref<1x800xf32, #tpu.memory_space<hbm>> -> memref<800xf32, #tpu.memory_space<hbm>>
      tpu.enqueue_dma source(%dma_start3A_212 : memref<800xf32, #tpu.memory_space<hbm>>) target(%arg13 : memref<800xf32, #tpu.memory_space<vmem>>) target_semaphore(%arg23 : memref<!tpu.dma_semaphore, #tpu.memory_space<semaphore_mem>>)
    } else {
    }
    %add3A_163 = arith.constant 1 : i32
    %add3A_164 = arith.addi %scan3A_159, %add3A_163 : i32
    %jit3A = arith.constant 2 : i32
    %div3A = arith.divsi %add3A_164, %jit3A : i32
    %sign3A = arith.constant 0 : i32
    %sign3A_165 = arith.cmpi sgt, %add3A_164, %sign3A : i32
    %sign3A_166 = arith.extui %sign3A_165 : i1 to i32
    %sign3A_167 = arith.constant 0 : i32
    %sign3A_168 = arith.cmpi slt, %add3A_164, %sign3A_167 : i32
    %sign3A_169 = arith.extui %sign3A_168 : i1 to i32
    %sign3A_170 = arith.subi %sign3A_166, %sign3A_169 : i32
    %sign3A_171 = arith.constant 0 : i32
    %sign3A_172 = arith.cmpi sgt, %jit3A, %sign3A_171 : i32
    %sign3A_173 = arith.extui %sign3A_172 : i1 to i32
    %sign3A_174 = arith.constant 0 : i32
    %sign3A_175 = arith.cmpi slt, %jit3A, %sign3A_174 : i32
    %sign3A_176 = arith.extui %sign3A_175 : i1 to i32
    %sign3A_177 = arith.subi %sign3A_173, %sign3A_176 : i32
    %ne3A = arith.cmpi ne, %sign3A_170, %sign3A_177 : i32
    %rem3A = arith.remsi %add3A_164, %jit3A : i32
    %ne3A_178 = arith.constant 0 : i32
    %ne3A_179 = arith.cmpi ne, %rem3A, %ne3A_178 : i32
    %and3A = arith.andi %ne3A, %ne3A_179 : i1
    %sub3A_180 = arith.constant 1 : i32
    %sub3A_181 = arith.subi %div3A, %sub3A_180 : i32
    %select_n3A_182 = arith.select %and3A, %sub3A_181, %div3A : i32
    %while3A = arith.constant 0 : i32
    %while3A_183 = arith.constant 0 : i32
    %while3A_184 = arith.subi %select_n3A_182, %while3A : i32
    %while3A_185 = arith.addi %while3A, %while3A_184 : i32
    %while3A_186 = arith.constant 1 : i32
    %while3A_187 = arith.divsi %while3A_184, %while3A_186 : i32
    %while3A_188 = arith.muli %while3A_187, %while3A_186 : i32
    %while3A_189 = arith.addi %while3A, %while3A_188 : i32
    %while3A_190 = arith.constant 1 : i32
    %while3A_191 = scf.for %while3A_206 = %while3A to %while3A_189 step %while3A_190 iter_args(%while3A_207 = %while3A_183) -> (i32)  : i32 {
      %mul3A_208 = arith.constant 2 : i32
      %mul3A_209 = arith.muli %mul3A_208, %while3A_206 : i32
      %dma_wait3A_210 = arith.constant 0 : i32
      %dma_wait3A_211 = tpu.memref_slice %arg2[%add3A, %dma_wait3A_210] : memref<32x1000000xf32, #tpu.memory_space<hbm>> -> memref<1x800xf32, #tpu.memory_space<hbm>>
      %dma_wait3A_212 = tpu.memref_squeeze %dma_wait3A_211 : memref<1x800xf32, #tpu.memory_space<hbm>> -> memref<800xf32, #tpu.memory_space<hbm>>
      %dma_wait3A_213 = arith.constant 0 : i32
      %dma_wait3A_214 = tpu.memref_slice %arg2[%add3A, %dma_wait3A_213] : memref<32x1000000xf32, #tpu.memory_space<hbm>> -> memref<1x800xf32, #tpu.memory_space<hbm>>
      %dma_wait3A_215 = tpu.memref_squeeze %dma_wait3A_214 : memref<1x800xf32, #tpu.memory_space<hbm>> -> memref<800xf32, #tpu.memory_space<hbm>>
      tpu.wait_dma2 semaphore(%arg23 : memref<!tpu.dma_semaphore, #tpu.memory_space<semaphore_mem>>) src(%dma_wait3A_215 : memref<800xf32, #tpu.memory_space<hbm>>) dst(%arg13 : memref<800xf32, #tpu.memory_space<vmem>>)
      %add3A_216 = arith.constant 1 : i32
      %add3A_217 = arith.addi %mul3A_209, %add3A_216 : i32
      %lt3A = arith.cmpi slt, %add3A_217, %scan3A_159 : i32
      %convert_element_type3A_218 = arith.extui %lt3A : i1 to i32
      %cond3A_219 = arith.constant 0 : i32
      %cond3A_220 = arith.cmpi ne, %convert_element_type3A_218, %cond3A_219 : i32
      scf.if %cond3A_220 {
        %add3A_235 = arith.constant 1 : i32
        %add3A_236 = arith.addi %mul3A_209, %add3A_235 : i32
        %get3A_237 = arith.index_cast %add3A_236 : i32 to index
        %get3A_238 = tpu.vector_load %arg12[%get3A_237] {strides = array<i32>} : memref<1280xi32, #tpu.memory_space<vmem>>, vector<16xi32>,
        %slice3A_239 = vector.extract_strided_slice %get3A_238 {offsets = [0], sizes = [1], strides = [1]} : vector<16xi32> to vector<1xi32>
        %squeeze3A_240 = vector.extract %slice3A_239[0] : i32 from vector<1xi32>
        %mul3A_241 = arith.constant 800 : i32
        %mul3A_242 = arith.muli %squeeze3A_240, %mul3A_241 : i32
        %dma_start3A_243 = tpu.memref_slice %arg2[%add3A, %mul3A_242] : memref<32x1000000xf32, #tpu.memory_space<hbm>> -> memref<1x800xf32, #tpu.memory_space<hbm>>
        %dma_start3A_244 = tpu.memref_squeeze %dma_start3A_243 : memref<1x800xf32, #tpu.memory_space<hbm>> -> memref<800xf32, #tpu.memory_space<hbm>>
        %dma_start3A_245 = tpu.memref_slice %arg2[%add3A, %mul3A_242] : memref<32x1000000xf32, #tpu.memory_space<hbm>> -> memref<1x800xf32, #tpu.memory_space<hbm>>
        %dma_start3A_246 = tpu.memref_squeeze %dma_start3A_245 : memref<1x800xf32, #tpu.memory_space<hbm>> -> memref<800xf32, #tpu.memory_space<hbm>>
        tpu.enqueue_dma source(%dma_start3A_246 : memref<800xf32, #tpu.memory_space<hbm>>) target(%arg14 : memref<800xf32, #tpu.memory_space<vmem>>) target_semaphore(%arg24 : memref<!tpu.dma_semaphore, #tpu.memory_space<semaphore_mem>>)
      } else {
      }
      %get3A = arith.index_cast %mul3A_209 : i32 to index
      %get3A_221 = tpu.vector_load %arg12[%get3A] {strides = array<i32>} : memref<1280xi32, #tpu.memory_space<vmem>>, vector<16xi32>,
      %slice3A = vector.extract_strided_slice %get3A_221 {offsets = [0], sizes = [1], strides = [1]} : vector<16xi32> to vector<1xi32>
      %squeeze3A = vector.extract %slice3A[0] : i32 from vector<1xi32>
      %scan3A_222 = arith.constant 0 : i32
      %scan3A_223 = arith.constant 50 : i32
      %scan3A_224 = arith.addi %scan3A_222, %scan3A_223 : i32
      %scan3A_225 = arith.constant 1 : i32
      %scan3A_226 = scf.for %scan3A_235 = %scan3A_222 to %scan3A_224 step %scan3A_225 iter_args(%scan3A_236 = %while3A_207) -> (i32)  : i32 {
        %mul3A_237 = arith.constant 16 : i32
        %mul3A_238 = arith.muli %scan3A_235, %mul3A_237 : i32
        %get3A_239 = arith.index_cast %mul3A_238 : i32 to index
        %get3A_240 = tpu.vector_load %arg13[%get3A_239] {strides = array<i32>} : memref<800xf32, #tpu.memory_space<vmem>>, vector<16xf32>,
        %ge3A_241 = arith.cmpf oge, %get3A_240, %bitcast3A : vector<16xf32>
        %convert_element_type3A_242 = arith.extui %ge3A_241 : vector<16xi1> to vector<16xi32>
        %reduce_sum3A = arith.constant true
        %reduce_sum3A_243 = vector.broadcast %reduce_sum3A : i1 to vector<16xi1>
        %reduce_sum3A_244 = tpu.scan <sum>, %convert_element_type3A_242 masked %reduce_sum3A_243 : vector<16xi32>, vector<16xi1> -> vector<16xi32>
        %reduce_sum3A_245 = vector.extract %reduce_sum3A_244[15] : i32 from vector<16xi32>
        %gt3A_246 = arith.constant 0 : i32
        %gt3A_247 = arith.cmpi sgt, %reduce_sum3A_245, %gt3A_246 : i32
        %convert_element_type3A_248 = arith.extui %gt3A_247 : i1 to i32
        %cond3A_249 = arith.constant 0 : i32
        %cond3A_250 = arith.cmpi ne, %convert_element_type3A_248, %cond3A_249 : i32
        scf.if %cond3A_250 {
          %convert_element_type3A_252 = arith.extui %ge3A_241 : vector<16xi1> to vector<16xi32>
          %broadcast_in_dim3A_253 = arith.constant true
          %broadcast_in_dim3A_254 = vector.broadcast %broadcast_in_dim3A_253 : i1 to vector<16xi1>
          %masked_cumsum3A = tpu.scan <sum>, %convert_element_type3A_252 masked %broadcast_in_dim3A_254 : vector<16xi32>, vector<16xi1> -> vector<16xi32>
          %add3A_255 = vector.broadcast %scan3A_236 : i32 to vector<16xi32>
          %add3A_256 = arith.addi %add3A_255, %masked_cumsum3A : vector<16xi32>
          %sub3A_257 = arith.constant 1 : i32
          %sub3A_258 = vector.broadcast %sub3A_257 : i32 to vector<16xi32>
          %sub3A_259 = arith.subi %add3A_256, %sub3A_258 : vector<16xi32>
          %min3A = arith.constant 255 : i32
          %min3A_260 = vector.broadcast %min3A : i32 to vector<16xi32>
          %min3A_261 = arith.minsi %sub3A_259, %min3A_260 : vector<16xi32>
          tpu.vector_store_idx %arg15[%min3A_261], %get3A_240 masked %ge3A_241 : memref<256xf32, #tpu.memory_space<vmem>>[vector<16xi32>], vector<16xf32>, vector<16xi1>
          %mul3A_262 = arith.constant 800 : i32
          %mul3A_263 = arith.muli %squeeze3A, %mul3A_262 : i32
          %mul3A_264 = arith.constant 16 : i32
          %mul3A_265 = arith.muli %scan3A_235, %mul3A_264 : i32
          %add3A_266 = arith.addi %mul3A_263, %mul3A_265 : i32
          %add3A_267 = vector.broadcast %add3A_266 : i32 to vector<16xi32>
          %add3A_268 = arith.addi %add3A_267, %iota3A : vector<16xi32>
          tpu.vector_store_idx %arg16[%min3A_261], %add3A_268 masked %ge3A_241 : memref<256xi32, #tpu.memory_space<vmem>>[vector<16xi32>], vector<16xi32>, vector<16xi1>
        } else {
        }
        %add3A_251 = arith.addi %scan3A_236, %reduce_sum3A_245 : i32
        scf.yield %add3A_251 : i32
      }
      %scan3A_227 = arith.constant 50 : i32
      %add3A_228 = arith.constant 1 : i32
      %add3A_229 = arith.addi %mul3A_209, %add3A_228 : i32
      %lt3A_230 = arith.cmpi slt, %add3A_229, %scan3A_159 : i32
      %convert_element_type3A_231 = arith.extui %lt3A_230 : i1 to i32
      %cond3A_232 = arith.constant 0 : i32
      %cond3A_233 = arith.cmpi ne, %convert_element_type3A_231, %cond3A_232 : i32
      %cond3A_234 = scf.if %cond3A_233 -> (i32) {
        %dma_wait3A_235 = arith.constant 0 : i32
        %dma_wait3A_236 = tpu.memref_slice %arg2[%add3A, %dma_wait3A_235] : memref<32x1000000xf32, #tpu.memory_space<hbm>> -> memref<1x800xf32, #tpu.memory_space<hbm>>
        %dma_wait3A_237 = tpu.memref_squeeze %dma_wait3A_236 : memref<1x800xf32, #tpu.memory_space<hbm>> -> memref<800xf32, #tpu.memory_space<hbm>>
        %dma_wait3A_238 = arith.constant 0 : i32
        %dma_wait3A_239 = tpu.memref_slice %arg2[%add3A, %dma_wait3A_238] : memref<32x1000000xf32, #tpu.memory_space<hbm>> -> memref<1x800xf32, #tpu.memory_space<hbm>>
        %dma_wait3A_240 = tpu.memref_squeeze %dma_wait3A_239 : memref<1x800xf32, #tpu.memory_space<hbm>> -> memref<800xf32, #tpu.memory_space<hbm>>
        tpu.wait_dma2 semaphore(%arg24 : memref<!tpu.dma_semaphore, #tpu.memory_space<semaphore_mem>>) src(%dma_wait3A_240 : memref<800xf32, #tpu.memory_space<hbm>>) dst(%arg14 : memref<800xf32, #tpu.memory_space<vmem>>)
        %add3A_241 = arith.constant 2 : i32
        %add3A_242 = arith.addi %mul3A_209, %add3A_241 : i32
        %lt3A_243 = arith.cmpi slt, %add3A_242, %scan3A_159 : i32
        %convert_element_type3A_244 = arith.extui %lt3A_243 : i1 to i32
        %cond3A_245 = arith.constant 0 : i32
        %cond3A_246 = arith.cmpi ne, %convert_element_type3A_244, %cond3A_245 : i32
        scf.if %cond3A_246 {
          %add3A_259 = arith.constant 2 : i32
          %add3A_260 = arith.addi %mul3A_209, %add3A_259 : i32
          %get3A_261 = arith.index_cast %add3A_260 : i32 to index
          %get3A_262 = tpu.vector_load %arg12[%get3A_261] {strides = array<i32>} : memref<1280xi32, #tpu.memory_space<vmem>>, vector<16xi32>,
          %slice3A_263 = vector.extract_strided_slice %get3A_262 {offsets = [0], sizes = [1], strides = [1]} : vector<16xi32> to vector<1xi32>
          %squeeze3A_264 = vector.extract %slice3A_263[0] : i32 from vector<1xi32>
          %mul3A_265 = arith.constant 800 : i32
          %mul3A_266 = arith.muli %squeeze3A_264, %mul3A_265 : i32
          %dma_start3A_267 = tpu.memref_slice %arg2[%add3A, %mul3A_266] : memref<32x1000000xf32, #tpu.memory_space<hbm>> -> memref<1x800xf32, #tpu.memory_space<hbm>>
          %dma_start3A_268 = tpu.memref_squeeze %dma_start3A_267 : memref<1x800xf32, #tpu.memory_space<hbm>> -> memref<800xf32, #tpu.memory_space<hbm>>
          %dma_start3A_269 = tpu.memref_slice %arg2[%add3A, %mul3A_266] : memref<32x1000000xf32, #tpu.memory_space<hbm>> -> memref<1x800xf32, #tpu.memory_space<hbm>>
          %dma_start3A_270 = tpu.memref_squeeze %dma_start3A_269 : memref<1x800xf32, #tpu.memory_space<hbm>> -> memref<800xf32, #tpu.memory_space<hbm>>
          tpu.enqueue_dma source(%dma_start3A_270 : memref<800xf32, #tpu.memory_space<hbm>>) target(%arg13 : memref<800xf32, #tpu.memory_space<vmem>>) target_semaphore(%arg23 : memref<!tpu.dma_semaphore, #tpu.memory_space<semaphore_mem>>)
        } else {
        }
        %add3A_247 = arith.constant 1 : i32
        %add3A_248 = arith.addi %mul3A_209, %add3A_247 : i32
        %get3A_249 = arith.index_cast %add3A_248 : i32 to index
        %get3A_250 = tpu.vector_load %arg12[%get3A_249] {strides = array<i32>} : memref<1280xi32, #tpu.memory_space<vmem>>, vector<16xi32>,
        %slice3A_251 = vector.extract_strided_slice %get3A_250 {offsets = [0], sizes = [1], strides = [1]} : vector<16xi32> to vector<1xi32>
        %squeeze3A_252 = vector.extract %slice3A_251[0] : i32 from vector<1xi32>
        %scan3A_253 = arith.constant 0 : i32
        %scan3A_254 = arith.constant 50 : i32
        %scan3A_255 = arith.addi %scan3A_253, %scan3A_254 : i32
        %scan3A_256 = arith.constant 1 : i32
        %scan3A_257 = scf.for %scan3A_259 = %scan3A_253 to %scan3A_255 step %scan3A_256 iter_args(%scan3A_260 = %scan3A_226) -> (i32)  : i32 {
          %mul3A_261 = arith.constant 16 : i32
          %mul3A_262 = arith.muli %scan3A_259, %mul3A_261 : i32
          %get3A_263 = arith.index_cast %mul3A_262 : i32 to index
          %get3A_264 = tpu.vector_load %arg14[%get3A_263] {strides = array<i32>} : memref<800xf32, #tpu.memory_space<vmem>>, vector<16xf32>,
          %ge3A_265 = arith.cmpf oge, %get3A_264, %bitcast3A : vector<16xf32>
          %convert_element_type3A_266 = arith.extui %ge3A_265 : vector<16xi1> to vector<16xi32>
          %reduce_sum3A = arith.constant true
          %reduce_sum3A_267 = vector.broadcast %reduce_sum3A : i1 to vector<16xi1>
          %reduce_sum3A_268 = tpu.scan <sum>, %convert_element_type3A_266 masked %reduce_sum3A_267 : vector<16xi32>, vector<16xi1> -> vector<16xi32>
          %reduce_sum3A_269 = vector.extract %reduce_sum3A_268[15] : i32 from vector<16xi32>
          %gt3A_270 = arith.constant 0 : i32
          %gt3A_271 = arith.cmpi sgt, %reduce_sum3A_269, %gt3A_270 : i32
          %convert_element_type3A_272 = arith.extui %gt3A_271 : i1 to i32
          %cond3A_273 = arith.constant 0 : i32
          %cond3A_274 = arith.cmpi ne, %convert_element_type3A_272, %cond3A_273 : i32
          scf.if %cond3A_274 {
            %convert_element_type3A_276 = arith.extui %ge3A_265 : vector<16xi1> to vector<16xi32>
            %broadcast_in_dim3A_277 = arith.constant true
            %broadcast_in_dim3A_278 = vector.broadcast %broadcast_in_dim3A_277 : i1 to vector<16xi1>
            %masked_cumsum3A = tpu.scan <sum>, %convert_element_type3A_276 masked %broadcast_in_dim3A_278 : vector<16xi32>, vector<16xi1> -> vector<16xi32>
            %add3A_279 = vector.broadcast %scan3A_260 : i32 to vector<16xi32>
            %add3A_280 = arith.addi %add3A_279, %masked_cumsum3A : vector<16xi32>
            %sub3A_281 = arith.constant 1 : i32
            %sub3A_282 = vector.broadcast %sub3A_281 : i32 to vector<16xi32>
            %sub3A_283 = arith.subi %add3A_280, %sub3A_282 : vector<16xi32>
            %min3A = arith.constant 255 : i32
            %min3A_284 = vector.broadcast %min3A : i32 to vector<16xi32>
            %min3A_285 = arith.minsi %sub3A_283, %min3A_284 : vector<16xi32>
            tpu.vector_store_idx %arg15[%min3A_285], %get3A_264 masked %ge3A_265 : memref<256xf32, #tpu.memory_space<vmem>>[vector<16xi32>], vector<16xf32>, vector<16xi1>
            %mul3A_286 = arith.constant 800 : i32
            %mul3A_287 = arith.muli %squeeze3A_252, %mul3A_286 : i32
            %mul3A_288 = arith.constant 16 : i32
            %mul3A_289 = arith.muli %scan3A_259, %mul3A_288 : i32
            %add3A_290 = arith.addi %mul3A_287, %mul3A_289 : i32
            %add3A_291 = vector.broadcast %add3A_290 : i32 to vector<16xi32>
            %add3A_292 = arith.addi %add3A_291, %iota3A : vector<16xi32>
            tpu.vector_store_idx %arg16[%min3A_285], %add3A_292 masked %ge3A_265 : memref<256xi32, #tpu.memory_space<vmem>>[vector<16xi32>], vector<16xi32>, vector<16xi1>
          } else {
          }
          %add3A_275 = arith.addi %scan3A_260, %reduce_sum3A_269 : i32
          scf.yield %add3A_275 : i32
        }
        %scan3A_258 = arith.constant 50 : i32
        scf.yield %scan3A_257 : i32
      } else {
        scf.yield %scan3A_226 : i32
      }
      scf.yield %cond3A_234 : i32
    }
    %while3A_192 = arith.constant 1 : i32
    %while3A_193 = scf.for %while3A_206 = %while3A_189 to %while3A_185 step %while3A_192 iter_args(%while3A_207 = %while3A_191) -> (i32)  : i32 {
      %mul3A_208 = arith.constant 2 : i32
      %mul3A_209 = arith.muli %mul3A_208, %while3A_206 : i32
      %dma_wait3A_210 = arith.constant 0 : i32
      %dma_wait3A_211 = tpu.memref_slice %arg2[%add3A, %dma_wait3A_210] : memref<32x1000000xf32, #tpu.memory_space<hbm>> -> memref<1x800xf32, #tpu.memory_space<hbm>>
      %dma_wait3A_212 = tpu.memref_squeeze %dma_wait3A_211 : memref<1x800xf32, #tpu.memory_space<hbm>> -> memref<800xf32, #tpu.memory_space<hbm>>
      %dma_wait3A_213 = arith.constant 0 : i32
      %dma_wait3A_214 = tpu.memref_slice %arg2[%add3A, %dma_wait3A_213] : memref<32x1000000xf32, #tpu.memory_space<hbm>> -> memref<1x800xf32, #tpu.memory_space<hbm>>
      %dma_wait3A_215 = tpu.memref_squeeze %dma_wait3A_214 : memref<1x800xf32, #tpu.memory_space<hbm>> -> memref<800xf32, #tpu.memory_space<hbm>>
      tpu.wait_dma2 semaphore(%arg23 : memref<!tpu.dma_semaphore, #tpu.memory_space<semaphore_mem>>) src(%dma_wait3A_215 : memref<800xf32, #tpu.memory_space<hbm>>) dst(%arg13 : memref<800xf32, #tpu.memory_space<vmem>>)
      %add3A_216 = arith.constant 1 : i32
      %add3A_217 = arith.addi %mul3A_209, %add3A_216 : i32
      %lt3A = arith.cmpi slt, %add3A_217, %scan3A_159 : i32
      %convert_element_type3A_218 = arith.extui %lt3A : i1 to i32
      %cond3A_219 = arith.constant 0 : i32
      %cond3A_220 = arith.cmpi ne, %convert_element_type3A_218, %cond3A_219 : i32
      scf.if %cond3A_220 {
        %add3A_235 = arith.constant 1 : i32
        %add3A_236 = arith.addi %mul3A_209, %add3A_235 : i32
        %get3A_237 = arith.index_cast %add3A_236 : i32 to index
        %get3A_238 = tpu.vector_load %arg12[%get3A_237] {strides = array<i32>} : memref<1280xi32, #tpu.memory_space<vmem>>, vector<16xi32>,
        %slice3A_239 = vector.extract_strided_slice %get3A_238 {offsets = [0], sizes = [1], strides = [1]} : vector<16xi32> to vector<1xi32>
        %squeeze3A_240 = vector.extract %slice3A_239[0] : i32 from vector<1xi32>
        %mul3A_241 = arith.constant 800 : i32
        %mul3A_242 = arith.muli %squeeze3A_240, %mul3A_241 : i32
        %dma_start3A_243 = tpu.memref_slice %arg2[%add3A, %mul3A_242] : memref<32x1000000xf32, #tpu.memory_space<hbm>> -> memref<1x800xf32, #tpu.memory_space<hbm>>
        %dma_start3A_244 = tpu.memref_squeeze %dma_start3A_243 : memref<1x800xf32, #tpu.memory_space<hbm>> -> memref<800xf32, #tpu.memory_space<hbm>>
        %dma_start3A_245 = tpu.memref_slice %arg2[%add3A, %mul3A_242] : memref<32x1000000xf32, #tpu.memory_space<hbm>> -> memref<1x800xf32, #tpu.memory_space<hbm>>
        %dma_start3A_246 = tpu.memref_squeeze %dma_start3A_245 : memref<1x800xf32, #tpu.memory_space<hbm>> -> memref<800xf32, #tpu.memory_space<hbm>>
        tpu.enqueue_dma source(%dma_start3A_246 : memref<800xf32, #tpu.memory_space<hbm>>) target(%arg14 : memref<800xf32, #tpu.memory_space<vmem>>) target_semaphore(%arg24 : memref<!tpu.dma_semaphore, #tpu.memory_space<semaphore_mem>>)
      } else {
      }
      %get3A = arith.index_cast %mul3A_209 : i32 to index
      %get3A_221 = tpu.vector_load %arg12[%get3A] {strides = array<i32>} : memref<1280xi32, #tpu.memory_space<vmem>>, vector<16xi32>,
      %slice3A = vector.extract_strided_slice %get3A_221 {offsets = [0], sizes = [1], strides = [1]} : vector<16xi32> to vector<1xi32>
      %squeeze3A = vector.extract %slice3A[0] : i32 from vector<1xi32>
      %scan3A_222 = arith.constant 0 : i32
      %scan3A_223 = arith.constant 50 : i32
      %scan3A_224 = arith.addi %scan3A_222, %scan3A_223 : i32
      %scan3A_225 = arith.constant 1 : i32
      %scan3A_226 = scf.for %scan3A_235 = %scan3A_222 to %scan3A_224 step %scan3A_225 iter_args(%scan3A_236 = %while3A_207) -> (i32)  : i32 {
        %mul3A_237 = arith.constant 16 : i32
        %mul3A_238 = arith.muli %scan3A_235, %mul3A_237 : i32
        %get3A_239 = arith.index_cast %mul3A_238 : i32 to index
        %get3A_240 = tpu.vector_load %arg13[%get3A_239] {strides = array<i32>} : memref<800xf32, #tpu.memory_space<vmem>>, vector<16xf32>,
        %ge3A_241 = arith.cmpf oge, %get3A_240, %bitcast3A : vector<16xf32>
        %convert_element_type3A_242 = arith.extui %ge3A_241 : vector<16xi1> to vector<16xi32>
        %reduce_sum3A = arith.constant true
        %reduce_sum3A_243 = vector.broadcast %reduce_sum3A : i1 to vector<16xi1>
        %reduce_sum3A_244 = tpu.scan <sum>, %convert_element_type3A_242 masked %reduce_sum3A_243 : vector<16xi32>, vector<16xi1> -> vector<16xi32>
        %reduce_sum3A_245 = vector.extract %reduce_sum3A_244[15] : i32 from vector<16xi32>
        %gt3A_246 = arith.constant 0 : i32
        %gt3A_247 = arith.cmpi sgt, %reduce_sum3A_245, %gt3A_246 : i32
        %convert_element_type3A_248 = arith.extui %gt3A_247 : i1 to i32
        %cond3A_249 = arith.constant 0 : i32
        %cond3A_250 = arith.cmpi ne, %convert_element_type3A_248, %cond3A_249 : i32
        scf.if %cond3A_250 {
          %convert_element_type3A_252 = arith.extui %ge3A_241 : vector<16xi1> to vector<16xi32>
          %broadcast_in_dim3A_253 = arith.constant true
          %broadcast_in_dim3A_254 = vector.broadcast %broadcast_in_dim3A_253 : i1 to vector<16xi1>
          %masked_cumsum3A = tpu.scan <sum>, %convert_element_type3A_252 masked %broadcast_in_dim3A_254 : vector<16xi32>, vector<16xi1> -> vector<16xi32>
          %add3A_255 = vector.broadcast %scan3A_236 : i32 to vector<16xi32>
          %add3A_256 = arith.addi %add3A_255, %masked_cumsum3A : vector<16xi32>
          %sub3A_257 = arith.constant 1 : i32
          %sub3A_258 = vector.broadcast %sub3A_257 : i32 to vector<16xi32>
          %sub3A_259 = arith.subi %add3A_256, %sub3A_258 : vector<16xi32>
          %min3A = arith.constant 255 : i32
          %min3A_260 = vector.broadcast %min3A : i32 to vector<16xi32>
          %min3A_261 = arith.minsi %sub3A_259, %min3A_260 : vector<16xi32>
          tpu.vector_store_idx %arg15[%min3A_261], %get3A_240 masked %ge3A_241 : memref<256xf32, #tpu.memory_space<vmem>>[vector<16xi32>], vector<16xf32>, vector<16xi1>
          %mul3A_262 = arith.constant 800 : i32
          %mul3A_263 = arith.muli %squeeze3A, %mul3A_262 : i32
          %mul3A_264 = arith.constant 16 : i32
          %mul3A_265 = arith.muli %scan3A_235, %mul3A_264 : i32
          %add3A_266 = arith.addi %mul3A_263, %mul3A_265 : i32
          %add3A_267 = vector.broadcast %add3A_266 : i32 to vector<16xi32>
          %add3A_268 = arith.addi %add3A_267, %iota3A : vector<16xi32>
          tpu.vector_store_idx %arg16[%min3A_261], %add3A_268 masked %ge3A_241 : memref<256xi32, #tpu.memory_space<vmem>>[vector<16xi32>], vector<16xi32>, vector<16xi1>
        } else {
        }
        %add3A_251 = arith.addi %scan3A_236, %reduce_sum3A_245 : i32
        scf.yield %add3A_251 : i32
      }
      %scan3A_227 = arith.constant 50 : i32
      %add3A_228 = arith.constant 1 : i32
      %add3A_229 = arith.addi %mul3A_209, %add3A_228 : i32
      %lt3A_230 = arith.cmpi slt, %add3A_229, %scan3A_159 : i32
      %convert_element_type3A_231 = arith.extui %lt3A_230 : i1 to i32
      %cond3A_232 = arith.constant 0 : i32
      %cond3A_233 = arith.cmpi ne, %convert_element_type3A_231, %cond3A_232 : i32
      %cond3A_234 = scf.if %cond3A_233 -> (i32) {
        %dma_wait3A_235 = arith.constant 0 : i32
        %dma_wait3A_236 = tpu.memref_slice %arg2[%add3A, %dma_wait3A_235] : memref<32x1000000xf32, #tpu.memory_space<hbm>> -> memref<1x800xf32, #tpu.memory_space<hbm>>
        %dma_wait3A_237 = tpu.memref_squeeze %dma_wait3A_236 : memref<1x800xf32, #tpu.memory_space<hbm>> -> memref<800xf32, #tpu.memory_space<hbm>>
        %dma_wait3A_238 = arith.constant 0 : i32
        %dma_wait3A_239 = tpu.memref_slice %arg2[%add3A, %dma_wait3A_238] : memref<32x1000000xf32, #tpu.memory_space<hbm>> -> memref<1x800xf32, #tpu.memory_space<hbm>>
        %dma_wait3A_240 = tpu.memref_squeeze %dma_wait3A_239 : memref<1x800xf32, #tpu.memory_space<hbm>> -> memref<800xf32, #tpu.memory_space<hbm>>
        tpu.wait_dma2 semaphore(%arg24 : memref<!tpu.dma_semaphore, #tpu.memory_space<semaphore_mem>>) src(%dma_wait3A_240 : memref<800xf32, #tpu.memory_space<hbm>>) dst(%arg14 : memref<800xf32, #tpu.memory_space<vmem>>)
        %add3A_241 = arith.constant 2 : i32
        %add3A_242 = arith.addi %mul3A_209, %add3A_241 : i32
        %lt3A_243 = arith.cmpi slt, %add3A_242, %scan3A_159 : i32
        %convert_element_type3A_244 = arith.extui %lt3A_243 : i1 to i32
        %cond3A_245 = arith.constant 0 : i32
        %cond3A_246 = arith.cmpi ne, %convert_element_type3A_244, %cond3A_245 : i32
        scf.if %cond3A_246 {
          %add3A_259 = arith.constant 2 : i32
          %add3A_260 = arith.addi %mul3A_209, %add3A_259 : i32
          %get3A_261 = arith.index_cast %add3A_260 : i32 to index
          %get3A_262 = tpu.vector_load %arg12[%get3A_261] {strides = array<i32>} : memref<1280xi32, #tpu.memory_space<vmem>>, vector<16xi32>,
          %slice3A_263 = vector.extract_strided_slice %get3A_262 {offsets = [0], sizes = [1], strides = [1]} : vector<16xi32> to vector<1xi32>
          %squeeze3A_264 = vector.extract %slice3A_263[0] : i32 from vector<1xi32>
          %mul3A_265 = arith.constant 800 : i32
          %mul3A_266 = arith.muli %squeeze3A_264, %mul3A_265 : i32
          %dma_start3A_267 = tpu.memref_slice %arg2[%add3A, %mul3A_266] : memref<32x1000000xf32, #tpu.memory_space<hbm>> -> memref<1x800xf32, #tpu.memory_space<hbm>>
          %dma_start3A_268 = tpu.memref_squeeze %dma_start3A_267 : memref<1x800xf32, #tpu.memory_space<hbm>> -> memref<800xf32, #tpu.memory_space<hbm>>
          %dma_start3A_269 = tpu.memref_slice %arg2[%add3A, %mul3A_266] : memref<32x1000000xf32, #tpu.memory_space<hbm>> -> memref<1x800xf32, #tpu.memory_space<hbm>>
          %dma_start3A_270 = tpu.memref_squeeze %dma_start3A_269 : memref<1x800xf32, #tpu.memory_space<hbm>> -> memref<800xf32, #tpu.memory_space<hbm>>
          tpu.enqueue_dma source(%dma_start3A_270 : memref<800xf32, #tpu.memory_space<hbm>>) target(%arg13 : memref<800xf32, #tpu.memory_space<vmem>>) target_semaphore(%arg23 : memref<!tpu.dma_semaphore, #tpu.memory_space<semaphore_mem>>)
        } else {
        }
        %add3A_247 = arith.constant 1 : i32
        %add3A_248 = arith.addi %mul3A_209, %add3A_247 : i32
        %get3A_249 = arith.index_cast %add3A_248 : i32 to index
        %get3A_250 = tpu.vector_load %arg12[%get3A_249] {strides = array<i32>} : memref<1280xi32, #tpu.memory_space<vmem>>, vector<16xi32>,
        %slice3A_251 = vector.extract_strided_slice %get3A_250 {offsets = [0], sizes = [1], strides = [1]} : vector<16xi32> to vector<1xi32>
        %squeeze3A_252 = vector.extract %slice3A_251[0] : i32 from vector<1xi32>
        %scan3A_253 = arith.constant 0 : i32
        %scan3A_254 = arith.constant 50 : i32
        %scan3A_255 = arith.addi %scan3A_253, %scan3A_254 : i32
        %scan3A_256 = arith.constant 1 : i32
        %scan3A_257 = scf.for %scan3A_259 = %scan3A_253 to %scan3A_255 step %scan3A_256 iter_args(%scan3A_260 = %scan3A_226) -> (i32)  : i32 {
          %mul3A_261 = arith.constant 16 : i32
          %mul3A_262 = arith.muli %scan3A_259, %mul3A_261 : i32
          %get3A_263 = arith.index_cast %mul3A_262 : i32 to index
          %get3A_264 = tpu.vector_load %arg14[%get3A_263] {strides = array<i32>} : memref<800xf32, #tpu.memory_space<vmem>>, vector<16xf32>,
          %ge3A_265 = arith.cmpf oge, %get3A_264, %bitcast3A : vector<16xf32>
          %convert_element_type3A_266 = arith.extui %ge3A_265 : vector<16xi1> to vector<16xi32>
          %reduce_sum3A = arith.constant true
          %reduce_sum3A_267 = vector.broadcast %reduce_sum3A : i1 to vector<16xi1>
          %reduce_sum3A_268 = tpu.scan <sum>, %convert_element_type3A_266 masked %reduce_sum3A_267 : vector<16xi32>, vector<16xi1> -> vector<16xi32>
          %reduce_sum3A_269 = vector.extract %reduce_sum3A_268[15] : i32 from vector<16xi32>
          %gt3A_270 = arith.constant 0 : i32
          %gt3A_271 = arith.cmpi sgt, %reduce_sum3A_269, %gt3A_270 : i32
          %convert_element_type3A_272 = arith.extui %gt3A_271 : i1 to i32
          %cond3A_273 = arith.constant 0 : i32
          %cond3A_274 = arith.cmpi ne, %convert_element_type3A_272, %cond3A_273 : i32
          scf.if %cond3A_274 {
            %convert_element_type3A_276 = arith.extui %ge3A_265 : vector<16xi1> to vector<16xi32>
            %broadcast_in_dim3A_277 = arith.constant true
            %broadcast_in_dim3A_278 = vector.broadcast %broadcast_in_dim3A_277 : i1 to vector<16xi1>
            %masked_cumsum3A = tpu.scan <sum>, %convert_element_type3A_276 masked %broadcast_in_dim3A_278 : vector<16xi32>, vector<16xi1> -> vector<16xi32>
            %add3A_279 = vector.broadcast %scan3A_260 : i32 to vector<16xi32>
            %add3A_280 = arith.addi %add3A_279, %masked_cumsum3A : vector<16xi32>
            %sub3A_281 = arith.constant 1 : i32
            %sub3A_282 = vector.broadcast %sub3A_281 : i32 to vector<16xi32>
            %sub3A_283 = arith.subi %add3A_280, %sub3A_282 : vector<16xi32>
            %min3A = arith.constant 255 : i32
            %min3A_284 = vector.broadcast %min3A : i32 to vector<16xi32>
            %min3A_285 = arith.minsi %sub3A_283, %min3A_284 : vector<16xi32>
            tpu.vector_store_idx %arg15[%min3A_285], %get3A_264 masked %ge3A_265 : memref<256xf32, #tpu.memory_space<vmem>>[vector<16xi32>], vector<16xf32>, vector<16xi1>
            %mul3A_286 = arith.constant 800 : i32
            %mul3A_287 = arith.muli %squeeze3A_252, %mul3A_286 : i32
            %mul3A_288 = arith.constant 16 : i32
            %mul3A_289 = arith.muli %scan3A_259, %mul3A_288 : i32
            %add3A_290 = arith.addi %mul3A_287, %mul3A_289 : i32
            %add3A_291 = vector.broadcast %add3A_290 : i32 to vector<16xi32>
            %add3A_292 = arith.addi %add3A_291, %iota3A : vector<16xi32>
            tpu.vector_store_idx %arg16[%min3A_285], %add3A_292 masked %ge3A_265 : memref<256xi32, #tpu.memory_space<vmem>>[vector<16xi32>], vector<16xi32>, vector<16xi1>
          } else {
          }
          %add3A_275 = arith.addi %scan3A_260, %reduce_sum3A_269 : i32
          scf.yield %add3A_275 : i32
        }
        %scan3A_258 = arith.constant 50 : i32
        scf.yield %scan3A_257 : i32
      } else {
        scf.yield %scan3A_226 : i32
      }
      scf.yield %cond3A_234 : i32
    }
    %scan3A_194 = arith.constant 2147483647 : i32
    %scan3A_195 = arith.constant 0 : i32
    %scan3A_196 = arith.constant 0 : i32
    %scan3A_197 = arith.constant 50 : i32
    %scan3A_198 = arith.addi %scan3A_196, %scan3A_197 : i32
    %scan3A_199 = arith.constant 1 : i32
    %scan3A_200 = scf.for %scan3A_206 = %scan3A_196 to %scan3A_198 step %scan3A_199 iter_args(%scan3A_207 = %scan3A_195) -> (i32)  : i32 {
      %add3A_208 = vector.broadcast %scan3A_194 : i32 to vector<16xi32>
      %add3A_209 = arith.addi %broadcast_in_dim3A_5, %add3A_208 : vector<16xi32>
      %get3A = arith.constant 0 : index
      %get3A_210 = tpu.vector_load %arg15[%get3A] {strides = array<i32>} : memref<256xf32, #tpu.memory_space<vmem>>, vector<16xf32>,
      %get3A_211 = arith.constant 0 : index
      %get3A_212 = tpu.vector_load %arg16[%get3A_211] {strides = array<i32>} : memref<256xi32, #tpu.memory_space<vmem>>, vector<16xi32>,
      %gt3A_213 = arith.cmpf ogt, %get3A_210, %broadcast_in_dim3A_7 : vector<16xf32>
      %eq3A_214 = arith.cmpf oeq, %get3A_210, %broadcast_in_dim3A_7 : vector<16xf32>
      %lt3A = arith.cmpi slt, %get3A_212, %add3A_209 : vector<16xi32>
      %and3A_215 = arith.andi %eq3A_214, %lt3A : vector<16xi1>
      %or3A_216 = arith.ori %gt3A_213, %and3A_215 : vector<16xi1>
      %select_n3A_217 = arith.select %or3A_216, %get3A_210, %broadcast_in_dim3A_7 : vector<16xi1>, vector<16xf32>
      %select_n3A_218 = arith.select %or3A_216, %get3A_212, %add3A_209 : vector<16xi1>, vector<16xi32>
      %get3A_219 = arith.constant 16 : index
      %get3A_220 = tpu.vector_load %arg15[%get3A_219] {strides = array<i32>} : memref<256xf32, #tpu.memory_space<vmem>>, vector<16xf32>,
      %get3A_221 = arith.constant 16 : index
      %get3A_222 = tpu.vector_load %arg16[%get3A_221] {strides = array<i32>} : memref<256xi32, #tpu.memory_space<vmem>>, vector<16xi32>,
      %gt3A_223 = arith.cmpf ogt, %get3A_220, %select_n3A_217 : vector<16xf32>
      %eq3A_224 = arith.cmpf oeq, %get3A_220, %select_n3A_217 : vector<16xf32>
      %lt3A_225 = arith.cmpi slt, %get3A_222, %select_n3A_218 : vector<16xi32>
      %and3A_226 = arith.andi %eq3A_224, %lt3A_225 : vector<16xi1>
      %or3A_227 = arith.ori %gt3A_223, %and3A_226 : vector<16xi1>
      %select_n3A_228 = arith.select %or3A_227, %get3A_220, %select_n3A_217 : vector<16xi1>, vector<16xf32>
      %select_n3A_229 = arith.select %or3A_227, %get3A_222, %select_n3A_218 : vector<16xi1>, vector<16xi32>
      %get3A_230 = arith.constant 32 : index
      %get3A_231 = tpu.vector_load %arg15[%get3A_230] {strides = array<i32>} : memref<256xf32, #tpu.memory_space<vmem>>, vector<16xf32>,
      %get3A_232 = arith.constant 32 : index
      %get3A_233 = tpu.vector_load %arg16[%get3A_232] {strides = array<i32>} : memref<256xi32, #tpu.memory_space<vmem>>, vector<16xi32>,
      %gt3A_234 = arith.cmpf ogt, %get3A_231, %select_n3A_228 : vector<16xf32>
      %eq3A_235 = arith.cmpf oeq, %get3A_231, %select_n3A_228 : vector<16xf32>
      %lt3A_236 = arith.cmpi slt, %get3A_233, %select_n3A_229 : vector<16xi32>
      %and3A_237 = arith.andi %eq3A_235, %lt3A_236 : vector<16xi1>
      %or3A_238 = arith.ori %gt3A_234, %and3A_237 : vector<16xi1>
      %select_n3A_239 = arith.select %or3A_238, %get3A_231, %select_n3A_228 : vector<16xi1>, vector<16xf32>
      %select_n3A_240 = arith.select %or3A_238, %get3A_233, %select_n3A_229 : vector<16xi1>, vector<16xi32>
      %get3A_241 = arith.constant 48 : index
      %get3A_242 = tpu.vector_load %arg15[%get3A_241] {strides = array<i32>} : memref<256xf32, #tpu.memory_space<vmem>>, vector<16xf32>,
      %get3A_243 = arith.constant 48 : index
      %get3A_244 = tpu.vector_load %arg16[%get3A_243] {strides = array<i32>} : memref<256xi32, #tpu.memory_space<vmem>>, vector<16xi32>,
      %gt3A_245 = arith.cmpf ogt, %get3A_242, %select_n3A_239 : vector<16xf32>
      %eq3A_246 = arith.cmpf oeq, %get3A_242, %select_n3A_239 : vector<16xf32>
      %lt3A_247 = arith.cmpi slt, %get3A_244, %select_n3A_240 : vector<16xi32>
      %and3A_248 = arith.andi %eq3A_246, %lt3A_247 : vector<16xi1>
      %or3A_249 = arith.ori %gt3A_245, %and3A_248 : vector<16xi1>
      %select_n3A_250 = arith.select %or3A_249, %get3A_242, %select_n3A_239 : vector<16xi1>, vector<16xf32>
      %select_n3A_251 = arith.select %or3A_249, %get3A_244, %select_n3A_240 : vector<16xi1>, vector<16xi32>
      %get3A_252 = arith.constant 64 : index
      %get3A_253 = tpu.vector_load %arg15[%get3A_252] {strides = array<i32>} : memref<256xf32, #tpu.memory_space<vmem>>, vector<16xf32>,
      %get3A_254 = arith.constant 64 : index
      %get3A_255 = tpu.vector_load %arg16[%get3A_254] {strides = array<i32>} : memref<256xi32, #tpu.memory_space<vmem>>, vector<16xi32>,
      %gt3A_256 = arith.cmpf ogt, %get3A_253, %select_n3A_250 : vector<16xf32>
      %eq3A_257 = arith.cmpf oeq, %get3A_253, %select_n3A_250 : vector<16xf32>
      %lt3A_258 = arith.cmpi slt, %get3A_255, %select_n3A_251 : vector<16xi32>
      %and3A_259 = arith.andi %eq3A_257, %lt3A_258 : vector<16xi1>
      %or3A_260 = arith.ori %gt3A_256, %and3A_259 : vector<16xi1>
      %select_n3A_261 = arith.select %or3A_260, %get3A_253, %select_n3A_250 : vector<16xi1>, vector<16xf32>
      %select_n3A_262 = arith.select %or3A_260, %get3A_255, %select_n3A_251 : vector<16xi1>, vector<16xi32>
      %get3A_263 = arith.constant 80 : index
      %get3A_264 = tpu.vector_load %arg15[%get3A_263] {strides = array<i32>} : memref<256xf32, #tpu.memory_space<vmem>>, vector<16xf32>,
      %get3A_265 = arith.constant 80 : index
      %get3A_266 = tpu.vector_load %arg16[%get3A_265] {strides = array<i32>} : memref<256xi32, #tpu.memory_space<vmem>>, vector<16xi32>,
      %gt3A_267 = arith.cmpf ogt, %get3A_264, %select_n3A_261 : vector<16xf32>
      %eq3A_268 = arith.cmpf oeq, %get3A_264, %select_n3A_261 : vector<16xf32>
      %lt3A_269 = arith.cmpi slt, %get3A_266, %select_n3A_262 : vector<16xi32>
      %and3A_270 = arith.andi %eq3A_268, %lt3A_269 : vector<16xi1>
      %or3A_271 = arith.ori %gt3A_267, %and3A_270 : vector<16xi1>
      %select_n3A_272 = arith.select %or3A_271, %get3A_264, %select_n3A_261 : vector<16xi1>, vector<16xf32>
      %select_n3A_273 = arith.select %or3A_271, %get3A_266, %select_n3A_262 : vector<16xi1>, vector<16xi32>
      %get3A_274 = arith.constant 96 : index
      %get3A_275 = tpu.vector_load %arg15[%get3A_274] {strides = array<i32>} : memref<256xf32, #tpu.memory_space<vmem>>, vector<16xf32>,
      %get3A_276 = arith.constant 96 : index
      %get3A_277 = tpu.vector_load %arg16[%get3A_276] {strides = array<i32>} : memref<256xi32, #tpu.memory_space<vmem>>, vector<16xi32>,
      %gt3A_278 = arith.cmpf ogt, %get3A_275, %select_n3A_272 : vector<16xf32>
      %eq3A_279 = arith.cmpf oeq, %get3A_275, %select_n3A_272 : vector<16xf32>
      %lt3A_280 = arith.cmpi slt, %get3A_277, %select_n3A_273 : vector<16xi32>
      %and3A_281 = arith.andi %eq3A_279, %lt3A_280 : vector<16xi1>
      %or3A_282 = arith.ori %gt3A_278, %and3A_281 : vector<16xi1>
      %select_n3A_283 = arith.select %or3A_282, %get3A_275, %select_n3A_272 : vector<16xi1>, vector<16xf32>
      %select_n3A_284 = arith.select %or3A_282, %get3A_277, %select_n3A_273 : vector<16xi1>, vector<16xi32>
      %get3A_285 = arith.constant 112 : index
      %get3A_286 = tpu.vector_load %arg15[%get3A_285] {strides = array<i32>} : memref<256xf32, #tpu.memory_space<vmem>>, vector<16xf32>,
      %get3A_287 = arith.constant 112 : index
      %get3A_288 = tpu.vector_load %arg16[%get3A_287] {strides = array<i32>} : memref<256xi32, #tpu.memory_space<vmem>>, vector<16xi32>,
      %gt3A_289 = arith.cmpf ogt, %get3A_286, %select_n3A_283 : vector<16xf32>
      %eq3A_290 = arith.cmpf oeq, %get3A_286, %select_n3A_283 : vector<16xf32>
      %lt3A_291 = arith.cmpi slt, %get3A_288, %select_n3A_284 : vector<16xi32>
      %and3A_292 = arith.andi %eq3A_290, %lt3A_291 : vector<16xi1>
      %or3A_293 = arith.ori %gt3A_289, %and3A_292 : vector<16xi1>
      %select_n3A_294 = arith.select %or3A_293, %get3A_286, %select_n3A_283 : vector<16xi1>, vector<16xf32>
      %select_n3A_295 = arith.select %or3A_293, %get3A_288, %select_n3A_284 : vector<16xi1>, vector<16xi32>
      %get3A_296 = arith.constant 128 : index
      %get3A_297 = tpu.vector_load %arg15[%get3A_296] {strides = array<i32>} : memref<256xf32, #tpu.memory_space<vmem>>, vector<16xf32>,
      %get3A_298 = arith.constant 128 : index
      %get3A_299 = tpu.vector_load %arg16[%get3A_298] {strides = array<i32>} : memref<256xi32, #tpu.memory_space<vmem>>, vector<16xi32>,
      %gt3A_300 = arith.cmpf ogt, %get3A_297, %select_n3A_294 : vector<16xf32>
      %eq3A_301 = arith.cmpf oeq, %get3A_297, %select_n3A_294 : vector<16xf32>
      %lt3A_302 = arith.cmpi slt, %get3A_299, %select_n3A_295 : vector<16xi32>
      %and3A_303 = arith.andi %eq3A_301, %lt3A_302 : vector<16xi1>
      %or3A_304 = arith.ori %gt3A_300, %and3A_303 : vector<16xi1>
      %select_n3A_305 = arith.select %or3A_304, %get3A_297, %select_n3A_294 : vector<16xi1>, vector<16xf32>
      %select_n3A_306 = arith.select %or3A_304, %get3A_299, %select_n3A_295 : vector<16xi1>, vector<16xi32>
      %get3A_307 = arith.constant 144 : index
      %get3A_308 = tpu.vector_load %arg15[%get3A_307] {strides = array<i32>} : memref<256xf32, #tpu.memory_space<vmem>>, vector<16xf32>,
      %get3A_309 = arith.constant 144 : index
      %get3A_310 = tpu.vector_load %arg16[%get3A_309] {strides = array<i32>} : memref<256xi32, #tpu.memory_space<vmem>>, vector<16xi32>,
      %gt3A_311 = arith.cmpf ogt, %get3A_308, %select_n3A_305 : vector<16xf32>
      %eq3A_312 = arith.cmpf oeq, %get3A_308, %select_n3A_305 : vector<16xf32>
      %lt3A_313 = arith.cmpi slt, %get3A_310, %select_n3A_306 : vector<16xi32>
      %and3A_314 = arith.andi %eq3A_312, %lt3A_313 : vector<16xi1>
      %or3A_315 = arith.ori %gt3A_311, %and3A_314 : vector<16xi1>
      %select_n3A_316 = arith.select %or3A_315, %get3A_308, %select_n3A_305 : vector<16xi1>, vector<16xf32>
      %select_n3A_317 = arith.select %or3A_315, %get3A_310, %select_n3A_306 : vector<16xi1>, vector<16xi32>
      %get3A_318 = arith.constant 160 : index
      %get3A_319 = tpu.vector_load %arg15[%get3A_318] {strides = array<i32>} : memref<256xf32, #tpu.memory_space<vmem>>, vector<16xf32>,
      %get3A_320 = arith.constant 160 : index
      %get3A_321 = tpu.vector_load %arg16[%get3A_320] {strides = array<i32>} : memref<256xi32, #tpu.memory_space<vmem>>, vector<16xi32>,
      %gt3A_322 = arith.cmpf ogt, %get3A_319, %select_n3A_316 : vector<16xf32>
      %eq3A_323 = arith.cmpf oeq, %get3A_319, %select_n3A_316 : vector<16xf32>
      %lt3A_324 = arith.cmpi slt, %get3A_321, %select_n3A_317 : vector<16xi32>
      %and3A_325 = arith.andi %eq3A_323, %lt3A_324 : vector<16xi1>
      %or3A_326 = arith.ori %gt3A_322, %and3A_325 : vector<16xi1>
      %select_n3A_327 = arith.select %or3A_326, %get3A_319, %select_n3A_316 : vector<16xi1>, vector<16xf32>
      %select_n3A_328 = arith.select %or3A_326, %get3A_321, %select_n3A_317 : vector<16xi1>, vector<16xi32>
      %get3A_329 = arith.constant 176 : index
      %get3A_330 = tpu.vector_load %arg15[%get3A_329] {strides = array<i32>} : memref<256xf32, #tpu.memory_space<vmem>>, vector<16xf32>,
      %get3A_331 = arith.constant 176 : index
      %get3A_332 = tpu.vector_load %arg16[%get3A_331] {strides = array<i32>} : memref<256xi32, #tpu.memory_space<vmem>>, vector<16xi32>,
      %gt3A_333 = arith.cmpf ogt, %get3A_330, %select_n3A_327 : vector<16xf32>
      %eq3A_334 = arith.cmpf oeq, %get3A_330, %select_n3A_327 : vector<16xf32>
      %lt3A_335 = arith.cmpi slt, %get3A_332, %select_n3A_328 : vector<16xi32>
      %and3A_336 = arith.andi %eq3A_334, %lt3A_335 : vector<16xi1>
      %or3A_337 = arith.ori %gt3A_333, %and3A_336 : vector<16xi1>
      %select_n3A_338 = arith.select %or3A_337, %get3A_330, %select_n3A_327 : vector<16xi1>, vector<16xf32>
      %select_n3A_339 = arith.select %or3A_337, %get3A_332, %select_n3A_328 : vector<16xi1>, vector<16xi32>
      %get3A_340 = arith.constant 192 : index
      %get3A_341 = tpu.vector_load %arg15[%get3A_340] {strides = array<i32>} : memref<256xf32, #tpu.memory_space<vmem>>, vector<16xf32>,
      %get3A_342 = arith.constant 192 : index
      %get3A_343 = tpu.vector_load %arg16[%get3A_342] {strides = array<i32>} : memref<256xi32, #tpu.memory_space<vmem>>, vector<16xi32>,
      %gt3A_344 = arith.cmpf ogt, %get3A_341, %select_n3A_338 : vector<16xf32>
      %eq3A_345 = arith.cmpf oeq, %get3A_341, %select_n3A_338 : vector<16xf32>
      %lt3A_346 = arith.cmpi slt, %get3A_343, %select_n3A_339 : vector<16xi32>
      %and3A_347 = arith.andi %eq3A_345, %lt3A_346 : vector<16xi1>
      %or3A_348 = arith.ori %gt3A_344, %and3A_347 : vector<16xi1>
      %select_n3A_349 = arith.select %or3A_348, %get3A_341, %select_n3A_338 : vector<16xi1>, vector<16xf32>
      %select_n3A_350 = arith.select %or3A_348, %get3A_343, %select_n3A_339 : vector<16xi1>, vector<16xi32>
      %get3A_351 = arith.constant 208 : index
      %get3A_352 = tpu.vector_load %arg15[%get3A_351] {strides = array<i32>} : memref<256xf32, #tpu.memory_space<vmem>>, vector<16xf32>,
      %get3A_353 = arith.constant 208 : index
      %get3A_354 = tpu.vector_load %arg16[%get3A_353] {strides = array<i32>} : memref<256xi32, #tpu.memory_space<vmem>>, vector<16xi32>,
      %gt3A_355 = arith.cmpf ogt, %get3A_352, %select_n3A_349 : vector<16xf32>
      %eq3A_356 = arith.cmpf oeq, %get3A_352, %select_n3A_349 : vector<16xf32>
      %lt3A_357 = arith.cmpi slt, %get3A_354, %select_n3A_350 : vector<16xi32>
      %and3A_358 = arith.andi %eq3A_356, %lt3A_357 : vector<16xi1>
      %or3A_359 = arith.ori %gt3A_355, %and3A_358 : vector<16xi1>
      %select_n3A_360 = arith.select %or3A_359, %get3A_352, %select_n3A_349 : vector<16xi1>, vector<16xf32>
      %select_n3A_361 = arith.select %or3A_359, %get3A_354, %select_n3A_350 : vector<16xi1>, vector<16xi32>
      %get3A_362 = arith.constant 224 : index
      %get3A_363 = tpu.vector_load %arg15[%get3A_362] {strides = array<i32>} : memref<256xf32, #tpu.memory_space<vmem>>, vector<16xf32>,
      %get3A_364 = arith.constant 224 : index
      %get3A_365 = tpu.vector_load %arg16[%get3A_364] {strides = array<i32>} : memref<256xi32, #tpu.memory_space<vmem>>, vector<16xi32>,
      %gt3A_366 = arith.cmpf ogt, %get3A_363, %select_n3A_360 : vector<16xf32>
      %eq3A_367 = arith.cmpf oeq, %get3A_363, %select_n3A_360 : vector<16xf32>
      %lt3A_368 = arith.cmpi slt, %get3A_365, %select_n3A_361 : vector<16xi32>
      %and3A_369 = arith.andi %eq3A_367, %lt3A_368 : vector<16xi1>
      %or3A_370 = arith.ori %gt3A_366, %and3A_369 : vector<16xi1>
      %select_n3A_371 = arith.select %or3A_370, %get3A_363, %select_n3A_360 : vector<16xi1>, vector<16xf32>
      %select_n3A_372 = arith.select %or3A_370, %get3A_365, %select_n3A_361 : vector<16xi1>, vector<16xi32>
      %get3A_373 = arith.constant 240 : index
      %get3A_374 = tpu.vector_load %arg15[%get3A_373] {strides = array<i32>} : memref<256xf32, #tpu.memory_space<vmem>>, vector<16xf32>,
      %get3A_375 = arith.constant 240 : index
      %get3A_376 = tpu.vector_load %arg16[%get3A_375] {strides = array<i32>} : memref<256xi32, #tpu.memory_space<vmem>>, vector<16xi32>,
      %gt3A_377 = arith.cmpf ogt, %get3A_374, %select_n3A_371 : vector<16xf32>
      %eq3A_378 = arith.cmpf oeq, %get3A_374, %select_n3A_371 : vector<16xf32>
      %lt3A_379 = arith.cmpi slt, %get3A_376, %select_n3A_372 : vector<16xi32>
      %and3A_380 = arith.andi %eq3A_378, %lt3A_379 : vector<16xi1>
      %or3A_381 = arith.ori %gt3A_377, %and3A_380 : vector<16xi1>
      %select_n3A_382 = arith.select %or3A_381, %get3A_374, %select_n3A_371 : vector<16xi1>, vector<16xf32>
      %select_n3A_383 = arith.select %or3A_381, %get3A_376, %select_n3A_372 : vector<16xi1>, vector<16xi32>
      %reduce_max3A = arith.constant true
      %reduce_max3A_384 = vector.broadcast %reduce_max3A : i1 to vector<16xi1>
      %reduce_max3A_385 = tpu.scan <max>, %select_n3A_382 masked %reduce_max3A_384 : vector<16xf32>, vector<16xi1> -> vector<16xf32>
      %reduce_max3A_386 = vector.extract %reduce_max3A_385[15] : f32 from vector<16xf32>
      %eq3A_387 = vector.broadcast %reduce_max3A_386 : f32 to vector<16xf32>
      %eq3A_388 = arith.cmpf oeq, %select_n3A_382, %eq3A_387 : vector<16xf32>
      %broadcast_in_dim3A_389 = vector.broadcast %scan3A_194 : i32 to vector<16xi32>
      %select_n3A_390 = arith.select %eq3A_388, %select_n3A_383, %broadcast_in_dim3A_389 : vector<16xi1>, vector<16xi32>
      %reduce_min3A = arith.constant true
      %reduce_min3A_391 = vector.broadcast %reduce_min3A : i1 to vector<16xi1>
      %reduce_min3A_392 = arith.constant -2147483648 : i32
      %reduce_min3A_393 = vector.broadcast %reduce_min3A_392 : i32 to vector<16xi32>
      %reduce_min3A_394 = arith.xori %select_n3A_390, %reduce_min3A_393 : vector<16xi32>
      %reduce_min3A_395 = tpu.scan <min>, %reduce_min3A_394 masked %reduce_min3A_391 : vector<16xi32>, vector<16xi1> -> vector<16xi32>
      %reduce_min3A_396 = arith.xori %reduce_min3A_395, %reduce_min3A_393 : vector<16xi32>
      %reduce_min3A_397 = vector.extract %reduce_min3A_396[15] : i32 from vector<16xi32>
      %add3A_398 = vector.broadcast %scan3A_206 : i32 to vector<16xi32>
      %add3A_399 = arith.addi %broadcast_in_dim3A_5, %add3A_398 : vector<16xi32>
      %broadcast_in_dim3A_400 = arith.constant 0.000000e+00 : f32
      %broadcast_in_dim3A_401 = vector.broadcast %broadcast_in_dim3A_400 : f32 to vector<16xf32>
      %add3A_402 = vector.broadcast %reduce_max3A_386 : f32 to vector<16xf32>
      %add3A_403 = arith.addf %broadcast_in_dim3A_401, %add3A_402 : vector<16xf32>
      tpu.vector_store_idx %arg17[%add3A_399], %add3A_403 masked %eq3A_2 : memref<64xf32, #tpu.memory_space<vmem>>[vector<16xi32>], vector<16xf32>, vector<16xi1>
      %add3A_404 = vector.broadcast %reduce_min3A_397 : i32 to vector<16xi32>
      %add3A_405 = arith.addi %broadcast_in_dim3A_5, %add3A_404 : vector<16xi32>
      tpu.vector_store_idx %arg18[%add3A_399], %add3A_405 masked %eq3A_2 : memref<64xi32, #tpu.memory_space<vmem>>[vector<16xi32>], vector<16xi32>, vector<16xi1>
      %get3A_406 = arith.constant 0 : index
      %get3A_407 = tpu.vector_load %arg16[%get3A_406] {strides = array<i32>} : memref<256xi32, #tpu.memory_space<vmem>>, vector<16xi32>,
      %get3A_408 = arith.constant 0 : index
      %get3A_409 = tpu.vector_load %arg15[%get3A_408] {strides = array<i32>} : memref<256xf32, #tpu.memory_space<vmem>>, vector<16xf32>,
      %eq3A_410 = vector.broadcast %reduce_min3A_397 : i32 to vector<16xi32>
      %eq3A_411 = arith.cmpi eq, %get3A_407, %eq3A_410 : vector<16xi32>
      %select_n3A_412 = arith.select %eq3A_411, %broadcast_in_dim3A_7, %get3A_409 : vector<16xi1>, vector<16xf32>
      %swap3A_413 = arith.constant 0 : index
      %swap3A_414 = tpu.vector_load %arg15[%swap3A_413] {strides = array<i32>} : memref<256xf32, #tpu.memory_space<vmem>>, vector<16xf32>,
      tpu.vector_store %arg15[%swap3A_413], %select_n3A_412 {strides = array<i32>} : memref<256xf32, #tpu.memory_space<vmem>>, vector<16xf32>,
      %get3A_415 = arith.constant 16 : index
      %get3A_416 = tpu.vector_load %arg16[%get3A_415] {strides = array<i32>} : memref<256xi32, #tpu.memory_space<vmem>>, vector<16xi32>,
      %get3A_417 = arith.constant 16 : index
      %get3A_418 = tpu.vector_load %arg15[%get3A_417] {strides = array<i32>} : memref<256xf32, #tpu.memory_space<vmem>>, vector<16xf32>,
      %eq3A_419 = vector.broadcast %reduce_min3A_397 : i32 to vector<16xi32>
      %eq3A_420 = arith.cmpi eq, %get3A_416, %eq3A_419 : vector<16xi32>
      %select_n3A_421 = arith.select %eq3A_420, %broadcast_in_dim3A_7, %get3A_418 : vector<16xi1>, vector<16xf32>
      %swap3A_422 = arith.constant 16 : index
      %swap3A_423 = tpu.vector_load %arg15[%swap3A_422] {strides = array<i32>} : memref<256xf32, #tpu.memory_space<vmem>>, vector<16xf32>,
      tpu.vector_store %arg15[%swap3A_422], %select_n3A_421 {strides = array<i32>} : memref<256xf32, #tpu.memory_space<vmem>>, vector<16xf32>,
      %get3A_424 = arith.constant 32 : index
      %get3A_425 = tpu.vector_load %arg16[%get3A_424] {strides = array<i32>} : memref<256xi32, #tpu.memory_space<vmem>>, vector<16xi32>,
      %get3A_426 = arith.constant 32 : index
      %get3A_427 = tpu.vector_load %arg15[%get3A_426] {strides = array<i32>} : memref<256xf32, #tpu.memory_space<vmem>>, vector<16xf32>,
      %eq3A_428 = vector.broadcast %reduce_min3A_397 : i32 to vector<16xi32>
      %eq3A_429 = arith.cmpi eq, %get3A_425, %eq3A_428 : vector<16xi32>
      %select_n3A_430 = arith.select %eq3A_429, %broadcast_in_dim3A_7, %get3A_427 : vector<16xi1>, vector<16xf32>
      %swap3A_431 = arith.constant 32 : index
      %swap3A_432 = tpu.vector_load %arg15[%swap3A_431] {strides = array<i32>} : memref<256xf32, #tpu.memory_space<vmem>>, vector<16xf32>,
      tpu.vector_store %arg15[%swap3A_431], %select_n3A_430 {strides = array<i32>} : memref<256xf32, #tpu.memory_space<vmem>>, vector<16xf32>,
      %get3A_433 = arith.constant 48 : index
      %get3A_434 = tpu.vector_load %arg16[%get3A_433] {strides = array<i32>} : memref<256xi32, #tpu.memory_space<vmem>>, vector<16xi32>,
      %get3A_435 = arith.constant 48 : index
      %get3A_436 = tpu.vector_load %arg15[%get3A_435] {strides = array<i32>} : memref<256xf32, #tpu.memory_space<vmem>>, vector<16xf32>,
      %eq3A_437 = vector.broadcast %reduce_min3A_397 : i32 to vector<16xi32>
      %eq3A_438 = arith.cmpi eq, %get3A_434, %eq3A_437 : vector<16xi32>
      %select_n3A_439 = arith.select %eq3A_438, %broadcast_in_dim3A_7, %get3A_436 : vector<16xi1>, vector<16xf32>
      %swap3A_440 = arith.constant 48 : index
      %swap3A_441 = tpu.vector_load %arg15[%swap3A_440] {strides = array<i32>} : memref<256xf32, #tpu.memory_space<vmem>>, vector<16xf32>,
      tpu.vector_store %arg15[%swap3A_440], %select_n3A_439 {strides = array<i32>} : memref<256xf32, #tpu.memory_space<vmem>>, vector<16xf32>,
      %get3A_442 = arith.constant 64 : index
      %get3A_443 = tpu.vector_load %arg16[%get3A_442] {strides = array<i32>} : memref<256xi32, #tpu.memory_space<vmem>>, vector<16xi32>,
      %get3A_444 = arith.constant 64 : index
      %get3A_445 = tpu.vector_load %arg15[%get3A_444] {strides = array<i32>} : memref<256xf32, #tpu.memory_space<vmem>>, vector<16xf32>,
      %eq3A_446 = vector.broadcast %reduce_min3A_397 : i32 to vector<16xi32>
      %eq3A_447 = arith.cmpi eq, %get3A_443, %eq3A_446 : vector<16xi32>
      %select_n3A_448 = arith.select %eq3A_447, %broadcast_in_dim3A_7, %get3A_445 : vector<16xi1>, vector<16xf32>
      %swap3A_449 = arith.constant 64 : index
      %swap3A_450 = tpu.vector_load %arg15[%swap3A_449] {strides = array<i32>} : memref<256xf32, #tpu.memory_space<vmem>>, vector<16xf32>,
      tpu.vector_store %arg15[%swap3A_449], %select_n3A_448 {strides = array<i32>} : memref<256xf32, #tpu.memory_space<vmem>>, vector<16xf32>,
      %get3A_451 = arith.constant 80 : index
      %get3A_452 = tpu.vector_load %arg16[%get3A_451] {strides = array<i32>} : memref<256xi32, #tpu.memory_space<vmem>>, vector<16xi32>,
      %get3A_453 = arith.constant 80 : index
      %get3A_454 = tpu.vector_load %arg15[%get3A_453] {strides = array<i32>} : memref<256xf32, #tpu.memory_space<vmem>>, vector<16xf32>,
      %eq3A_455 = vector.broadcast %reduce_min3A_397 : i32 to vector<16xi32>
      %eq3A_456 = arith.cmpi eq, %get3A_452, %eq3A_455 : vector<16xi32>
      %select_n3A_457 = arith.select %eq3A_456, %broadcast_in_dim3A_7, %get3A_454 : vector<16xi1>, vector<16xf32>
      %swap3A_458 = arith.constant 80 : index
      %swap3A_459 = tpu.vector_load %arg15[%swap3A_458] {strides = array<i32>} : memref<256xf32, #tpu.memory_space<vmem>>, vector<16xf32>,
      tpu.vector_store %arg15[%swap3A_458], %select_n3A_457 {strides = array<i32>} : memref<256xf32, #tpu.memory_space<vmem>>, vector<16xf32>,
      %get3A_460 = arith.constant 96 : index
      %get3A_461 = tpu.vector_load %arg16[%get3A_460] {strides = array<i32>} : memref<256xi32, #tpu.memory_space<vmem>>, vector<16xi32>,
      %get3A_462 = arith.constant 96 : index
      %get3A_463 = tpu.vector_load %arg15[%get3A_462] {strides = array<i32>} : memref<256xf32, #tpu.memory_space<vmem>>, vector<16xf32>,
      %eq3A_464 = vector.broadcast %reduce_min3A_397 : i32 to vector<16xi32>
      %eq3A_465 = arith.cmpi eq, %get3A_461, %eq3A_464 : vector<16xi32>
      %select_n3A_466 = arith.select %eq3A_465, %broadcast_in_dim3A_7, %get3A_463 : vector<16xi1>, vector<16xf32>
      %swap3A_467 = arith.constant 96 : index
      %swap3A_468 = tpu.vector_load %arg15[%swap3A_467] {strides = array<i32>} : memref<256xf32, #tpu.memory_space<vmem>>, vector<16xf32>,
      tpu.vector_store %arg15[%swap3A_467], %select_n3A_466 {strides = array<i32>} : memref<256xf32, #tpu.memory_space<vmem>>, vector<16xf32>,
      %get3A_469 = arith.constant 112 : index
      %get3A_470 = tpu.vector_load %arg16[%get3A_469] {strides = array<i32>} : memref<256xi32, #tpu.memory_space<vmem>>, vector<16xi32>,
      %get3A_471 = arith.constant 112 : index
      %get3A_472 = tpu.vector_load %arg15[%get3A_471] {strides = array<i32>} : memref<256xf32, #tpu.memory_space<vmem>>, vector<16xf32>,
      %eq3A_473 = vector.broadcast %reduce_min3A_397 : i32 to vector<16xi32>
      %eq3A_474 = arith.cmpi eq, %get3A_470, %eq3A_473 : vector<16xi32>
      %select_n3A_475 = arith.select %eq3A_474, %broadcast_in_dim3A_7, %get3A_472 : vector<16xi1>, vector<16xf32>
      %swap3A_476 = arith.constant 112 : index
      %swap3A_477 = tpu.vector_load %arg15[%swap3A_476] {strides = array<i32>} : memref<256xf32, #tpu.memory_space<vmem>>, vector<16xf32>,
      tpu.vector_store %arg15[%swap3A_476], %select_n3A_475 {strides = array<i32>} : memref<256xf32, #tpu.memory_space<vmem>>, vector<16xf32>,
      %get3A_478 = arith.constant 128 : index
      %get3A_479 = tpu.vector_load %arg16[%get3A_478] {strides = array<i32>} : memref<256xi32, #tpu.memory_space<vmem>>, vector<16xi32>,
      %get3A_480 = arith.constant 128 : index
      %get3A_481 = tpu.vector_load %arg15[%get3A_480] {strides = array<i32>} : memref<256xf32, #tpu.memory_space<vmem>>, vector<16xf32>,
      %eq3A_482 = vector.broadcast %reduce_min3A_397 : i32 to vector<16xi32>
      %eq3A_483 = arith.cmpi eq, %get3A_479, %eq3A_482 : vector<16xi32>
      %select_n3A_484 = arith.select %eq3A_483, %broadcast_in_dim3A_7, %get3A_481 : vector<16xi1>, vector<16xf32>
      %swap3A_485 = arith.constant 128 : index
      %swap3A_486 = tpu.vector_load %arg15[%swap3A_485] {strides = array<i32>} : memref<256xf32, #tpu.memory_space<vmem>>, vector<16xf32>,
      tpu.vector_store %arg15[%swap3A_485], %select_n3A_484 {strides = array<i32>} : memref<256xf32, #tpu.memory_space<vmem>>, vector<16xf32>,
      %get3A_487 = arith.constant 144 : index
      %get3A_488 = tpu.vector_load %arg16[%get3A_487] {strides = array<i32>} : memref<256xi32, #tpu.memory_space<vmem>>, vector<16xi32>,
      %get3A_489 = arith.constant 144 : index
      %get3A_490 = tpu.vector_load %arg15[%get3A_489] {strides = array<i32>} : memref<256xf32, #tpu.memory_space<vmem>>, vector<16xf32>,
      %eq3A_491 = vector.broadcast %reduce_min3A_397 : i32 to vector<16xi32>
      %eq3A_492 = arith.cmpi eq, %get3A_488, %eq3A_491 : vector<16xi32>
      %select_n3A_493 = arith.select %eq3A_492, %broadcast_in_dim3A_7, %get3A_490 : vector<16xi1>, vector<16xf32>
      %swap3A_494 = arith.constant 144 : index
      %swap3A_495 = tpu.vector_load %arg15[%swap3A_494] {strides = array<i32>} : memref<256xf32, #tpu.memory_space<vmem>>, vector<16xf32>,
      tpu.vector_store %arg15[%swap3A_494], %select_n3A_493 {strides = array<i32>} : memref<256xf32, #tpu.memory_space<vmem>>, vector<16xf32>,
      %get3A_496 = arith.constant 160 : index
      %get3A_497 = tpu.vector_load %arg16[%get3A_496] {strides = array<i32>} : memref<256xi32, #tpu.memory_space<vmem>>, vector<16xi32>,
      %get3A_498 = arith.constant 160 : index
      %get3A_499 = tpu.vector_load %arg15[%get3A_498] {strides = array<i32>} : memref<256xf32, #tpu.memory_space<vmem>>, vector<16xf32>,
      %eq3A_500 = vector.broadcast %reduce_min3A_397 : i32 to vector<16xi32>
      %eq3A_501 = arith.cmpi eq, %get3A_497, %eq3A_500 : vector<16xi32>
      %select_n3A_502 = arith.select %eq3A_501, %broadcast_in_dim3A_7, %get3A_499 : vector<16xi1>, vector<16xf32>
      %swap3A_503 = arith.constant 160 : index
      %swap3A_504 = tpu.vector_load %arg15[%swap3A_503] {strides = array<i32>} : memref<256xf32, #tpu.memory_space<vmem>>, vector<16xf32>,
      tpu.vector_store %arg15[%swap3A_503], %select_n3A_502 {strides = array<i32>} : memref<256xf32, #tpu.memory_space<vmem>>, vector<16xf32>,
      %get3A_505 = arith.constant 176 : index
      %get3A_506 = tpu.vector_load %arg16[%get3A_505] {strides = array<i32>} : memref<256xi32, #tpu.memory_space<vmem>>, vector<16xi32>,
      %get3A_507 = arith.constant 176 : index
      %get3A_508 = tpu.vector_load %arg15[%get3A_507] {strides = array<i32>} : memref<256xf32, #tpu.memory_space<vmem>>, vector<16xf32>,
      %eq3A_509 = vector.broadcast %reduce_min3A_397 : i32 to vector<16xi32>
      %eq3A_510 = arith.cmpi eq, %get3A_506, %eq3A_509 : vector<16xi32>
      %select_n3A_511 = arith.select %eq3A_510, %broadcast_in_dim3A_7, %get3A_508 : vector<16xi1>, vector<16xf32>
      %swap3A_512 = arith.constant 176 : index
      %swap3A_513 = tpu.vector_load %arg15[%swap3A_512] {strides = array<i32>} : memref<256xf32, #tpu.memory_space<vmem>>, vector<16xf32>,
      tpu.vector_store %arg15[%swap3A_512], %select_n3A_511 {strides = array<i32>} : memref<256xf32, #tpu.memory_space<vmem>>, vector<16xf32>,
      %get3A_514 = arith.constant 192 : index
      %get3A_515 = tpu.vector_load %arg16[%get3A_514] {strides = array<i32>} : memref<256xi32, #tpu.memory_space<vmem>>, vector<16xi32>,
      %get3A_516 = arith.constant 192 : index
      %get3A_517 = tpu.vector_load %arg15[%get3A_516] {strides = array<i32>} : memref<256xf32, #tpu.memory_space<vmem>>, vector<16xf32>,
      %eq3A_518 = vector.broadcast %reduce_min3A_397 : i32 to vector<16xi32>
      %eq3A_519 = arith.cmpi eq, %get3A_515, %eq3A_518 : vector<16xi32>
      %select_n3A_520 = arith.select %eq3A_519, %broadcast_in_dim3A_7, %get3A_517 : vector<16xi1>, vector<16xf32>
      %swap3A_521 = arith.constant 192 : index
      %swap3A_522 = tpu.vector_load %arg15[%swap3A_521] {strides = array<i32>} : memref<256xf32, #tpu.memory_space<vmem>>, vector<16xf32>,
      tpu.vector_store %arg15[%swap3A_521], %select_n3A_520 {strides = array<i32>} : memref<256xf32, #tpu.memory_space<vmem>>, vector<16xf32>,
      %get3A_523 = arith.constant 208 : index
      %get3A_524 = tpu.vector_load %arg16[%get3A_523] {strides = array<i32>} : memref<256xi32, #tpu.memory_space<vmem>>, vector<16xi32>,
      %get3A_525 = arith.constant 208 : index
      %get3A_526 = tpu.vector_load %arg15[%get3A_525] {strides = array<i32>} : memref<256xf32, #tpu.memory_space<vmem>>, vector<16xf32>,
      %eq3A_527 = vector.broadcast %reduce_min3A_397 : i32 to vector<16xi32>
      %eq3A_528 = arith.cmpi eq, %get3A_524, %eq3A_527 : vector<16xi32>
      %select_n3A_529 = arith.select %eq3A_528, %broadcast_in_dim3A_7, %get3A_526 : vector<16xi1>, vector<16xf32>
      %swap3A_530 = arith.constant 208 : index
      %swap3A_531 = tpu.vector_load %arg15[%swap3A_530] {strides = array<i32>} : memref<256xf32, #tpu.memory_space<vmem>>, vector<16xf32>,
      tpu.vector_store %arg15[%swap3A_530], %select_n3A_529 {strides = array<i32>} : memref<256xf32, #tpu.memory_space<vmem>>, vector<16xf32>,
      %get3A_532 = arith.constant 224 : index
      %get3A_533 = tpu.vector_load %arg16[%get3A_532] {strides = array<i32>} : memref<256xi32, #tpu.memory_space<vmem>>, vector<16xi32>,
      %get3A_534 = arith.constant 224 : index
      %get3A_535 = tpu.vector_load %arg15[%get3A_534] {strides = array<i32>} : memref<256xf32, #tpu.memory_space<vmem>>, vector<16xf32>,
      %eq3A_536 = vector.broadcast %reduce_min3A_397 : i32 to vector<16xi32>
      %eq3A_537 = arith.cmpi eq, %get3A_533, %eq3A_536 : vector<16xi32>
      %select_n3A_538 = arith.select %eq3A_537, %broadcast_in_dim3A_7, %get3A_535 : vector<16xi1>, vector<16xf32>
      %swap3A_539 = arith.constant 224 : index
      %swap3A_540 = tpu.vector_load %arg15[%swap3A_539] {strides = array<i32>} : memref<256xf32, #tpu.memory_space<vmem>>, vector<16xf32>,
      tpu.vector_store %arg15[%swap3A_539], %select_n3A_538 {strides = array<i32>} : memref<256xf32, #tpu.memory_space<vmem>>, vector<16xf32>,
      %get3A_541 = arith.constant 240 : index
      %get3A_542 = tpu.vector_load %arg16[%get3A_541] {strides = array<i32>} : memref<256xi32, #tpu.memory_space<vmem>>, vector<16xi32>,
      %get3A_543 = arith.constant 240 : index
      %get3A_544 = tpu.vector_load %arg15[%get3A_543] {strides = array<i32>} : memref<256xf32, #tpu.memory_space<vmem>>, vector<16xf32>,
      %eq3A_545 = vector.broadcast %reduce_min3A_397 : i32 to vector<16xi32>
      %eq3A_546 = arith.cmpi eq, %get3A_542, %eq3A_545 : vector<16xi32>
      %select_n3A_547 = arith.select %eq3A_546, %broadcast_in_dim3A_7, %get3A_544 : vector<16xi1>, vector<16xf32>
      %swap3A_548 = arith.constant 240 : index
      %swap3A_549 = tpu.vector_load %arg15[%swap3A_548] {strides = array<i32>} : memref<256xf32, #tpu.memory_space<vmem>>, vector<16xf32>,
      tpu.vector_store %arg15[%swap3A_548], %select_n3A_547 {strides = array<i32>} : memref<256xf32, #tpu.memory_space<vmem>>, vector<16xf32>,
      %scan3A_550 = arith.constant 0 : i32
      scf.yield %scan3A_550 : i32
    }
    %scan3A_201 = arith.constant 50 : i32
    %dma_start3A_202 = arith.constant 0 : i32
    %dma_start3A_203 = tpu.memref_slice %arg3[%dma_start3A_202] : memref<1000000xi32, #tpu.memory_space<hbm>> -> memref<1000000xi32, #tpu.memory_space<hbm>>
    tpu.enqueue_indirect_dma source(%dma_start3A_203 : memref<1000000xi32, #tpu.memory_space<hbm>>) target(%arg19 : memref<64xi32, #tpu.memory_space<vmem>>) offsets(%arg18 : memref<64xi32, #tpu.memory_space<vmem>>) semaphore(%arg25 : memref<!tpu.dma_semaphore, #tpu.memory_space<semaphore_mem>>)
    %dma_wait3A_204 = arith.constant 0 : i32
    %dma_wait3A_205 = tpu.memref_slice %arg3[%dma_wait3A_204] : memref<1000000xi32, #tpu.memory_space<hbm>> -> memref<1000000xi32, #tpu.memory_space<hbm>>
    tpu.wait_indirect_dma semaphore(%arg25 : memref<!tpu.dma_semaphore, #tpu.memory_space<semaphore_mem>>) src(%dma_wait3A_205 : memref<1000000xi32, #tpu.memory_space<hbm>>) dst(%arg19 : memref<64xi32, #tpu.memory_space<vmem>>)
    "tpu.region"() ({
      %run_scoped3A = tpu.sem_alloc : memref<!tpu.dma_semaphore, #tpu.memory_space<semaphore_mem>>
      %dma_start3A_206 = arith.constant 0 : i32
      %dma_start3A_207 = tpu.memref_slice %arg5[%add3A, %dma_start3A_206] : memref<32x64xf32, #tpu.memory_space<hbm>> -> memref<1x64xf32, #tpu.memory_space<hbm>>
      %dma_start3A_208 = tpu.memref_squeeze %dma_start3A_207 : memref<1x64xf32, #tpu.memory_space<hbm>> -> memref<64xf32, #tpu.memory_space<hbm>>
      %dma_start3A_209 = arith.constant 0 : i32
      %dma_start3A_210 = tpu.memref_slice %arg5[%add3A, %dma_start3A_209] : memref<32x64xf32, #tpu.memory_space<hbm>> -> memref<1x64xf32, #tpu.memory_space<hbm>>
      %dma_start3A_211 = tpu.memref_squeeze %dma_start3A_210 : memref<1x64xf32, #tpu.memory_space<hbm>> -> memref<64xf32, #tpu.memory_space<hbm>>
      tpu.enqueue_dma source(%arg17 : memref<64xf32, #tpu.memory_space<vmem>>) target(%dma_start3A_211 : memref<64xf32, #tpu.memory_space<hbm>>) target_semaphore(%run_scoped3A : memref<!tpu.dma_semaphore, #tpu.memory_space<semaphore_mem>>)
      %dma_wait3A_212 = arith.constant 0 : i32
      %dma_wait3A_213 = tpu.memref_slice %arg5[%add3A, %dma_wait3A_212] : memref<32x64xf32, #tpu.memory_space<hbm>> -> memref<1x64xf32, #tpu.memory_space<hbm>>
      %dma_wait3A_214 = tpu.memref_squeeze %dma_wait3A_213 : memref<1x64xf32, #tpu.memory_space<hbm>> -> memref<64xf32, #tpu.memory_space<hbm>>
      %dma_wait3A_215 = arith.constant 0 : i32
      %dma_wait3A_216 = tpu.memref_slice %arg5[%add3A, %dma_wait3A_215] : memref<32x64xf32, #tpu.memory_space<hbm>> -> memref<1x64xf32, #tpu.memory_space<hbm>>
      %dma_wait3A_217 = tpu.memref_squeeze %dma_wait3A_216 : memref<1x64xf32, #tpu.memory_space<hbm>> -> memref<64xf32, #tpu.memory_space<hbm>>
      tpu.wait_dma2 semaphore(%run_scoped3A : memref<!tpu.dma_semaphore, #tpu.memory_space<semaphore_mem>>) src(%arg17 : memref<64xf32, #tpu.memory_space<vmem>>) dst(%dma_wait3A_217 : memref<64xf32, #tpu.memory_space<hbm>>)
      tpu.yield
    }) : () -> ()
    "tpu.region"() ({
      %run_scoped3A = tpu.sem_alloc : memref<!tpu.dma_semaphore, #tpu.memory_space<semaphore_mem>>
      %dma_start3A_206 = arith.constant 0 : i32
      %dma_start3A_207 = tpu.memref_slice %arg4[%add3A, %dma_start3A_206] : memref<32x64xi32, #tpu.memory_space<hbm>> -> memref<1x64xi32, #tpu.memory_space<hbm>>
      %dma_start3A_208 = tpu.memref_squeeze %dma_start3A_207 : memref<1x64xi32, #tpu.memory_space<hbm>> -> memref<64xi32, #tpu.memory_space<hbm>>
      %dma_start3A_209 = arith.constant 0 : i32
      %dma_start3A_210 = tpu.memref_slice %arg4[%add3A, %dma_start3A_209] : memref<32x64xi32, #tpu.memory_space<hbm>> -> memref<1x64xi32, #tpu.memory_space<hbm>>
      %dma_start3A_211 = tpu.memref_squeeze %dma_start3A_210 : memref<1x64xi32, #tpu.memory_space<hbm>> -> memref<64xi32, #tpu.memory_space<hbm>>
      tpu.enqueue_dma source(%arg19 : memref<64xi32, #tpu.memory_space<vmem>>) target(%dma_start3A_211 : memref<64xi32, #tpu.memory_space<hbm>>) target_semaphore(%run_scoped3A : memref<!tpu.dma_semaphore, #tpu.memory_space<semaphore_mem>>)
      %dma_wait3A_212 = arith.constant 0 : i32
      %dma_wait3A_213 = tpu.memref_slice %arg4[%add3A, %dma_wait3A_212] : memref<32x64xi32, #tpu.memory_space<hbm>> -> memref<1x64xi32, #tpu.memory_space<hbm>>
      %dma_wait3A_214 = tpu.memref_squeeze %dma_wait3A_213 : memref<1x64xi32, #tpu.memory_space<hbm>> -> memref<64xi32, #tpu.memory_space<hbm>>
      %dma_wait3A_215 = arith.constant 0 : i32
      %dma_wait3A_216 = tpu.memref_slice %arg4[%add3A, %dma_wait3A_215] : memref<32x64xi32, #tpu.memory_space<hbm>> -> memref<1x64xi32, #tpu.memory_space<hbm>>
      %dma_wait3A_217 = tpu.memref_squeeze %dma_wait3A_216 : memref<1x64xi32, #tpu.memory_space<hbm>> -> memref<64xi32, #tpu.memory_space<hbm>>
      tpu.wait_dma2 semaphore(%run_scoped3A : memref<!tpu.dma_semaphore, #tpu.memory_space<semaphore_mem>>) src(%arg19 : memref<64xi32, #tpu.memory_space<vmem>>) dst(%dma_wait3A_217 : memref<64xi32, #tpu.memory_space<hbm>>)
      tpu.yield
    }) : () -> ()
    return
  }
}

</mosaic_0001>

<sc_bundles>
// kernel: kernel.3.cloned.1.call-start
scs
__scs_entry_jumppad:
0x0: {  	(pc) =	sbr.rel $0x88, $3  }
0x1: {  	(tag) =	ssettag $0x0;
	lr =	simm.s32 $0x1  }
0x2: {  	[smem:$0x3F9F] =	sst lr;
	_ =	strace $0xD0000000  }
0x3: {  	_ = 	snop  }
0x4: {  	_ = 	snop  }
0x5: {  	_ = 	snop  }
0x6: {  	_ = 	snop  }
0x7: {  	_ = 	snop  }
__scs_overlays_trampoline_lowered:
0x8: {  	[smem:$0x3FAE] =	sst s0  }
0x9: {  	[smem:$0x3FAF] =	sst s1  }
0xa: {  	[smem:$0x3FB0] =	sst s2  }
0xb: {  	[smem:$0x3FB1] =	sst s3  }
0xc: {  	[smem:$0x3FB2] =	sst s4  }
0xd: {  	[smem:$0x3FB3] =	sst s5  }
0xe: {  	[smem:$0x3FB4] =	sst s6  }
0xf: {  	[smem:$0x3FB5] =	sst s7  }
0x10: {  	[smem:$0x3FB6] =	sst s8  }
0x11: {  	[smem:$0x3FB7] =	sst s9;
	s0 =	simm.s32 @!p0 $0x0  }
0x12: {  	s1 =	sld [smem:$0x3F9D];
	s0 =	simm.s32 @p0 $0x1  }
0x13: {  	[smem:$0x3FB8] =	sst s0;
	s0 =	simm.s32 @!p1 $0x0  }
0x14: {  	s2 =	sld [smem:$0x3F9C];
	s0 =	simm.s32 @p1 $0x1  }
0x15: {  	[smem:$0x3FB9] =	sst s0;
	s0 =	simm.s32 @!p2 $0x0  }
0x16: {  	s3 =	sld [smem:$0x3FDB];
	s0 =	simm.s32 @p2 $0x1  }
0x17: {  	s4 =	simm.s32 $0x1BF5;
	[smem:$0x3FBB] =	sst s0  }
0x18: {  	s0 =	sld [smem:$0x3F9E];
	_ =	swait.ge [sflag:s4], $0x0  }
0x19: {  	s7 =	sld [smem:$0x3F9F]  }
0x1a: {  	s8 =	sadd.s32 $0xFFFFE003, lr  }
0x1b: {  	s9 =	sadd.s32 $0xFFFFFEF7, lr;
	s5 =	simm.s32 $0xFFFFFFFF;
	p2 =	slt.u32 s8, $0xFFFFF086  }
0x1c: {  	p1 =	slt.u32 s9, $0xF7A;
	s5 =	simm.s32 @!p2 $0x0  }
0x1d: {  	s5 =	simm.s32 @p1 $0x1;
	p0 =	seq.s32 s7, s2  }
0x1e: {  	s7 =	smul.u32 @!p0 $0xF7A, s2;
	p2 =	seq.s32 @!p0 s5, $0x0  }
0x1f: {  	s9 =	smul.u32 $0xF7A, s1;
	s8 =	simm.s32 @!p0 $0x1BF5;
	p2 =	por !p2, p0  }
0x20: {  	[sflag:s8] =	ssyncset.s32 @!p0 $0xFFFFF086;
	s6 =	sadd.s32 @!p0 s3, s7;
	s7 =	simm.s32 @!p0 $0x108  }
0x21: {  	s3 =	sadd.s32 s3, s9;
	s6 =	sadd.s32 @!p0 $0x88, s6;
	s7 =	simm.s32 @p2 $0x1082  }
0x22: {  	[simem:s7], [sflag:s8] =	dma.local @!p0 [hbm:s6], $0xF7A  }
0x23: {  	s9 =	sor.u32 $0xD0000000, s2;
	s6 =	simm.s32 $0x108;
	_ =	swait.ge @!p0 [sflag:s8], $0x0  }
0x24: {  	s3 =	sadd.s32 $0x88, s3;
	s6 =	simm.s32 @!p1 $0x1082;
	[sflag:s4] =	ssyncset.s32 $0xFFFFF086  }
0x25: {  	[simem:s6], [sflag:s4] =	dma.local [hbm:s3], $0xF7A  }
0x26: {  	[smem:$0x3F9F] =	sst s1;
	(tag) =	ssettag s2;
	_ =	strace s9  }
0x27: {  	s1 =	sld [smem:$0x3FAF]  }
0x28: {  	s2 =	sld [smem:$0x3FB0]  }
0x29: {  	s4 =	sld [smem:$0x3FB2]  }
0x2a: {  	p0 =	seq.s32 s5, $0x0;
	s5 =	sld [smem:$0x3FB3]  }
0x2b: {  	s6 =	sld [smem:$0x3FB4]  }
0x2c: {  	s7 =	sld [smem:$0x3FB5]  }
0x2d: {  	s3 =	simm.s32 $0x108;
	s8 =	sld [smem:$0x3FB6]  }
0x2e: {  	s3 =	simm.s32 @!p0 $0x1082;
	s9 =	sld [smem:$0x3FB7]  }
0x2f: {  	lr =	sadd.s32 s0, s3;
	s0 =	sld [smem:$0x3FAE]  }
0x30: {  	s3 =	sld [smem:$0x3FB1]  }
0x31: {  	[smem:$0x3FBA] =	sst s10  }
0x32: {  	s10 =	sld [smem:$0x3FB8];
	_ =	sdelay $0x3  }
0x33: {  	p0 =	seq.s32 s10, $0x1;
	s10 =	sld [smem:$0x3FBA];
	_ =	sdelay $0x3  }
0x34: {  	[smem:$0x3FBA] =	sst s10  }
0x35: {  	s10 =	sld [smem:$0x3FB9];
	_ =	sdelay $0x3  }
0x36: {  	p1 =	seq.s32 s10, $0x1;
	s10 =	sld [smem:$0x3FBA];
	_ =	sdelay $0x3  }
0x37: {  	[smem:$0x3FBA] =	sst s10  }
0x38: {  	s10 =	sld [smem:$0x3FBB]  }
0x39: {  	_ = 	snop;
	(pc) =	sbr.ind lr, $3  }
0x3a: {  	_ = 	snop  }
0x3b: {  	_ = 	snop  }
0x3c: {  	p2 =	seq.s32 s10, $0x1;
	s10 =	sld [smem:$0x3FBA]  }
0x3d: {  	_ =	shalt  }
0x3e: {  	_ =	shalt  }
0x3f: {  	_ =	shalt  }
0x40: {  	_ =	shalt  }
0x41: {  	_ =	shalt  }
0x42: {  	_ =	shalt  }
0x43: {  	_ =	shalt  }
0x44: {  	_ =	shalt  }
0x45: {  	_ =	shalt  }
0x46: {  	_ =	shalt  }
0x47: {  	_ =	shalt  }
0x48: {  	_ =	shalt  }
0x49: {  	_ =	shalt  }
0x4a: {  	_ =	shalt  }
0x4b: {  	_ =	shalt  }
0x4c: {  	_ =	shalt  }
0x4d: {  	_ =	shalt  }
0x4e: {  	_ =	shalt  }
0x4f: {  	_ =	shalt  }
0x50: {  	_ =	shalt  }
0x51: {  	_ =	shalt  }
0x52: {  	_ =	shalt  }
0x53: {  	_ =	shalt  }
0x54: {  	_ =	shalt  }
0x55: {  	_ =	shalt  }
0x56: {  	_ =	shalt  }
0x57: {  	_ =	shalt  }
0x58: {  	_ =	shalt  }
0x59: {  	_ =	shalt  }
0x5a: {  	_ =	shalt  }
0x5b: {  	_ =	shalt  }
0x5c: {  	_ =	shalt  }
0x5d: {  	_ =	shalt  }
0x5e: {  	_ =	shalt  }
0x5f: {  	_ =	shalt  }
0x60: {  	_ =	shalt  }
0x61: {  	_ =	shalt  }
0x62: {  	_ =	shalt  }
0x63: {  	_ =	shalt  }
0x64: {  	_ =	shalt  }
0x65: {  	_ =	shalt  }
0x66: {  	_ =	shalt  }
0x67: {  	_ =	shalt  }
0x68: {  	_ =	shalt  }
0x69: {  	_ =	shalt  }
0x6a: {  	_ =	shalt  }
0x6b: {  	_ =	shalt  }
0x6c: {  	_ =	shalt  }
0x6d: {  	_ =	shalt  }
0x6e: {  	_ =	shalt  }
0x6f: {  	_ =	shalt  }
0x70: {  	_ =	shalt  }
0x71: {  	_ =	shalt  }
0x72: {  	_ =	shalt  }
0x73: {  	_ =	shalt  }
0x74: {  	_ =	shalt  }
0x75: {  	_ =	shalt  }
0x76: {  	_ =	shalt  }
0x77: {  	_ =	shalt  }
0x78: {  	_ =	shalt  }
0x79: {  	_ =	shalt  }
0x7a: {  	_ =	shalt  }
0x7b: {  	_ =	shalt  }
0x7c: {  	_ =	shalt  }
0x7d: {  	_ =	shalt  }
0x7e: {  	_ =	shalt  }
0x7f: {  	_ =	shalt  }
0x80: {  	_ =	shalt  }
0x81: {  	_ =	shalt  }
0x82: {  	_ =	shalt  }
0x83: {  	_ =	shalt  }
0x84: {  	_ =	shalt  }
0x85: {  	_ =	shalt  }
0x86: {  	_ =	shalt  }
0x87: {  	_ =	shalt  }
.Lfunc_end0:
.L_simem_size_0:
called_computation_lowered:
.L_overlay_start_0:
0x88: {  	s2 =	sld [smem:$0x3FD9]  }
0x89: {  	s3 =	sld [smem:$0x3FFE];
	_ =	sdelay $0x1  }
0x8a: {  	s1 =	srdreg.scid  }
0x8b: {  	s0 =	sand.u32 $0x1, s1  }
0x8c: {  	s14 =	sshll.u32 s0, $0xA;
	s2 =	sadd.s32 s3, s2  }
0x8d: {  	s2 =	sadd.s32 s2, s14  }
0x8e: {  	[smem:$0x3FC6] =	sst s2  }
0x8f: {  	_ = 	snop  }
0x90: {  	s2 =	sld [smem:$0x3FD0];
	_ =	sdelay $0x2  }
0x91: {  	s4 =	simm.s32 $0xA;
	s5 =	simm.s32 $0x10;
	s15 =	sld [smem:$0x3FC8]  }
0x92: {  	[smem:s5], [sflag:s4] =	dma.local [hbm:s2], $0x1  }
0x93: {  	_ =	swait.eq [sflag:s4], $0x1  }
0x94: {  	[sflag:s4] =	ssyncset.done $0x0  }
0x95: {  	[sflag:s4] =	ssyncadd.s32 $0xFFFFFFFF  }
0x96: {  	s16 =	sld [smem:$0x10];
	(tm) =	ssettm $0x1  }
0x97: {  	s17 =	sld [smem:$0x3FFB];
	_ =	sdelay $0x3  }
0x98: {  	_ =	strace s17  }
0x99: {  	s4 =	sld [smem:$0x3FFC];
	_ =	sdelay $0x3  }
0x9a: {  	_ =	strace s4  }
0x9b: {  	s4 =	sld [smem:$0x3FFD];
	_ =	sdelay $0x3  }
0x9c: {  	_ =	strace s4  }
0x9d: {  	_ =	strace $0x8FFFFFFF  }
0x9e: {  	s18 =	sld [smem:$0x3FDB];
	_ =	sdelay $0x1  }
0x9f: {  	s19 =	simm.s32 $_scs_section_size  }
0xa0: {  	s6 =	simm.s32 $_size__tile_overlayer_lowered;
	s7 =	simm.s32 $_tile_overlayer_lowered  }
0xa1: {  	s22 =	simm.s32 $0x1BFF;
	s21 =	sshll.u32 s7, $0x1;
	s4 =	sadd.s32 s19, s18  }
0xa2: {  	s8 =	simm.s32 $0x0;
	s20 =	sshll.u32 s6, $0x1;
	s6 =	sadd.s32 s21, s4  }
0xa3: {  	[timem:s8], [sflag:s22] =	dma.local [hbm:s6], s20  }
0xa4: {  	_ =	swait.ge [sflag:s22], s20  }
0xa5: {  	s5 =	ssub.s32 $0x0, s20;
	[sflag:s22] =	ssyncset.done $0x0  }
0xa6: {  	[sflag:s22] =	ssyncadd.s32 s5;
	_ =	sdelay $0x1  }
0xa7: {  	s23 =	simm.s32 $0x1B8B  }
0xa8: {  	_ =	swait.ge [sflag:s23], $0x1  }
0xa9: {  	[sflag:s23] =	ssyncset.done $0x0  }
0xaa: {  	s25 =	simm.s32 $0x1B8E;
	s24 =	sld [smem:$0x3FFE];
	[sflag:s23] =	ssyncadd.s32 $0xFFFFFFFF  }
0xab: {  	s26 =	simm.s32 $execute0_lowered;
	[smem:$0x3FD2] =	sst s25  }
0xac: {  	s6 =	sshll.u32 s26, $0x1;
	_ =	strace $0x80000046;
	[dreg:$0x1] =	wrdreg $0xFFFFFFFF  }
0xad: {  	s28 =	simm.s32 $_size_execute0_lowered;
	s4 =	sadd.s32 s4, s6;
	[dreg:$0x0] =	wrdreg $0x0  }
0xae: {  	s6 =	sshll.u32 s28, $0x1;
	[dreg:$0x2] =	wrdreg s4  }
0xaf: {  	[dreg:$0x3] =	wrdreg s6  }
0xb0: {  	[dreg:$0x4] =	wrdreg $0xC0  }
0xb1: {  	_ =	task [dreg:s8], $0x5FFFF  }
0xb2: {  	[dreg:$0x1] =	wrdreg $0xFFFFFFFF  }
0xb3: {  	[dreg:$0x0] =	wrdreg $0x60  }
0xb4: {  	[dreg:$0x2] =	wrdreg s24  }
0xb5: {  	[dreg:$0x3] =	wrdreg s15  }
0xb6: {  	[dreg:$0x4] =	wrdreg s16  }
0xb7: {  	[dreg:$0x5] =	wrdreg $0x9  }
0xb8: {  	_ =	task.clear_ibuf [dreg:s8], $0x6FFFF;
	_ =	strace $0x90000046  }
0xb9: {  	s29 =	simm.s32 $0x9;
	_ =	strace $0x80000048  }
0xba: {  	_ =	swait.ge [sflag:s29], $0x1  }
0xbb: {  	[sflag:s29] =	ssyncadd.s32 $0xFFFFFFFF  }
0xbc: {  	_ =	strace $0x90000048  }
0xbd: {  	_ =	sfence  }
0xbe: {  	s30 =	sld [smem:$0x0];
	_ =	sdelay $0x2  }
0xbf: {  	s31 =	sshll.u32 s1, $0xD;
	s1 =	sshrl.u32 s1, $0x2  }
0xc0: {  	s3 =	sand.u32 $0x4000, s31;
	s1 =	sadd.s32 s1, s30  }
0xc1: {  	s0 =	sor.u32 s3, s0;
	s1 =	sshll.u32 s1, $0x11  }
0xc2: {  	s0 =	sor.u32 s1, s0  }
0xc3: {  	s0 =	sadd.s32 $0x8F2B, s0  }
0xc4: {  	[sflag:s0] =	ssyncadd.remote.s32 $0x1  }
0xc5: {  	_ =	sfence.sel $0xFFFF  }
0xc6: {  	[dreg:$0x0] =	wrdreg $0xFFFFFFFF;
	(pc) =	sbr.abs _section_cstart, $3  }
0xc7: {  	[dreg:$0x1] =	wrdreg $0xFFFFFFFF  }
0xc8: {  	_ =	task.clear_ibuf [dreg:s8], $0x2FFFF;
	_ =	strace $0x9FFFFFFF  }
0xc9: {  	(tm) =	ssettm $0x7FFFFFFF  }
tec
execute0_lowered:
.L_overlay_start_1:
0x0: {  	(tag) =	ssettag $0x1  }
0x1: {  	s0 =	rddreg [dreg:$0x0];
	s1 =	srdreg.scid  }
0x2: {  	s3 =	stileid.u32;
	s2 =	rddreg [dreg:$0x2];
	s4 =	simm.s32 $0x0  }
0x3: {  	s13 =	simm.s32 $0x4E20;
	s14 =	simm.s32 $0x1;
	s15 =	simm.s32 $0x2  }
0x4: {  	s16 =	simm.s32 $0x13880;
	s17 =	simm.s32 $0x14880;
	s18 =	simm.s32 $0x4  }
0x5: {  	s19 =	simm.s32 $0x5;
	s20 =	simm.s32 $0x165C0;
	s21 =	simm.s32 $0x16600  }
0x6: {  	s24 =	simm.s32 $0x6;
	s25 =	simm.s32 $0x7;
	s1 =	sand.u32 $0x1, s1  }
0x7: {  	s3 =	sshll.u32 s3, $0x1;
	[smem:$0x7FF] =	sst s4;
	s5 =	sadd.s32 $0x600, s0  }
0x8: {  	s3 =	sor.u32 s1, s3;
	_ =	strace $0x80000047;
	s1 =	ssub.s32 $0x2, s1  }
0x9: {  	s4 =	smul.u32 $0xF4240, s3;
	s3 =	sshll.u32 s3, $0x3;
	s7 =	sshrl.u32 s1, $0x1  }
0xa: {  	s0 =	sadd.s32 s3, s0;
	s1 =	ssub.s32 s1, s7;
	s2 =	sadd.s32 s2, s3  }
0xb: {  	s6 =	sshrl.u32 s4, $0x3;
	[dreg:$0x5] =	wrdreg s2;
	s0 =	sadd.s32 $0x3D1000, s0  }
0xc: {  	s31 =	smax.u32 s1, $0x1;
	s6 =	sadd.s32 s5, s6;
	[dreg:$0x6] =	wrdreg s0  }
0xd: {  	v0 =	vimm.s32 $0x0;
	v1 =	vimm.f32 $-Inf;
	s26 =	simm.s32 $0x0;
	[dreg:$0x7] =	wrdreg s31;
	s30 =	sadd.s32 $0x9C4, s6  }
0xe: {  	v2 =	vimm.f32 $0.0e+00;
	v3 =	vlaneseq.u32;
	v4 =	vimm.s32 $0x1;
	s8 =	sadd.s32 $0xEA60, s4;
	s9 =	sadd.s32 $0x13880, s4;
	[dreg:$0x4] =	wrdreg s30  }
.LBB2_1:
0xf: {  	s0 =	simm.s32 $0x40;
	s1 =	simm.s32 $0x0  }
.LBB2_2:
0x10: {  	p0 =	sne.s32 s0, $0x3FC0;
	[tilespmem:s1+$0x13880] =	vst v0;
	s2 =	smov.u32 s0;
	s0 =	sadd.s32 $0x40, s0  }
.Ltmp0:
0x11: {  	[tilespmem:s1+$0x14880] =	vst v0;
	(pc) =	sbr.rel @p0 .LBB2_2-.Ltmp0, $2  }
0x12: {  	_ =	sdelay $0x2  }
0x13: {  	s1 =	sshra.s32 s2, $0x2  }
0x14: {  	[tilespmem:s1+$0x13880] =	vst v0  }
0x15: {  	[tilespmem:s1+$0x14880] =	vst v0  }
0x16: {  	[tilespmem:$0x163C0] =	vst v1  }
0x17: {  	[tilespmem:$0x164C0] =	vst v0  }
0x18: {  	[tilespmem:$0x163D0] =	vst v1  }
0x19: {  	[tilespmem:$0x164D0] =	vst v0  }
0x1a: {  	[tilespmem:$0x163E0] =	vst v1  }
0x1b: {  	[tilespmem:$0x164E0] =	vst v0  }
0x1c: {  	[tilespmem:$0x163F0] =	vst v1  }
0x1d: {  	[tilespmem:$0x164F0] =	vst v0  }
0x1e: {  	[tilespmem:$0x16400] =	vst v1  }
0x1f: {  	[tilespmem:$0x16500] =	vst v0  }
0x20: {  	[tilespmem:$0x16410] =	vst v1  }
0x21: {  	[tilespmem:$0x16510] =	vst v0  }
0x22: {  	[tilespmem:$0x16420] =	vst v1  }
0x23: {  	[tilespmem:$0x16520] =	vst v0  }
0x24: {  	[tilespmem:$0x16430] =	vst v1  }
0x25: {  	[tilespmem:$0x16530] =	vst v0  }
0x26: {  	[tilespmem:$0x16440] =	vst v1  }
0x27: {  	[tilespmem:$0x16540] =	vst v0  }
0x28: {  	[tilespmem:$0x16450] =	vst v1  }
0x29: {  	[tilespmem:$0x16550] =	vst v0  }
0x2a: {  	[tilespmem:$0x16460] =	vst v1  }
0x2b: {  	[tilespmem:$0x16560] =	vst v0  }
0x2c: {  	[tilespmem:$0x16470] =	vst v1  }
0x2d: {  	[tilespmem:$0x16570] =	vst v0  }
0x2e: {  	[tilespmem:$0x16480] =	vst v1  }
0x2f: {  	[tilespmem:$0x16580] =	vst v0  }
0x30: {  	[tilespmem:$0x16490] =	vst v1  }
0x31: {  	[tilespmem:$0x16590] =	vst v0  }
0x32: {  	[tilespmem:$0x164A0] =	vst v1  }
0x33: {  	[tilespmem:$0x165A0] =	vst v0  }
0x34: {  	[tilespmem:$0x164B0] =	vst v1  }
0x35: {  	[tilespmem:$0x165B0] =	vst v0  }
0x36: {  	[tilespmem:$0x165C0] =	vst v2  }
0x37: {  	[tilespmem:$0x16600] =	vst v0  }
0x38: {  	[tilespmem:$0x165D0] =	vst v2  }
0x39: {  	[tilespmem:$0x16610] =	vst v0  }
0x3a: {  	[tilespmem:$0x165E0] =	vst v2  }
0x3b: {  	[tilespmem:$0x16620] =	vst v0  }
0x3c: {  	[tilespmem:$0x165F0] =	vst v2  }
0x3d: {  	s28 =	simm.s32 $0x0;
	[tilespmem:$0x16630] =	vst v0  }
0x3e: {  	[tilespmem:s28], [sflag:$0x1] =	stream.linear.gather [hbm4b:s6+s28], $0x4E20, $0x38;
	[tilespmem:$0x16680] =	vst v63  }
0x3f: {  	s0 =	rddreg [dreg:$0x4]  }
0x40: {  	[tilespmem:s13], [sflag:$0x2] =	stream.linear.gather [hbm4b:s0+s28], $0x4E20, $0x38;
	[tilespmem:$0x16680] =	vst v63  }
0x41: {  	_ =	swait.ge [sflag:s14], $0x4E20  }
0x42: {  	s29 =	simm.s32 $0xEA60;
	[sflag:s14] =	ssyncset.done $0x0  }
0x43: {  	s30 =	simm.s32 $0xEBF0;
	s31 =	simm.s32 $0xED80;
	[sflag:s14] =	ssyncadd.s32 $0xFFFFB1E0  }
.LBB2_4:
0x44: {  	s0 =	smul.u32 $0x3, s28;
	_ =	sdelay $0x1  }
0x45: {  	p0 =	seq.s32 s28, $0x10;
	s0 =	sadd.s32 $0x2, s0  }
0x46: {  	s0 =	smul.u32 @!p0 $0x4E20, s0;
	_ =	sdelay $0x1  }
0x47: {  	_ =	swait.ge [sflag:s15], $0x4E20;
	s0 =	sadd.s32 @!p0 s4, s0  }
0x48: {  	[sflag:s15] =	ssyncset.done $0x0;
	s1 =	simm.s32 @!p0 $0x0;
	s0 =	sshrl.u32 @!p0 s0, $0x3  }
0x49: {  	s2 =	simm.s32 @!p0 $0x9C40;
	[sflag:s15] =	ssyncadd.s32 $0xFFFFB1E0;
	s0 =	sadd.s32 @!p0 s5, s0  }
0x4a: {  	[tilespmem:s2], [sflag:$0x3] =	stream.linear.gather @!p0 [hbm4b:s0+s1], $0x4E20, $0x38;
	[tilespmem:$0x16680] =	vst v63  }
0x4b: {  	s1 =	simm.s32 $0x190  }
0x4c: {  	v6 =	vld [tilespmem:s1+$0x180]  }
0x4d: {  	v7 =	vld [tilespmem:s1+$0x160]  }
0x4e: {  	v8 =	vld [tilespmem:s1+$0x140]  }
0x4f: {  	v9 =	vld [tilespmem:s1+$0x120]  }
0x50: {  	v10 =	vld [tilespmem:s1+$0x100]  }
0x51: {  	v11 =	vld [tilespmem:s1+$0xE0]  }
0x52: {  	v12 =	vld [tilespmem:s1+$0xC0]  }
0x53: {  	v13 =	vld [tilespmem:s1+$0xA0]  }
0x54: {  	v14 =	vld [tilespmem:s1+$0x80]  }
0x55: {  	v15 =	vld [tilespmem:s1+$0x60]  }
0x56: {  	v16 =	vld [tilespmem:s1+$0x40]  }
0x57: {  	v17 =	vld [tilespmem:s1+$0x20]  }
0x58: {  	v18 =	vld [tilespmem:s1+$0x0]  }
0x59: {  	v19 =	vld [tilespmem:s1+$0xFFFFFFE0]  }
0x5a: {  	v20 =	vld [tilespmem:s1+$0xFFFFFFC0]  }
0x5b: {  	v21 =	vld [tilespmem:s1+$0xFFFFFFA0]  }
0x5c: {  	v22 =	vld [tilespmem:s1+$0xFFFFFF80]  }
0x5d: {  	v23 =	vld [tilespmem:s1+$0xFFFFFF60]  }
0x5e: {  	v24 =	vld [tilespmem:s1+$0xFFFFFF40]  }
0x5f: {  	v25 =	vld [tilespmem:s1+$0xFFFFFF20]  }
0x60: {  	v26 =	vld [tilespmem:s1+$0xFFFFFF00]  }
0x61: {  	v27 =	vld [tilespmem:s1+$0xFFFFFEE0]  }
0x62: {  	v28 =	vld [tilespmem:s1+$0xFFFFFEC0]  }
0x63: {  	v29 =	vld [tilespmem:s1+$0xFFFFFEA0]  }
0x64: {  	v30 =	vld [tilespmem:s1+$0xFFFFFE80]  }
0x65: {  	v31 =	vld [tilespmem:s1+$0xFFFFFE90]  }
0x66: {  	v5 =	vmov s29;
	s2 =	simm.s32 $0x40;
	s0 =	simm.s32 $0x0;
	v32 =	vld [tilespmem:s1+$0xFFFFFE70]  }
.LBB2_5:
0x67: {  	p1 =	sne.s32 s2, $0x600;
	v33 =	vld [tilespmem:s1+$0xFFFFFEB0]  }
0x68: {  	v34 =	vld [tilespmem:s1+$0xFFFFFED0]  }
0x69: {  	v35 =	vld [tilespmem:s1+$0xFFFFFEF0]  }
0x6a: {  	v36 =	vld [tilespmem:s1+$0xFFFFFF10]  }
0x6b: {  	v29 =	vmax.f32 v30, v29;
	v31 =	vmax.f32 v32, v31;
	v30 =	vld [tilespmem:s1+$0xFFFFFF30]  }
0x6c: {  	v28 =	vmax.f32 v29, v28;
	v31 =	vmax.f32 v31, v33;
	v29 =	vld [tilespmem:s1+$0xFFFFFF50]  }
0x6d: {  	v27 =	vmax.f32 v28, v27;
	v31 =	vmax.f32 v31, v34;
	v28 =	vld [tilespmem:s1+$0xFFFFFF70]  }
0x6e: {  	v26 =	vmax.f32 v27, v26;
	v31 =	vmax.f32 v31, v35;
	v27 =	vld [tilespmem:s1+$0xFFFFFF90]  }
0x6f: {  	v25 =	vmax.f32 v26, v25;
	v31 =	vmax.f32 v31, v36;
	v26 =	vld [tilespmem:s1+$0xFFFFFFB0]  }
0x70: {  	v24 =	vmax.f32 v25, v24;
	v30 =	vmax.f32 v31, v30;
	v25 =	vld [tilespmem:s1+$0xFFFFFFD0]  }
0x71: {  	v23 =	vmax.f32 v24, v23;
	v29 =	vmax.f32 v30, v29;
	v24 =	vld [tilespmem:s1+$0xFFFFFFF0]  }
0x72: {  	v22 =	vmax.f32 v23, v22;
	v28 =	vmax.f32 v29, v28;
	v23 =	vld [tilespmem:s1+$0x10]  }
0x73: {  	v21 =	vmax.f32 v22, v21;
	v27 =	vmax.f32 v28, v27;
	v22 =	vld [tilespmem:s1+$0x30]  }
0x74: {  	v20 =	vmax.f32 v21, v20;
	v26 =	vmax.f32 v27, v26;
	v21 =	vld [tilespmem:s1+$0x50]  }
0x75: {  	v19 =	vmax.f32 v20, v19;
	v25 =	vmax.f32 v26, v25;
	v20 =	vld [tilespmem:s1+$0x70]  }
0x76: {  	v18 =	vmax.f32 v19, v18;
	v24 =	vmax.f32 v25, v24;
	v19 =	vld [tilespmem:s1+$0x90]  }
0x77: {  	v17 =	vmax.f32 v18, v17;
	v23 =	vmax.f32 v24, v23;
	v18 =	vld [tilespmem:s1+$0xB0]  }
0x78: {  	v16 =	vmax.f32 v17, v16;
	v22 =	vmax.f32 v23, v22;
	v17 =	vld [tilespmem:s1+$0xD0]  }
0x79: {  	v15 =	vmax.f32 v16, v15;
	v21 =	vmax.f32 v22, v21;
	v16 =	vld [tilespmem:s1+$0xF0]  }
0x7a: {  	v14 =	vmax.f32 v15, v14;
	v20 =	vmax.f32 v21, v20;
	v15 =	vld [tilespmem:s1+$0x110]  }
0x7b: {  	v13 =	vmax.f32 v14, v13;
	v19 =	vmax.f32 v20, v19;
	v14 =	vld [tilespmem:s1+$0x130]  }
0x7c: {  	v12 =	vmax.f32 v13, v12;
	v18 =	vmax.f32 v19, v18;
	v13 =	vld [tilespmem:s1+$0x150]  }
0x7d: {  	v11 =	vmax.f32 v12, v11;
	v17 =	vmax.f32 v18, v17;
	v12 =	vld [tilespmem:s1+$0x170]  }
0x7e: {  	v10 =	vmax.f32 v11, v10;
	v16 =	vmax.f32 v17, v16  }
0x7f: {  	v9 =	vmax.f32 v10, v9;
	v11 =	vmax.f32 v16, v15  }
0x80: {  	v8 =	vmax.f32 v9, v8;
	v10 =	vmax.f32 v11, v14  }
0x81: {  	v7 =	vmax.f32 v8, v7;
	v9 =	vmax.f32 v10, v13  }
0x82: {  	v6 =	vmax.f32 v7, v6;
	v8 =	vmax.f32 v9, v12  }
0x83: {  	v6 =	vmax.f32 v8, v6  }
0x84: {  	vm0 =	vlt.s32 v6, $0x0;
	v7 =	vxor.u32 $0xFFFFFFFF, v6;
	v6 =	vxor.u32 $0x80000000, v6  }
0x85: {  	s3 =	sshra.s32 s0, $0x2;
	s0 =	smov.u32 s2;
	v6 =	vsel vm0, v7, v6  }
0x86: {  	[tilespmem:v5+s3+$0x0 ss:$0x1] =	vst.idx.msk $0xffff, v6;
	v6 =	vshrl.u32 v6, $0x14  }
0x87: {  	v6 =	vand.u32 $0xFF0, v6  }
0x88: {  	v6 =	vor.u32 v3, v6;
	_ =	sdelay $0x4  }
0x89: {  	s1 =	sadd.s32 $0x320, s1;
	[tilespmem:v6+s16+$0x0] =	vst.idx.add.s32.msk $0xffff, v4  }
0x8a: {  	v6 =	vld [tilespmem:s1+$0x180]  }
0x8b: {  	v7 =	vld [tilespmem:s1+$0x160]  }
0x8c: {  	v8 =	vld [tilespmem:s1+$0x140]  }
0x8d: {  	v9 =	vld [tilespmem:s1+$0x120]  }
0x8e: {  	v10 =	vld [tilespmem:s1+$0x100]  }
0x8f: {  	v11 =	vld [tilespmem:s1+$0xE0]  }
0x90: {  	v12 =	vld [tilespmem:s1+$0xC0]  }
0x91: {  	v13 =	vld [tilespmem:s1+$0xA0]  }
0x92: {  	v14 =	vld [tilespmem:s1+$0x80]  }
0x93: {  	v15 =	vld [tilespmem:s1+$0x60]  }
0x94: {  	v16 =	vld [tilespmem:s1+$0x40]  }
0x95: {  	v17 =	vld [tilespmem:s1+$0x20]  }
0x96: {  	v18 =	vld [tilespmem:s1+$0x0]  }
0x97: {  	v19 =	vld [tilespmem:s1+$0xFFFFFFE0]  }
0x98: {  	v20 =	vld [tilespmem:s1+$0xFFFFFFC0]  }
0x99: {  	v21 =	vld [tilespmem:s1+$0xFFFFFFA0]  }
0x9a: {  	v22 =	vld [tilespmem:s1+$0xFFFFFF80]  }
0x9b: {  	v23 =	vld [tilespmem:s1+$0xFFFFFF60]  }
0x9c: {  	v24 =	vld [tilespmem:s1+$0xFFFFFF40]  }
0x9d: {  	v25 =	vld [tilespmem:s1+$0xFFFFFF20]  }
0x9e: {  	v26 =	vld [tilespmem:s1+$0xFFFFFF00]  }
0x9f: {  	v27 =	vld [tilespmem:s1+$0xFFFFFEE0]  }
.Ltmp1:
0xa0: {  	v28 =	vld [tilespmem:s1+$0xFFFFFEC0];
	(pc) =	sbr.rel @p1 .LBB2_5-.Ltmp1, $4  }
0xa1: {  	v29 =	vld [tilespmem:s1+$0xFFFFFEA0]  }
0xa2: {  	v30 =	vld [tilespmem:s1+$0xFFFFFE80]  }
0xa3: {  	v31 =	vld [tilespmem:s1+$0xFFFFFE90]  }
0xa4: {  	s2 =	sadd.s32 $0x40, s2;
	v32 =	vld [tilespmem:s1+$0xFFFFFE70]  }
0xa5: {  	v33 =	vld [tilespmem:s1+$0xFFFFFEB0]  }
0xa6: {  	v34 =	vld [tilespmem:s1+$0xFFFFFED0]  }
0xa7: {  	v35 =	vld [tilespmem:s1+$0xFFFFFEF0]  }
0xa8: {  	v36 =	vld [tilespmem:s1+$0xFFFFFF10]  }
0xa9: {  	v29 =	vmax.f32 v30, v29;
	v30 =	vld [tilespmem:s1+$0xFFFFFF30];
	v31 =	vmax.f32 v32, v31  }
0xaa: {  	v28 =	vmax.f32 v29, v28;
	v29 =	vld [tilespmem:s1+$0xFFFFFF50];
	v31 =	vmax.f32 v31, v33  }
0xab: {  	v27 =	vmax.f32 v28, v27;
	v28 =	vld [tilespmem:s1+$0xFFFFFF70];
	v31 =	vmax.f32 v31, v34  }
0xac: {  	v26 =	vmax.f32 v27, v26;
	v27 =	vld [tilespmem:s1+$0xFFFFFF90];
	v31 =	vmax.f32 v31, v35  }
0xad: {  	v25 =	vmax.f32 v26, v25;
	v26 =	vld [tilespmem:s1+$0xFFFFFFB0];
	v31 =	vmax.f32 v31, v36  }
0xae: {  	v24 =	vmax.f32 v25, v24;
	v25 =	vld [tilespmem:s1+$0xFFFFFFD0];
	v30 =	vmax.f32 v31, v30  }
0xaf: {  	v23 =	vmax.f32 v24, v23;
	v24 =	vld [tilespmem:s1+$0xFFFFFFF0];
	v29 =	vmax.f32 v30, v29  }
0xb0: {  	v22 =	vmax.f32 v23, v22;
	v23 =	vld [tilespmem:s1+$0x10];
	v28 =	vmax.f32 v29, v28  }
0xb1: {  	v21 =	vmax.f32 v22, v21;
	v22 =	vld [tilespmem:s1+$0x30];
	v27 =	vmax.f32 v28, v27  }
0xb2: {  	v20 =	vmax.f32 v21, v20;
	v21 =	vld [tilespmem:s1+$0x50];
	v26 =	vmax.f32 v27, v26  }
0xb3: {  	v19 =	vmax.f32 v20, v19;
	v20 =	vld [tilespmem:s1+$0x70];
	v25 =	vmax.f32 v26, v25  }
0xb4: {  	v18 =	vmax.f32 v19, v18;
	v19 =	vld [tilespmem:s1+$0x90];
	v24 =	vmax.f32 v25, v24  }
0xb5: {  	v17 =	vmax.f32 v18, v17;
	v18 =	vld [tilespmem:s1+$0xB0];
	v23 =	vmax.f32 v24, v23  }
0xb6: {  	v16 =	vmax.f32 v17, v16;
	v17 =	vld [tilespmem:s1+$0xD0];
	v22 =	vmax.f32 v23, v22  }
0xb7: {  	v15 =	vmax.f32 v16, v15;
	v16 =	vld [tilespmem:s1+$0xF0];
	v21 =	vmax.f32 v22, v21  }
0xb8: {  	v14 =	vmax.f32 v15, v14;
	v15 =	vld [tilespmem:s1+$0x110];
	v20 =	vmax.f32 v21, v20  }
0xb9: {  	v13 =	vmax.f32 v14, v13;
	v14 =	vld [tilespmem:s1+$0x130];
	v19 =	vmax.f32 v20, v19  }
0xba: {  	v12 =	vmax.f32 v13, v12;
	v13 =	vld [tilespmem:s1+$0x150];
	v18 =	vmax.f32 v19, v18  }
0xbb: {  	v11 =	vmax.f32 v12, v11;
	v12 =	vld [tilespmem:s1+$0x170];
	v17 =	vmax.f32 v18, v17  }
0xbc: {  	v10 =	vmax.f32 v11, v10;
	v16 =	vmax.f32 v17, v16  }
0xbd: {  	v9 =	vmax.f32 v10, v9;
	v11 =	vmax.f32 v16, v15  }
0xbe: {  	v8 =	vmax.f32 v9, v8;
	v10 =	vmax.f32 v11, v14  }
0xbf: {  	v7 =	vmax.f32 v8, v7;
	v9 =	vmax.f32 v10, v13  }
0xc0: {  	v6 =	vmax.f32 v7, v6;
	v8 =	vmax.f32 v9, v12  }
0xc1: {  	v6 =	vmax.f32 v8, v6  }
0xc2: {  	vm0 =	vlt.s32 v6, $0x0;
	v7 =	vxor.u32 $0xFFFFFFFF, v6;
	v6 =	vxor.u32 $0x80000000, v6  }
0xc3: {  	v6 =	vsel vm0, v7, v6  }
0xc4: {  	v7 =	vshrl.u32 v6, $0x14  }
0xc5: {  	v7 =	vand.u32 $0xFF0, v7  }
0xc6: {  	v7 =	vor.u32 v3, v7;
	_ =	sdelay $0x2  }
0xc7: {  	s0 =	sshra.s32 s0, $0x2  }
0xc8: {  	[tilespmem:v5+s0+$0x0 ss:$0x1] =	vst.idx.msk $0xffff, v6;
	s0 =	smul.u32 @!p0 $0xEA60, s28  }
0xc9: {  	s1 =	simm.s32 @!p0 $0x3;
	[tilespmem:v7+s16+$0x0] =	vst.idx.add.s32.msk $0xffff, v4  }
0xca: {  	s0 =	sadd.s32 @!p0 s0, s8;
	_ =	swait.ge @!p0 [sflag:s1], $0x4E20  }
0xcb: {  	s0 =	sshrl.u32 @!p0 s0, $0x3;
	[sflag:s1] =	ssyncset.done @!p0 $0x0  }
0xcc: {  	s0 =	sadd.s32 @!p0 s5, s0;
	[sflag:s1] =	ssyncadd.s32 @!p0 $0xFFFFB1E0;
	s1 =	simm.s32 @!p0 $0x0  }
0xcd: {  	[tilespmem:s1], [sflag:$0x1] =	stream.linear.gather @!p0 [hbm4b:s0+s1], $0x4E20, $0x38;
	[tilespmem:$0x16680] =	vst v63  }
0xce: {  	s1 =	simm.s32 $0x4FB0  }
0xcf: {  	v6 =	vld [tilespmem:s1+$0x180]  }
0xd0: {  	v7 =	vld [tilespmem:s1+$0x160]  }
0xd1: {  	v8 =	vld [tilespmem:s1+$0x140]  }
0xd2: {  	v9 =	vld [tilespmem:s1+$0x120]  }
0xd3: {  	v10 =	vld [tilespmem:s1+$0x100]  }
0xd4: {  	v11 =	vld [tilespmem:s1+$0xE0]  }
0xd5: {  	v12 =	vld [tilespmem:s1+$0xC0]  }
0xd6: {  	v13 =	vld [tilespmem:s1+$0xA0]  }
0xd7: {  	v14 =	vld [tilespmem:s1+$0x80]  }
0xd8: {  	v15 =	vld [tilespmem:s1+$0x60]  }
0xd9: {  	v16 =	vld [tilespmem:s1+$0x40]  }
0xda: {  	v17 =	vld [tilespmem:s1+$0x20]  }
0xdb: {  	v18 =	vld [tilespmem:s1+$0x0]  }
0xdc: {  	v19 =	vld [tilespmem:s1+$0xFFFFFFE0]  }
0xdd: {  	v20 =	vld [tilespmem:s1+$0xFFFFFFC0]  }
0xde: {  	v21 =	vld [tilespmem:s1+$0xFFFFFFA0]  }
0xdf: {  	v22 =	vld [tilespmem:s1+$0xFFFFFF80]  }
0xe0: {  	v23 =	vld [tilespmem:s1+$0xFFFFFF60]  }
0xe1: {  	v24 =	vld [tilespmem:s1+$0xFFFFFF40]  }
0xe2: {  	v25 =	vld [tilespmem:s1+$0xFFFFFF20]  }
0xe3: {  	v26 =	vld [tilespmem:s1+$0xFFFFFF00]  }
0xe4: {  	v27 =	vld [tilespmem:s1+$0xFFFFFEE0]  }
0xe5: {  	v28 =	vld [tilespmem:s1+$0xFFFFFEC0]  }
0xe6: {  	v29 =	vld [tilespmem:s1+$0xFFFFFEA0]  }
0xe7: {  	v30 =	vld [tilespmem:s1+$0xFFFFFE80]  }
0xe8: {  	v31 =	vld [tilespmem:s1+$0xFFFFFE90]  }
0xe9: {  	s2 =	simm.s32 $0x40;
	v5 =	vmov s30;
	s0 =	simm.s32 $0x0;
	v32 =	vld [tilespmem:s1+$0xFFFFFE70]  }
.LBB2_7:
0xea: {  	p1 =	sne.s32 s2, $0x600;
	v33 =	vld [tilespmem:s1+$0xFFFFFEB0]  }
0xeb: {  	v34 =	vld [tilespmem:s1+$0xFFFFFED0]  }
0xec: {  	v35 =	vld [tilespmem:s1+$0xFFFFFEF0]  }
0xed: {  	v36 =	vld [tilespmem:s1+$0xFFFFFF10]  }
0xee: {  	v29 =	vmax.f32 v30, v29;
	v31 =	vmax.f32 v32, v31;
	v30 =	vld [tilespmem:s1+$0xFFFFFF30]  }
0xef: {  	v28 =	vmax.f32 v29, v28;
	v31 =	vmax.f32 v31, v33;
	v29 =	vld [tilespmem:s1+$0xFFFFFF50]  }
0xf0: {  	v27 =	vmax.f32 v28, v27;
	v31 =	vmax.f32 v31, v34;
	v28 =	vld [tilespmem:s1+$0xFFFFFF70]  }
0xf1: {  	v26 =	vmax.f32 v27, v26;
	v31 =	vmax.f32 v31, v35;
	v27 =	vld [tilespmem:s1+$0xFFFFFF90]  }
0xf2: {  	v25 =	vmax.f32 v26, v25;
	v31 =	vmax.f32 v31, v36;
	v26 =	vld [tilespmem:s1+$0xFFFFFFB0]  }
0xf3: {  	v24 =	vmax.f32 v25, v24;
	v30 =	vmax.f32 v31, v30;
	v25 =	vld [tilespmem:s1+$0xFFFFFFD0]  }
0xf4: {  	v23 =	vmax.f32 v24, v23;
	v29 =	vmax.f32 v30, v29;
	v24 =	vld [tilespmem:s1+$0xFFFFFFF0]  }
0xf5: {  	v22 =	vmax.f32 v23, v22;
	v28 =	vmax.f32 v29, v28;
	v23 =	vld [tilespmem:s1+$0x10]  }
0xf6: {  	v21 =	vmax.f32 v22, v21;
	v27 =	vmax.f32 v28, v27;
	v22 =	vld [tilespmem:s1+$0x30]  }
0xf7: {  	v20 =	vmax.f32 v21, v20;
	v26 =	vmax.f32 v27, v26;
	v21 =	vld [tilespmem:s1+$0x50]  }
0xf8: {  	v19 =	vmax.f32 v20, v19;
	v25 =	vmax.f32 v26, v25;
	v20 =	vld [tilespmem:s1+$0x70]  }
0xf9: {  	v18 =	vmax.f32 v19, v18;
	v24 =	vmax.f32 v25, v24;
	v19 =	vld [tilespmem:s1+$0x90]  }
0xfa: {  	v17 =	vmax.f32 v18, v17;
	v23 =	vmax.f32 v24, v23;
	v18 =	vld [tilespmem:s1+$0xB0]  }
0xfb: {  	v16 =	vmax.f32 v17, v16;
	v22 =	vmax.f32 v23, v22;
	v17 =	vld [tilespmem:s1+$0xD0]  }
0xfc: {  	v15 =	vmax.f32 v16, v15;
	v21 =	vmax.f32 v22, v21;
	v16 =	vld [tilespmem:s1+$0xF0]  }
0xfd: {  	v14 =	vmax.f32 v15, v14;
	v20 =	vmax.f32 v21, v20;
	v15 =	vld [tilespmem:s1+$0x110]  }
0xfe: {  	v13 =	vmax.f32 v14, v13;
	v19 =	vmax.f32 v20, v19;
	v14 =	vld [tilespmem:s1+$0x130]  }
0xff: {  	v12 =	vmax.f32 v13, v12;
	v18 =	vmax.f32 v19, v18;
	v13 =	vld [tilespmem:s1+$0x150]  }
0x100: {  	v11 =	vmax.f32 v12, v11;
	v17 =	vmax.f32 v18, v17;
	v12 =	vld [tilespmem:s1+$0x170]  }
0x101: {  	v10 =	vmax.f32 v11, v10;
	v16 =	vmax.f32 v17, v16  }
0x102: {  	v9 =	vmax.f32 v10, v9;
	v11 =	vmax.f32 v16, v15  }
0x103: {  	v8 =	vmax.f32 v9, v8;
	v10 =	vmax.f32 v11, v14  }
0x104: {  	v7 =	vmax.f32 v8, v7;
	v9 =	vmax.f32 v10, v13  }
0x105: {  	v6 =	vmax.f32 v7, v6;
	v8 =	vmax.f32 v9, v12  }
0x106: {  	v6 =	vmax.f32 v8, v6  }
0x107: {  	vm0 =	vlt.s32 v6, $0x0;
	v7 =	vxor.u32 $0xFFFFFFFF, v6;
	v6 =	vxor.u32 $0x80000000, v6  }
0x108: {  	s3 =	sshra.s32 s0, $0x2;
	s0 =	smov.u32 s2;
	v6 =	vsel vm0, v7, v6  }
0x109: {  	[tilespmem:v5+s3+$0x0 ss:$0x1] =	vst.idx.msk $0xffff, v6;
	v6 =	vshrl.u32 v6, $0x14  }
0x10a: {  	v6 =	vand.u32 $0xFF0, v6  }
0x10b: {  	v6 =	vor.u32 v3, v6;
	_ =	sdelay $0x4  }
0x10c: {  	s1 =	sadd.s32 $0x320, s1;
	[tilespmem:v6+s16+$0x0] =	vst.idx.add.s32.msk $0xffff, v4  }
0x10d: {  	v6 =	vld [tilespmem:s1+$0x180]  }
0x10e: {  	v7 =	vld [tilespmem:s1+$0x160]  }
0x10f: {  	v8 =	vld [tilespmem:s1+$0x140]  }
0x110: {  	v9 =	vld [tilespmem:s1+$0x120]  }
0x111: {  	v10 =	vld [tilespmem:s1+$0x100]  }
0x112: {  	v11 =	vld [tilespmem:s1+$0xE0]  }
0x113: {  	v12 =	vld [tilespmem:s1+$0xC0]  }
0x114: {  	v13 =	vld [tilespmem:s1+$0xA0]  }
0x115: {  	v14 =	vld [tilespmem:s1+$0x80]  }
0x116: {  	v15 =	vld [tilespmem:s1+$0x60]  }
0x117: {  	v16 =	vld [tilespmem:s1+$0x40]  }
0x118: {  	v17 =	vld [tilespmem:s1+$0x20]  }
0x119: {  	v18 =	vld [tilespmem:s1+$0x0]  }
0x11a: {  	v19 =	vld [tilespmem:s1+$0xFFFFFFE0]  }
0x11b: {  	v20 =	vld [tilespmem:s1+$0xFFFFFFC0]  }
0x11c: {  	v21 =	vld [tilespmem:s1+$0xFFFFFFA0]  }
0x11d: {  	v22 =	vld [tilespmem:s1+$0xFFFFFF80]  }
0x11e: {  	v23 =	vld [tilespmem:s1+$0xFFFFFF60]  }
0x11f: {  	v24 =	vld [tilespmem:s1+$0xFFFFFF40]  }
0x120: {  	v25 =	vld [tilespmem:s1+$0xFFFFFF20]  }
0x121: {  	v26 =	vld [tilespmem:s1+$0xFFFFFF00]  }
0x122: {  	v27 =	vld [tilespmem:s1+$0xFFFFFEE0]  }
.Ltmp2:
0x123: {  	v28 =	vld [tilespmem:s1+$0xFFFFFEC0];
	(pc) =	sbr.rel @p1 .LBB2_7-.Ltmp2, $4  }
0x124: {  	v29 =	vld [tilespmem:s1+$0xFFFFFEA0]  }
0x125: {  	v30 =	vld [tilespmem:s1+$0xFFFFFE80]  }
0x126: {  	v31 =	vld [tilespmem:s1+$0xFFFFFE90]  }
0x127: {  	s2 =	sadd.s32 $0x40, s2;
	v32 =	vld [tilespmem:s1+$0xFFFFFE70]  }
0x128: {  	v33 =	vld [tilespmem:s1+$0xFFFFFEB0]  }
0x129: {  	v34 =	vld [tilespmem:s1+$0xFFFFFED0]  }
0x12a: {  	v35 =	vld [tilespmem:s1+$0xFFFFFEF0]  }
0x12b: {  	v36 =	vld [tilespmem:s1+$0xFFFFFF10]  }
0x12c: {  	v41 =	vld [tilespmem:s1+$0xFFFFFF30];
	v29 =	vmax.f32 v30, v29;
	v31 =	vmax.f32 v32, v31  }
0x12d: {  	v42 =	vld [tilespmem:s1+$0xFFFFFF50];
	v28 =	vmax.f32 v29, v28;
	v31 =	vmax.f32 v31, v33  }
0x12e: {  	v43 =	vld [tilespmem:s1+$0xFFFFFF70];
	v27 =	vmax.f32 v28, v27;
	v31 =	vmax.f32 v31, v34  }
0x12f: {  	v44 =	vld [tilespmem:s1+$0xFFFFFF90];
	v26 =	vmax.f32 v27, v26;
	v31 =	vmax.f32 v31, v35  }
0x130: {  	v45 =	vld [tilespmem:s1+$0xFFFFFFB0];
	v25 =	vmax.f32 v26, v25;
	v31 =	vmax.f32 v31, v36  }
0x131: {  	v46 =	vld [tilespmem:s1+$0xFFFFFFD0];
	v24 =	vmax.f32 v25, v24;
	v30 =	vmax.f32 v31, v41  }
0x132: {  	v47 =	vld [tilespmem:s1+$0xFFFFFFF0];
	v23 =	vmax.f32 v24, v23;
	v29 =	vmax.f32 v30, v42  }
0x133: {  	v48 =	vld [tilespmem:s1+$0x10];
	v22 =	vmax.f32 v23, v22;
	v28 =	vmax.f32 v29, v43  }
0x134: {  	v49 =	vld [tilespmem:s1+$0x30];
	v21 =	vmax.f32 v22, v21;
	v27 =	vmax.f32 v28, v44  }
0x135: {  	v50 =	vld [tilespmem:s1+$0x50];
	v20 =	vmax.f32 v21, v20;
	v26 =	vmax.f32 v27, v45  }
0x136: {  	v51 =	vld [tilespmem:s1+$0x70];
	v19 =	vmax.f32 v20, v19;
	v25 =	vmax.f32 v26, v46  }
0x137: {  	v52 =	vld [tilespmem:s1+$0x90];
	v18 =	vmax.f32 v19, v18;
	v24 =	vmax.f32 v25, v47  }
0x138: {  	v53 =	vld [tilespmem:s1+$0xB0];
	v17 =	vmax.f32 v18, v17;
	v23 =	vmax.f32 v24, v48  }
0x139: {  	v54 =	vld [tilespmem:s1+$0xD0];
	v16 =	vmax.f32 v17, v16;
	v22 =	vmax.f32 v23, v49  }
0x13a: {  	v55 =	vld [tilespmem:s1+$0xF0];
	v15 =	vmax.f32 v16, v15;
	v21 =	vmax.f32 v22, v50  }
0x13b: {  	v56 =	vld [tilespmem:s1+$0x110];
	v14 =	vmax.f32 v15, v14;
	v20 =	vmax.f32 v21, v51  }
0x13c: {  	v57 =	vld [tilespmem:s1+$0x130];
	v13 =	vmax.f32 v14, v13;
	v19 =	vmax.f32 v20, v52  }
0x13d: {  	v58 =	vld [tilespmem:s1+$0x150];
	v12 =	vmax.f32 v13, v12;
	v18 =	vmax.f32 v19, v53  }
0x13e: {  	v59 =	vld [tilespmem:s1+$0x170];
	v11 =	vmax.f32 v12, v11;
	v17 =	vmax.f32 v18, v54  }
0x13f: {  	v10 =	vmax.f32 v11, v10;
	v16 =	vmax.f32 v17, v55  }
0x140: {  	v9 =	vmax.f32 v10, v9;
	v60 =	vmax.f32 v16, v56  }
0x141: {  	v8 =	vmax.f32 v9, v8;
	v61 =	vmax.f32 v60, v57  }
0x142: {  	v7 =	vmax.f32 v8, v7;
	v62 =	vmax.f32 v61, v58  }
0x143: {  	v6 =	vmax.f32 v7, v6;
	v63 =	vmax.f32 v62, v59  }
0x144: {  	v6 =	vmax.f32 v63, v6  }
0x145: {  	vm0 =	vlt.s32 v6, $0x0;
	v7 =	vxor.u32 $0xFFFFFFFF, v6;
	v6 =	vxor.u32 $0x80000000, v6  }
0x146: {  	v6 =	vsel vm0, v7, v6  }
0x147: {  	v7 =	vshrl.u32 v6, $0x14  }
0x148: {  	v7 =	vand.u32 $0xFF0, v7  }
0x149: {  	v7 =	vor.u32 v3, v7  }
.Ltmp3:
0x14a: {  	_ = 	snop;
	(pc) =	sbr.rel @p0 .LBB2_9-.Ltmp3, $4  }
0x14b: {  	_ = 	snop  }
0x14c: {  	s0 =	sshra.s32 s0, $0x2  }
0x14d: {  	[tilespmem:v5+s0+$0x0 ss:$0x1] =	vst.idx.msk $0xffff, v6  }
0x14e: {  	[tilespmem:v7+s16+$0x0] =	vst.idx.add.s32.msk $0xffff, v4  }
0x14f: {  	s0 =	smul.u32 $0xEA60, s28;
	_ =	sdelay $0x1  }
0x150: {  	_ =	swait.ge [sflag:s14], $0x4E20;
	s0 =	sadd.s32 s0, s9  }
0x151: {  	[sflag:s14] =	ssyncset.done $0x0;
	s0 =	sshrl.u32 s0, $0x3  }
0x152: {  	s1 =	simm.s32 $0x0;
	[sflag:s14] =	ssyncadd.s32 $0xFFFFB1E0;
	s0 =	sadd.s32 s5, s0  }
0x153: {  	[tilespmem:s13], [sflag:$0x2] =	stream.linear.gather [hbm4b:s0+s1], $0x4E20, $0x38;
	[tilespmem:$0x16680] =	vst v63  }
0x154: {  	s0 =	simm.s32 $0x9DD0  }
0x155: {  	v6 =	vld [tilespmem:s0+$0x180]  }
0x156: {  	v7 =	vld [tilespmem:s0+$0x160]  }
0x157: {  	v8 =	vld [tilespmem:s0+$0x140]  }
0x158: {  	v9 =	vld [tilespmem:s0+$0x120]  }
0x159: {  	v10 =	vld [tilespmem:s0+$0x100]  }
0x15a: {  	v11 =	vld [tilespmem:s0+$0xE0]  }
0x15b: {  	v12 =	vld [tilespmem:s0+$0xC0]  }
0x15c: {  	v13 =	vld [tilespmem:s0+$0xA0]  }
0x15d: {  	v14 =	vld [tilespmem:s0+$0x80]  }
0x15e: {  	v15 =	vld [tilespmem:s0+$0x60]  }
0x15f: {  	v16 =	vld [tilespmem:s0+$0x40]  }
0x160: {  	v17 =	vld [tilespmem:s0+$0x20]  }
0x161: {  	v18 =	vld [tilespmem:s0+$0x0]  }
0x162: {  	v19 =	vld [tilespmem:s0+$0xFFFFFFE0]  }
0x163: {  	v20 =	vld [tilespmem:s0+$0xFFFFFFC0]  }
0x164: {  	v21 =	vld [tilespmem:s0+$0xFFFFFFA0]  }
0x165: {  	v22 =	vld [tilespmem:s0+$0xFFFFFF80]  }
0x166: {  	v23 =	vld [tilespmem:s0+$0xFFFFFF60]  }
0x167: {  	v24 =	vld [tilespmem:s0+$0xFFFFFF40]  }
0x168: {  	v25 =	vld [tilespmem:s0+$0xFFFFFF20]  }
0x169: {  	v26 =	vld [tilespmem:s0+$0xFFFFFF00]  }
0x16a: {  	v27 =	vld [tilespmem:s0+$0xFFFFFEE0]  }
0x16b: {  	v28 =	vld [tilespmem:s0+$0xFFFFFEC0]  }
0x16c: {  	v29 =	vld [tilespmem:s0+$0xFFFFFEA0]  }
0x16d: {  	v30 =	vld [tilespmem:s0+$0xFFFFFE80]  }
0x16e: {  	v31 =	vld [tilespmem:s0+$0xFFFFFE90]  }
0x16f: {  	v5 =	vmov s31;
	s2 =	simm.s32 $0x40;
	v32 =	vld [tilespmem:s0+$0xFFFFFE70]  }
.LBB2_31:
0x170: {  	p0 =	sne.s32 s2, $0x600;
	v33 =	vld [tilespmem:s0+$0xFFFFFEB0]  }
0x171: {  	v34 =	vld [tilespmem:s0+$0xFFFFFED0]  }
0x172: {  	v35 =	vld [tilespmem:s0+$0xFFFFFEF0]  }
0x173: {  	v36 =	vld [tilespmem:s0+$0xFFFFFF10]  }
0x174: {  	v29 =	vmax.f32 v30, v29;
	v31 =	vmax.f32 v32, v31;
	v30 =	vld [tilespmem:s0+$0xFFFFFF30]  }
0x175: {  	v28 =	vmax.f32 v29, v28;
	v31 =	vmax.f32 v31, v33;
	v29 =	vld [tilespmem:s0+$0xFFFFFF50]  }
0x176: {  	v27 =	vmax.f32 v28, v27;
	v31 =	vmax.f32 v31, v34;
	v28 =	vld [tilespmem:s0+$0xFFFFFF70]  }
0x177: {  	v26 =	vmax.f32 v27, v26;
	v31 =	vmax.f32 v31, v35;
	v27 =	vld [tilespmem:s0+$0xFFFFFF90]  }
0x178: {  	v25 =	vmax.f32 v26, v25;
	v31 =	vmax.f32 v31, v36;
	v26 =	vld [tilespmem:s0+$0xFFFFFFB0]  }
0x179: {  	v24 =	vmax.f32 v25, v24;
	v30 =	vmax.f32 v31, v30;
	v25 =	vld [tilespmem:s0+$0xFFFFFFD0]  }
0x17a: {  	v23 =	vmax.f32 v24, v23;
	v29 =	vmax.f32 v30, v29;
	v24 =	vld [tilespmem:s0+$0xFFFFFFF0]  }
0x17b: {  	v22 =	vmax.f32 v23, v22;
	v28 =	vmax.f32 v29, v28;
	v23 =	vld [tilespmem:s0+$0x10]  }
0x17c: {  	v21 =	vmax.f32 v22, v21;
	v27 =	vmax.f32 v28, v27;
	v22 =	vld [tilespmem:s0+$0x30]  }
0x17d: {  	v20 =	vmax.f32 v21, v20;
	v26 =	vmax.f32 v27, v26;
	v21 =	vld [tilespmem:s0+$0x50]  }
0x17e: {  	v19 =	vmax.f32 v20, v19;
	v25 =	vmax.f32 v26, v25;
	v20 =	vld [tilespmem:s0+$0x70]  }
0x17f: {  	v18 =	vmax.f32 v19, v18;
	v24 =	vmax.f32 v25, v24;
	v19 =	vld [tilespmem:s0+$0x90]  }
0x180: {  	v17 =	vmax.f32 v18, v17;
	v23 =	vmax.f32 v24, v23;
	v18 =	vld [tilespmem:s0+$0xB0]  }
0x181: {  	v16 =	vmax.f32 v17, v16;
	v22 =	vmax.f32 v23, v22;
	v17 =	vld [tilespmem:s0+$0xD0]  }
0x182: {  	v15 =	vmax.f32 v16, v15;
	v21 =	vmax.f32 v22, v21;
	v16 =	vld [tilespmem:s0+$0xF0]  }
0x183: {  	v14 =	vmax.f32 v15, v14;
	v20 =	vmax.f32 v21, v20;
	v15 =	vld [tilespmem:s0+$0x110]  }
0x184: {  	v13 =	vmax.f32 v14, v13;
	v19 =	vmax.f32 v20, v19;
	v14 =	vld [tilespmem:s0+$0x130]  }
0x185: {  	v12 =	vmax.f32 v13, v12;
	v18 =	vmax.f32 v19, v18;
	v13 =	vld [tilespmem:s0+$0x150]  }
0x186: {  	v11 =	vmax.f32 v12, v11;
	v17 =	vmax.f32 v18, v17;
	v12 =	vld [tilespmem:s0+$0x170]  }
0x187: {  	v10 =	vmax.f32 v11, v10;
	v16 =	vmax.f32 v17, v16  }
0x188: {  	v9 =	vmax.f32 v10, v9;
	v11 =	vmax.f32 v16, v15  }
0x189: {  	v8 =	vmax.f32 v9, v8;
	v10 =	vmax.f32 v11, v14  }
0x18a: {  	v7 =	vmax.f32 v8, v7;
	v9 =	vmax.f32 v10, v13  }
0x18b: {  	v6 =	vmax.f32 v7, v6;
	v8 =	vmax.f32 v9, v12  }
0x18c: {  	v6 =	vmax.f32 v8, v6  }
0x18d: {  	vm0 =	vlt.s32 v6, $0x0;
	v7 =	vxor.u32 $0xFFFFFFFF, v6;
	v6 =	vxor.u32 $0x80000000, v6  }
0x18e: {  	s3 =	sshra.s32 s1, $0x2;
	s1 =	smov.u32 s2;
	v6 =	vsel vm0, v7, v6  }
0x18f: {  	[tilespmem:v5+s3+$0x0 ss:$0x1] =	vst.idx.msk $0xffff, v6;
	v6 =	vshrl.u32 v6, $0x14  }
0x190: {  	v6 =	vand.u32 $0xFF0, v6  }
0x191: {  	v6 =	vor.u32 v3, v6;
	_ =	sdelay $0x4  }
0x192: {  	s0 =	sadd.s32 $0x320, s0;
	[tilespmem:v6+s16+$0x0] =	vst.idx.add.s32.msk $0xffff, v4  }
0x193: {  	v6 =	vld [tilespmem:s0+$0x180]  }
0x194: {  	v7 =	vld [tilespmem:s0+$0x160]  }
0x195: {  	v8 =	vld [tilespmem:s0+$0x140]  }
0x196: {  	v9 =	vld [tilespmem:s0+$0x120]  }
0x197: {  	v10 =	vld [tilespmem:s0+$0x100]  }
0x198: {  	v11 =	vld [tilespmem:s0+$0xE0]  }
0x199: {  	v12 =	vld [tilespmem:s0+$0xC0]  }
0x19a: {  	v13 =	vld [tilespmem:s0+$0xA0]  }
0x19b: {  	v14 =	vld [tilespmem:s0+$0x80]  }
0x19c: {  	v15 =	vld [tilespmem:s0+$0x60]  }
0x19d: {  	v16 =	vld [tilespmem:s0+$0x40]  }
0x19e: {  	v17 =	vld [tilespmem:s0+$0x20]  }
0x19f: {  	v18 =	vld [tilespmem:s0+$0x0]  }
0x1a0: {  	v19 =	vld [tilespmem:s0+$0xFFFFFFE0]  }
0x1a1: {  	v20 =	vld [tilespmem:s0+$0xFFFFFFC0]  }
0x1a2: {  	v21 =	vld [tilespmem:s0+$0xFFFFFFA0]  }
0x1a3: {  	v22 =	vld [tilespmem:s0+$0xFFFFFF80]  }
0x1a4: {  	v23 =	vld [tilespmem:s0+$0xFFFFFF60]  }
0x1a5: {  	v24 =	vld [tilespmem:s0+$0xFFFFFF40]  }
0x1a6: {  	v25 =	vld [tilespmem:s0+$0xFFFFFF20]  }
0x1a7: {  	v26 =	vld [tilespmem:s0+$0xFFFFFF00]  }
0x1a8: {  	v27 =	vld [tilespmem:s0+$0xFFFFFEE0]  }
.Ltmp4:
0x1a9: {  	v28 =	vld [tilespmem:s0+$0xFFFFFEC0];
	(pc) =	sbr.rel @p0 .LBB2_31-.Ltmp4, $4  }
0x1aa: {  	v29 =	vld [tilespmem:s0+$0xFFFFFEA0]  }
0x1ab: {  	v30 =	vld [tilespmem:s0+$0xFFFFFE80]  }
0x1ac: {  	v31 =	vld [tilespmem:s0+$0xFFFFFE90]  }
0x1ad: {  	s2 =	sadd.s32 $0x40, s2;
	v32 =	vld [tilespmem:s0+$0xFFFFFE70]  }
0x1ae: {  	v33 =	vld [tilespmem:s0+$0xFFFFFEB0]  }
0x1af: {  	v34 =	vld [tilespmem:s0+$0xFFFFFED0]  }
0x1b0: {  	v35 =	vld [tilespmem:s0+$0xFFFFFEF0]  }
0x1b1: {  	v36 =	vld [tilespmem:s0+$0xFFFFFF10]  }
0x1b2: {  	v41 =	vld [tilespmem:s0+$0xFFFFFF30];
	v29 =	vmax.f32 v30, v29;
	v31 =	vmax.f32 v32, v31  }
0x1b3: {  	v42 =	vld [tilespmem:s0+$0xFFFFFF50];
	v28 =	vmax.f32 v29, v28;
	v31 =	vmax.f32 v31, v33  }
0x1b4: {  	v43 =	vld [tilespmem:s0+$0xFFFFFF70];
	v27 =	vmax.f32 v28, v27;
	v31 =	vmax.f32 v31, v34  }
0x1b5: {  	v44 =	vld [tilespmem:s0+$0xFFFFFF90];
	v26 =	vmax.f32 v27, v26;
	v31 =	vmax.f32 v31, v35  }
0x1b6: {  	v45 =	vld [tilespmem:s0+$0xFFFFFFB0];
	v25 =	vmax.f32 v26, v25;
	v31 =	vmax.f32 v31, v36  }
0x1b7: {  	v46 =	vld [tilespmem:s0+$0xFFFFFFD0];
	v24 =	vmax.f32 v25, v24;
	v30 =	vmax.f32 v31, v41  }
0x1b8: {  	v47 =	vld [tilespmem:s0+$0xFFFFFFF0];
	v23 =	vmax.f32 v24, v23;
	v29 =	vmax.f32 v30, v42  }
0x1b9: {  	v48 =	vld [tilespmem:s0+$0x10];
	v22 =	vmax.f32 v23, v22;
	v28 =	vmax.f32 v29, v43  }
0x1ba: {  	v49 =	vld [tilespmem:s0+$0x30];
	v21 =	vmax.f32 v22, v21;
	v27 =	vmax.f32 v28, v44  }
0x1bb: {  	v50 =	vld [tilespmem:s0+$0x50];
	v20 =	vmax.f32 v21, v20;
	v26 =	vmax.f32 v27, v45  }
0x1bc: {  	v51 =	vld [tilespmem:s0+$0x70];
	v19 =	vmax.f32 v20, v19;
	v25 =	vmax.f32 v26, v46  }
0x1bd: {  	v52 =	vld [tilespmem:s0+$0x90];
	v18 =	vmax.f32 v19, v18;
	v24 =	vmax.f32 v25, v47  }
0x1be: {  	v53 =	vld [tilespmem:s0+$0xB0];
	v17 =	vmax.f32 v18, v17;
	v23 =	vmax.f32 v24, v48  }
0x1bf: {  	v54 =	vld [tilespmem:s0+$0xD0];
	v16 =	vmax.f32 v17, v16;
	v22 =	vmax.f32 v23, v49  }
0x1c0: {  	v55 =	vld [tilespmem:s0+$0xF0];
	v15 =	vmax.f32 v16, v15;
	v21 =	vmax.f32 v22, v50  }
0x1c1: {  	v56 =	vld [tilespmem:s0+$0x110];
	v14 =	vmax.f32 v15, v14;
	v20 =	vmax.f32 v21, v51  }
0x1c2: {  	v57 =	vld [tilespmem:s0+$0x130];
	v13 =	vmax.f32 v14, v13;
	v19 =	vmax.f32 v20, v52  }
0x1c3: {  	v58 =	vld [tilespmem:s0+$0x150];
	v12 =	vmax.f32 v13, v12;
	v18 =	vmax.f32 v19, v53  }
0x1c4: {  	v59 =	vld [tilespmem:s0+$0x170];
	v11 =	vmax.f32 v12, v11;
	v17 =	vmax.f32 v18, v54  }
0x1c5: {  	v10 =	vmax.f32 v11, v10;
	v16 =	vmax.f32 v17, v55  }
0x1c6: {  	v9 =	vmax.f32 v10, v9;
	v60 =	vmax.f32 v16, v56  }
0x1c7: {  	v8 =	vmax.f32 v9, v8;
	v61 =	vmax.f32 v60, v57  }
0x1c8: {  	v7 =	vmax.f32 v8, v7;
	v62 =	vmax.f32 v61, v58  }
0x1c9: {  	v6 =	vmax.f32 v7, v6;
	v63 =	vmax.f32 v62, v59  }
0x1ca: {  	v6 =	vmax.f32 v63, v6  }
0x1cb: {  	vm0 =	vlt.s32 v6, $0x0;
	v7 =	vxor.u32 $0xFFFFFFFF, v6;
	v6 =	vxor.u32 $0x80000000, v6  }
0x1cc: {  	v6 =	vsel vm0, v7, v6  }
0x1cd: {  	v7 =	vshrl.u32 v6, $0x14  }
0x1ce: {  	v7 =	vand.u32 $0xFF0, v7  }
0x1cf: {  	v7 =	vor.u32 v3, v7  }
.Ltmp5:
0x1d0: {  	_ = 	snop;
	(pc) =	sbr.rel .LBB2_4-.Ltmp5, $4  }
0x1d1: {  	_ = 	snop  }
0x1d2: {  	s23 =	sshra.s32 s1, $0x2  }
0x1d3: {  	s28 =	sadd.s32 $0x1, s28;
	[tilespmem:v5+s23+$0x0 ss:$0x1] =	vst.idx.msk $0xffff, v6  }
0x1d4: {  	s29 =	sadd.s32 $0x4B0, s29;
	s30 =	sadd.s32 $0x4B0, s30;
	s31 =	sadd.s32 $0x4B0, s31;
	[tilespmem:v7+s16+$0x0] =	vst.idx.add.s32.msk $0xffff, v4  }
.LBB2_9:
0x1d5: {  	s1 =	simm.s32 $0x14870  }
0x1d6: {  	v5 =	vld [tilespmem:s1+$0x0];
	_ =	sdelay $0x4  }
0x1d7: {  	(xrf0) =	vadd.scan.msk.s32 $0xffff, v5;
	_ =	sdelay $0x5  }
0x1d8: {  	v5, _, _ =	vpop (xrf0)  }
0x1d9: {  	(v2sf) =	vpush v5, $0xF;
	_ =	sdelay $0x1  }
0x1da: {  	s3 =	simm.s32 $0x14860  }
0x1db: {  	v5 =	vld [tilespmem:s3+$0x0]  }
0x1dc: {  	s7 =	simm.s32 $0x14850  }
0x1dd: {  	v6 =	vld [tilespmem:s7+$0x0];
	_ =	sdelay $0x2  }
0x1de: {  	(xrf0) =	vadd.scan.msk.s32 $0xffff, v5;
	_ =	sdelay $0x1  }
0x1df: {  	(xrf0) =	vadd.scan.msk.s32 $0xffff, v6;
	_ =	sdelay $0x2  }
0x1e0: {  	s10 =	simm.s32 $0x14840  }
0x1e1: {  	v7 =	vld [tilespmem:s10+$0x0];
	v6, _, _ =	vpop (xrf0)  }
0x1e2: {  	s12 =	spop (v2sf);
	(v2sf) =	vpush v6, $0xF  }
0x1e3: {  	v6, _, _ =	vpop (xrf0)  }
0x1e4: {  	(v2sf) =	vpush v6, $0xF;
	_ =	sdelay $0x1  }
0x1e5: {  	s11 =	simm.s32 $0x14830;
	(xrf0) =	vadd.scan.msk.s32 $0xffff, v7  }
0x1e6: {  	v5 =	vld [tilespmem:s11+$0x0]  }
0x1e7: {  	s0 =	simm.s32 $0x0  }
0x1e8: {  	s28 =	simm.s32 $0xFF;
	s23 =	simm.s32 $0xFE;
	s22 =	simm.s32 $0xFD  }
0x1e9: {  	s29 =	simm.s32 $0xFC;
	s2 =	simm.s32 $0xFB;
	s31 =	simm.s32 $0x14820  }
0x1ea: {  	p2 =	por $0x1, $0x1;
	s7 =	simm.s32 $0xFA;
	s30 =	sadd.s32 $0x0, s12  }
0x1eb: {  	s1 =	simm.s32 $0x0;
	s3 =	simm.s32 $0x0;
	(xrf0) =	vadd.scan.msk.s32 $0xffff, v5;
	v5, _, _ =	vpop (xrf0);
	p1 =	sgt.s32 s30, $0x31  }
.LBB2_10:
0x1ec: {  	p0 =	seq.s32 s7, $0x0;
	p1 =	por !p2, !p1;
	s10 =	smov.u32 s7  }
0x1ed: {  	v6 =	vld [tilespmem:s31+$0x0];
	(v2sf) =	vpush v5, $0xF;
	s7 =	sadd.s32 $0xFFFFFFFF, s7;
	s11 =	smov.u32 s3;
	s3 =	smov.u32 s30  }
.Ltmp6:
0x1ee: {  	p1 =	por !p1, !p1;
	(pc) =	sbr.rel @!p0 .LBB2_10-.Ltmp6, $4  }
0x1ef: {  	s0 =	smov.u32 @p1 s28;
	s1 =	smov.u32 @p1 s11;
	s28 =	smov.u32 s23  }
0x1f0: {  	s23 =	smov.u32 s22;
	s22 =	smov.u32 s29;
	s11 =	spop (v2sf)  }
0x1f1: {  	s29 =	smov.u32 s2;
	s2 =	smov.u32 s10;
	s30 =	sadd.s32 s30, s11  }
0x1f2: {  	s31 =	sadd.s32 $0xFFFFFFF0, s31;
	p2 =	slt.s32 s3, $0x32;
	(xrf0) =	vadd.scan.msk.s32 $0xffff, v6;
	v5, _, _ =	vpop (xrf0);
	p1 =	sgt.s32 s30, $0x31  }
0x1f3: {  	_ =	sdelay $0x4  }
0x1f4: {  	(v2sf) =	vpush v5, $0xF;
	v5, _, _ =	vpop (xrf0)  }
0x1f5: {  	(v2sf) =	vpush v5, $0xF;
	_ =	sdelay $0x7  }
0x1f6: {  	s7 =	spop (v2sf)  }
0x1f7: {  	p0 =	por !p2, !p1;
	s7 =	sadd.s32 s30, s7  }
0x1f8: {  	p4 =	slt.s32 s30, $0x32;
	p0 =	por !p0, !p0;
	p3 =	sgt.s32 s7, $0x31  }
0x1f9: {  	s0 =	smov.u32 @p0 s28;
	p1 =	por !p4, !p3;
	s10 =	spop (v2sf)  }
0x1fa: {  	s1 =	smov.u32 @p0 s3;
	p1 =	por !p1, !p1;
	s10 =	sadd.s32 s7, s10  }
0x1fb: {  	p3 =	slt.s32 s7, $0x32;
	s0 =	smov.u32 @p1 s23;
	p5 =	sgt.s32 s10, $0x31  }
0x1fc: {  	s1 =	smov.u32 @p1 s30;
	p6 =	por !p3, !p5;
	s31 =	spop (v2sf)  }
0x1fd: {  	p3 =	slt.s32 s10, $0x32;
	s3 =	sadd.s32 s10, s31;
	s11 =	spop (v2sf)  }
0x1fe: {  	p0 =	por !p6, !p6;
	p2 =	sgt.s32 s3, $0x31;
	s11 =	sadd.s32 s3, s11  }
0x1ff: {  	p5 =	slt.s32 s3, $0x32;
	p1 =	por !p3, !p2;
	p4 =	sgt.s32 s11, $0x31  }
0x200: {  	s0 =	smov.u32 @p0 s22;
	p1 =	por !p1, !p1;
	p6 =	por !p5, !p4  }
0x201: {  	s1 =	smov.u32 @p0 s7;
	s0 =	smov.u32 @p1 s29;
	p0 =	por !p6, !p6  }
0x202: {  	s1 =	smov.u32 @p1 s10;
	s0 =	smov.u32 @p0 s2  }
0x203: {  	s7 =	simm.s32 $0x0;
	s1 =	smov.u32 @p0 s3;
	s2 =	simm.s32 $0x0;
	v5 =	vmov s0  }
.LBB2_12:
0x204: {  	s3 =	sshra.s32 s2, $0x2  }
0x205: {  	v6 =	vld [tilespmem:s3+$0xEA60];
	_ =	sdelay $0x4  }
0x206: {  	v7 =	vshrl.u32 v6, $0x18;
	v6 =	vshrl.u32 v6, $0xC  }
0x207: {  	vm0 =	veq.s32 v7, v5;
	v6 =	vand.u32 $0xFF0, v6  }
0x208: {  	p0 =	sne.s32 s2, $0x13840;
	v6 =	vor.u32 v3, v6  }
.Ltmp7:
0x209: {  	_ = 	snop;
	(pc) =	sbr.rel @p0 .LBB2_12-.Ltmp7, $2  }
0x20a: {  	_ =	sdelay $0x2  }
0x20b: {  	s2 =	sadd.s32 $0x40, s2;
	[tilespmem:v6+s17+$0x0] =	vst.idx.add.s32.msk vm0, v4  }
0x20c: {  	s2 =	simm.s32 $0x15870  }
0x20d: {  	s12 =	simm.s32 $0x15860;
	v5 =	vld [tilespmem:s2+$0x0]  }
0x20e: {  	v6 =	vld [tilespmem:s12+$0x0];
	_ =	sdelay $0x3  }
0x20f: {  	(xrf0) =	vadd.scan.msk.s32 $0xffff, v5  }
0x210: {  	(xrf0) =	vadd.scan.msk.s32 $0xffff, v6;
	_ =	sdelay $0x4  }
0x211: {  	v5, _, _ =	vpop (xrf0)  }
0x212: {  	s22 =	simm.s32 $0x15850;
	(v2sf) =	vpush v5, $0xF;
	v5, _, _ =	vpop (xrf0)  }
0x213: {  	(v2sf) =	vpush v5, $0xF;
	v5 =	vld [tilespmem:s22+$0x0]  }
0x214: {  	s23 =	simm.s32 $0x15840  }
0x215: {  	v6 =	vld [tilespmem:s23+$0x0];
	_ =	sdelay $0x2  }
0x216: {  	(xrf0) =	vadd.scan.msk.s32 $0xffff, v5;
	_ =	sdelay $0x1  }
0x217: {  	(xrf0) =	vadd.scan.msk.s32 $0xffff, v6;
	_ =	sdelay $0x1  }
0x218: {  	s3 =	simm.s32 $0x15830  }
0x219: {  	v7 =	vld [tilespmem:s3+$0x0]  }
0x21a: {  	v6, _, _ =	vpop (xrf0)  }
0x21b: {  	(v2sf) =	vpush v6, $0xF  }
0x21c: {  	v6, _, _ =	vpop (xrf0)  }
0x21d: {  	s11 =	spop (v2sf);
	(v2sf) =	vpush v6, $0xF  }
0x21e: {  	s10 =	simm.s32 $0x15820;
	(xrf0) =	vadd.scan.msk.s32 $0xffff, v7  }
0x21f: {  	v5 =	vld [tilespmem:s10+$0x0]  }
0x220: {  	s30 =	simm.s32 $0xFE;
	s29 =	simm.s32 $0xFD;
	s28 =	simm.s32 $0xFA  }
0x221: {  	s3 =	simm.s32 $0xFF;
	s2 =	simm.s32 $0x0;
	s23 =	simm.s32 $0xFC  }
0x222: {  	s22 =	simm.s32 $0xFB;
	s10 =	simm.s32 $0x15810;
	s31 =	sadd.s32 s1, s11  }
0x223: {  	s12 =	spop (v2sf);
	s11 =	simm.s32 $0xF9;
	p0 =	sgt.s32 s31, $0x31  }
0x224: {  	(xrf0) =	vadd.scan.msk.s32 $0xffff, v5;
	v5, _, _ =	vpop (xrf0);
	s2 =	smov.u32 @p0 s3;
	s3 =	sadd.s32 s31, s12;
	p0 =	slt.s32 s1, $0x32  }
.LBB2_14:
0x225: {  	s7 =	smov.u32 @p0 s2  }
0x226: {  	p1 =	sgt.s32 s3, $0x31;
	s2 =	smov.u32 s7  }
0x227: {  	v6 =	vld [tilespmem:s10+$0x0];
	(v2sf) =	vpush v5, $0xF;
	s1 =	smov.u32 s31;
	s2 =	smov.u32 @p1 s30;
	p1 =	sne.s32 s11, $0x0  }
.Ltmp8:
0x228: {  	s31 =	smov.u32 s3;
	(pc) =	sbr.rel @p1 .LBB2_14-.Ltmp8, $4  }
0x229: {  	s30 =	smov.u32 s29;
	s29 =	smov.u32 s23;
	s23 =	smov.u32 s22  }
0x22a: {  	s22 =	smov.u32 s28;
	s28 =	smov.u32 s11;
	s12 =	spop (v2sf)  }
0x22b: {  	s10 =	sadd.s32 $0xFFFFFFF0, s10;
	s3 =	sadd.s32 s3, s12  }
0x22c: {  	p0 =	slt.s32 s1, $0x32;
	s11 =	sadd.s32 $0xFFFFFFFF, s11;
	(xrf0) =	vadd.scan.msk.s32 $0xffff, v6;
	v5, _, _ =	vpop (xrf0)  }
0x22d: {  	_ =	sdelay $0x2  }
0x22e: {  	(v2sf) =	vpush v5, $0xF;
	_ =	sdelay $0x1  }
0x22f: {  	v5, _, _ =	vpop (xrf0)  }
0x230: {  	(v2sf) =	vpush v5, $0xF;
	_ =	sdelay $0x3  }
0x231: {  	s7 =	smov.u32 @p0 s2  }
0x232: {  	p0 =	sgt.s32 s3, $0x31;
	s1 =	smov.u32 s7  }
0x233: {  	s12 =	spop (v2sf);
	s1 =	smov.u32 @p0 s30;
	p0 =	slt.s32 s31, $0x32  }
0x234: {  	s2 =	sadd.s32 s3, s12;
	s7 =	smov.u32 @p0 s1  }
0x235: {  	p0 =	sgt.s32 s2, $0x31;
	s1 =	smov.u32 s7  }
0x236: {  	s1 =	smov.u32 @p0 s29;
	p0 =	slt.s32 s3, $0x32;
	s10 =	spop (v2sf)  }
0x237: {  	s7 =	smov.u32 @p0 s1;
	s30 =	sadd.s32 s2, s10  }
0x238: {  	s1 =	smov.u32 s7;
	p0 =	sgt.s32 s30, $0x31  }
0x239: {  	s1 =	smov.u32 @p0 s23;
	p0 =	slt.s32 s2, $0x32;
	s31 =	spop (v2sf)  }
0x23a: {  	s7 =	smov.u32 @p0 s1;
	s11 =	sadd.s32 s30, s31  }
0x23b: {  	s1 =	smov.u32 s7;
	p0 =	sgt.s32 s11, $0x31  }
0x23c: {  	s1 =	smov.u32 @p0 s22;
	p0 =	slt.s32 s30, $0x32;
	s12 =	spop (v2sf)  }
0x23d: {  	s7 =	smov.u32 @p0 s1;
	s22 =	sadd.s32 s11, s12  }
0x23e: {  	s29 =	simm.s32 $0xEA60;
	s1 =	smov.u32 s7;
	p0 =	sgt.s32 s22, $0x31  }
0x23f: {  	v6 =	vld [tilespmem:s29+$0x0];
	s1 =	smov.u32 @p0 s28;
	p0 =	slt.s32 s11, $0x32  }
0x240: {  	s7 =	smov.u32 @p0 s1  }
0x241: {  	s1 =	sshll.u32 s0, $0x18;
	s23 =	sshll.u32 s7, $0x10  }
0x242: {  	s0 =	sor.u32 s1, s23  }
0x243: {  	v5 =	vmov s0  }
0x244: {  	vm0 =	vge.u32 v6, v5  }
0x245: {  	v6 =	vsel vm0, $0x1, v0  }
0x246: {  	v6 =	vor.u32 $0x80000000, v6  }
0x247: {  	(xrf0) =	vmax.scan.msk.u32 $0xffff, v6;
	_ =	sdelay $0x5  }
0x248: {  	v6, _, _ =	vpop (xrf0)  }
0x249: {  	(v2sf) =	vpush v6, $0xF;
	_ =	sdelay $0xe  }
0x24a: {  	s30 =	spop (v2sf)  }
0x24b: {  	s31 =	sxor.u32 $0x80000000, s30  }
0x24c: {  	s7 =	simm.s32 $0x0;
	p1 =	slt.s32 s31, $0x1  }
0x24d: {  	v6 =	vmov @!p1 s7;
	_ =	sdelay $0x3  }
0x24e: {  	s2 =	simm.s32 $0x1;
	s28 =	sadd.s32 $0x0, s31;
	v7 =	vmov @!p1 s7;
	s3 =	simm.s32 @!p1 $0x15880  }
.LBB2_16:
0x24f: {  	[tilespmem:v6+s3+$0x0] =	vst.idx.msk @!p1 $0x1, v7;
	s29 =	sadd.s32 $0x10, s29;
	s3 =	smov.u32 s2;
	s2 =	sadd.s32 $0x1, s2  }
0x250: {  	s7 =	smov.u32 s28;
	v6 =	vld [tilespmem:s29+$0x0];
	p0 =	sne.s32 s2, $0x4E2;
	_ =	sdelay $0x4  }
0x251: {  	vm0 =	vge.u32 v6, v5  }
0x252: {  	v6 =	vsel vm0, $0x1, v0  }
0x253: {  	v6 =	vor.u32 $0x80000000, v6  }
0x254: {  	(xrf0) =	vmax.scan.msk.u32 $0xffff, v6;
	_ =	sdelay $0x5  }
0x255: {  	v6, _, _ =	vpop (xrf0)  }
0x256: {  	(v2sf) =	vpush v6, $0xF;
	_ =	sdelay $0xe  }
0x257: {  	s10 =	spop (v2sf)  }
0x258: {  	s10 =	sxor.u32 $0x80000000, s10  }
0x259: {  	p1 =	slt.s32 s10, $0x1;
	s28 =	sadd.s32 s28, s10  }
.Ltmp9:
0x25a: {  	v6 =	vmov @!p1 s7;
	(pc) =	sbr.rel @p0 .LBB2_16-.Ltmp9, $2  }
0x25b: {  	_ =	sdelay $0x2  }
0x25c: {  	v7 =	vmov @!p1 s3;
	s3 =	simm.s32 @!p1 $0x15880  }
0x25d: {  	_ =	sdelay $0x3  }
0x25e: {  	[tilespmem:v6+s3+$0x0] =	vst.idx.msk @!p1 $0x1, v7;
	p0 =	slt.s32 s28, $0x1  }
0x25f: {  	v5 =	vld @!p0 [tilespmem:$0x15880];
	_ =	sdelay $0x4  }
0x260: {  	(v2sf) =	vpush @!p0 v5, $0x0;
	_ =	sdelay $0xe  }
0x261: {  	s2 =	spop @!p0 (v2sf)  }
0x262: {  	s2 =	smul.u32 @!p0 $0x320, s2;
	_ =	sdelay $0x1  }
0x263: {  	s2 =	sadd.s32 @!p0 s4, s2  }
0x264: {  	s2 =	sshrl.u32 @!p0 s2, $0x3  }
0x265: {  	s3 =	simm.s32 @!p0 $0x0;
	s7 =	simm.s32 @!p0 $0x15D80;
	s2 =	sadd.s32 @!p0 s5, s2  }
0x266: {  	[tilespmem:s7], [sflag:$0x4] =	stream.linear.gather @!p0 [hbm4b:s2+s3], $0x320, $0x38;
	[tilespmem:$0x16680] =	vst v63  }
0x267: {  	s22 =	sadd.s32 $0x1, s28;
	p0 =	slt.u32 s28, $0x7FFFFFFF;
	s3 =	simm.s32 $0x1  }
0x268: {  	s23 =	sshra.s32 s22, $0x1F;
	s3 =	simm.s32 @!p0 $0x0  }
0x269: {  	s30 =	sand.u32 $0x1, s22;
	s3 =	sadd.s32 s3, s23  }
0x26a: {  	p6 =	seq.s32 s30, $0x1;
	p5 =	sne.s32 s3, $0x1  }
0x26b: {  	s31 =	sshrl.u32 s22, $0x1F;
	p0 =	por !p5, !p6  }
0x26c: {  	s2 =	sadd.s32 s31, s22;
	s3 =	simm.s32 $0x1;
	p0 =	por !p0, !p0  }
0x26d: {  	s2 =	sshra.s32 s2, $0x1;
	s3 =	simm.s32 @!p0 $0x0  }
0x26e: {  	s29 =	ssub.s32 s2, s3  }
0x26f: {  	p0 =	slt.s32 s29, $0x1  }
.Ltmp10:
0x270: {  	_ = 	snop;
	(pc) =	sbr.rel @p0 .LBB2_26-.Ltmp10, $1  }
0x271: {  	_ =	sdelay $0x3  }
.Ltmp11:
0x272: {  	p0 =	sgt.s32 s1, $0xFFFFFFFF;
	s1 =	simm.s32 $0xFFFFFFFF;
	(pc) =	sbr.rel .LBB2_19-.Ltmp11, $4  }
0x273: {  	s1 =	simm.s32 @!p0 $0x80000000  }
0x274: {  	s0 =	sxor.u32 s1, s0  }
0x275: {  	v5 =	vmov s0  }
0x276: {  	s31 =	simm.s32 $0x0;
	s30 =	simm.s32 $0x0;
	v5 =	vbroadcast v5, $0x0  }
.LBB2_25:
0x277: {  	s30 =	sadd.s32 $0x1, s30  }
0x278: {  	p0 =	sne.s32 s30, s29  }
.Ltmp12:
0x279: {  	_ = 	snop;
	(pc) =	sbr.rel @!p0 .LBB2_26-.Ltmp12, $1  }
0x27a: {  	_ =	sdelay $0x3  }
.LBB2_19:
0x27b: {  	_ =	swait.ge [sflag:s18], $0x320  }
0x27c: {  	s1 =	sshllo.u32 s30, $0x1;
	[sflag:s18] =	ssyncset.done $0x0  }
0x27d: {  	s0 =	sshll.u32 s30, $0x1;
	p0 =	sge.s32 s1, s28;
	[sflag:s18] =	ssyncadd.s32 $0xFFFFFCE0  }
0x27e: {  	v6 =	vld @!p0 [tilespmem:s0+$0x15881];
	_ =	sdelay $0x4  }
0x27f: {  	(v2sf) =	vpush @!p0 v6, $0x0;
	_ =	sdelay $0xe  }
0x280: {  	s1 =	spop @!p0 (v2sf)  }
0x281: {  	s1 =	smul.u32 @!p0 $0x320, s1;
	_ =	sdelay $0x1  }
0x282: {  	s1 =	sadd.s32 @!p0 s4, s1  }
0x283: {  	s12 =	simm.s32 $0x0;
	s1 =	sshrl.u32 @!p0 s1, $0x3  }
0x284: {  	s2 =	simm.s32 @!p0 $0x0;
	s3 =	simm.s32 @!p0 $0x160A0;
	s1 =	sadd.s32 @!p0 s5, s1  }
0x285: {  	[tilespmem:s3], [sflag:$0x5] =	stream.linear.gather @!p0 [hbm4b:s1+s2], $0x320, $0x38;
	[tilespmem:$0x16680] =	vst v63  }
0x286: {  	v8 =	vld [tilespmem:s12+$0x15D80];
	_ =	sdelay $0x4  }
0x287: {  	vm0 =	vge.f32 v8, v5  }
0x288: {  	v6 =	vsel vm0, $0x1, v0  }
0x289: {  	(xrf0) =	vadd.scan.msk.s32 $0xffff, v6  }
0x28a: {  	v6 =	vld [tilespmem:s0+$0x15880];
	_ =	sdelay $0x4  }
0x28b: {  	(v2sf) =	vpush v6, $0x0;
	v6, _, _ =	vpop (xrf0)  }
0x28c: {  	(v2sf) =	vpush v6, $0xF;
	_ =	sdelay $0xd  }
0x28d: {  	s22 =	spop (v2sf)  }
0x28e: {  	s23 =	spop (v2sf)  }
0x28f: {  	p2 =	slt.s32 s23, $0x1  }
0x290: {  	v7 =	vmov @!p2 s31  }
0x291: {  	v7 =	vadd.s32 @!p2 $0xFFFFFFFF, v7  }
0x292: {  	v7 =	vbroadcast @!p2 v7, $0x0;
	_ =	sdelay $0x1  }
0x293: {  	v6 =	vadd.s32 @!p2 v6, v7  }
0x294: {  	vm0 =	vge.f32 @!p2 v8, v5;
	vm1 =	vlt.s32 @!p2 v6, $0xFF  }
0x295: {  	v7 =	vnsel @!p2 vm1, $0xFF, v6;
	_ =	sdelay $0x2  }
0x296: {  	s2 =	smul.u32 $0x320, s22  }
0x297: {  	s22 =	simm.s32 $0x80;
	s1 =	sadd.s32 s31, s23;
	s3 =	simm.s32 @!p2 $0x163C0;
	v6 =	vlaneseq.u32 @!p2  }
0x298: {  	s23 =	simm.s32 $0x40;
	s31 =	smov.u32 s1;
	v6 =	vor.u32 @!p2 s2, v6;
	[tilespmem:v7+s3+$0x0] =	vst.idx.msk @!p2 vm0, v8;
	s3 =	simm.s32 @!p2 $0x164C0  }
.LBB2_20:
0x299: {  	s7 =	sshra.s32 s23, $0x2  }
0x29a: {  	[tilespmem:v7+s3+$0x0] =	vst.idx.msk @!p2 vm0, v6;
	s2 =	sadd.s32 $0x10, s2;
	s23 =	smov.u32 s22;
	s22 =	sadd.s32 $0x40, s22  }
0x29b: {  	p1 =	sne.s32 s22, $0xC80;
	v8 =	vld [tilespmem:s7+$0x15D80];
	_ =	sdelay $0x4  }
0x29c: {  	vm0 =	vge.f32 v8, v5  }
0x29d: {  	v6 =	vsel vm0, $0x1, v0  }
0x29e: {  	(xrf0) =	vadd.scan.msk.s32 $0xffff, v6;
	_ =	sdelay $0x5  }
0x29f: {  	v7, _, _ =	vpop (xrf0)  }
0x2a0: {  	(v2sf) =	vpush v7, $0xF;
	_ =	sdelay $0xe  }
0x2a1: {  	s3 =	spop (v2sf)  }
0x2a2: {  	p2 =	slt.s32 s3, $0x1;
	s1 =	sadd.s32 s1, s3  }
0x2a3: {  	v6 =	vmov @!p2 s31;
	v9 =	vlaneseq.u32 @!p2;
	s31 =	smov.u32 s1  }
0x2a4: {  	v10 =	vadd.s32 @!p2 $0xFFFFFFFF, v6;
	v6 =	vor.u32 @!p2 s2, v9  }
0x2a5: {  	v9 =	vbroadcast @!p2 v10, $0x0;
	_ =	sdelay $0x1  }
0x2a6: {  	v7 =	vadd.s32 @!p2 v7, v9  }
0x2a7: {  	vm0 =	vge.f32 @!p2 v8, v5;
	vm1 =	vlt.s32 @!p2 v7, $0xFF  }
0x2a8: {  	v7 =	vnsel @!p2 vm1, $0xFF, v7  }
.Ltmp13:
0x2a9: {  	(pc) =	sbr.rel @p1 .LBB2_20-.Ltmp13, $3  }
0x2aa: {  	_ =	sdelay $0x1  }
0x2ab: {  	s3 =	simm.s32 @!p2 $0x163C0  }
0x2ac: {  	[tilespmem:v7+s3+$0x0] =	vst.idx.msk @!p2 vm0, v8;
	s3 =	simm.s32 @!p2 $0x164C0  }
0x2ad: {  	_ =	sdelay $0x4  }
0x2ae: {  	s7 =	sshra.s32 s23, $0x2;
	[tilespmem:v7+s3+$0x0] =	vst.idx.msk @!p2 vm0, v6  }
0x2af: {  	v6 =	vld [tilespmem:s7+$0x15D80];
	_ =	sdelay $0x4  }
0x2b0: {  	vm15 =	vge.f32 v6, v5  }
0x2b1: {  	v7 =	vsel vm15, $0x1, v0  }
0x2b2: {  	(xrf0) =	vadd.scan.msk.s32 $0xffff, v7;
	_ =	sdelay $0x5  }
0x2b3: {  	v7, _, _ =	vpop (xrf0)  }
0x2b4: {  	(v2sf) =	vpush v7, $0xF;
	_ =	sdelay $0xe  }
0x2b5: {  	s23 =	spop (v2sf)  }
0x2b6: {  	p1 =	slt.s32 s23, $0x1  }
0x2b7: {  	v8 =	vmov @!p1 s31  }
0x2b8: {  	v8 =	vadd.s32 @!p1 $0xFFFFFFFF, v8  }
0x2b9: {  	v8 =	vbroadcast @!p1 v8, $0x0;
	_ =	sdelay $0x1  }
0x2ba: {  	v7 =	vadd.s32 @!p1 v7, v8  }
0x2bb: {  	vm0 =	vge.f32 @!p1 v6, v5;
	vm1 =	vlt.s32 @!p1 v7, $0xFF  }
0x2bc: {  	v7 =	vnsel @!p1 vm1, $0xFF, v7;
	_ =	sdelay $0x1  }
.Ltmp14:
0x2bd: {  	_ = 	snop;
	(pc) =	sbr.rel @p0 .LBB2_25-.Ltmp14, $4  }
0x2be: {  	_ = 	snop  }
0x2bf: {  	s2 =	sadd.s32 $0x10, s2;
	s7 =	simm.s32 @!p1 $0x163C0;
	v8 =	vlaneseq.u32 @!p1  }
0x2c0: {  	v8 =	vor.u32 @!p1 s2, v8;
	s2 =	simm.s32 @!p1 $0x164C0;
	[tilespmem:v7+s7+$0x0] =	vst.idx.msk @!p1 vm0, v6  }
0x2c1: {  	s31 =	sadd.s32 s1, s23;
	[tilespmem:v7+s2+$0x0] =	vst.idx.msk @!p1 vm0, v8  }
0x2c2: {  	_ =	swait.ge [sflag:s19], $0x320  }
0x2c3: {  	s1 =	sadd.s32 $0x2, s0;
	[sflag:s19] =	ssyncset.done $0x0  }
0x2c4: {  	p0 =	sge.s32 s1, s28;
	[sflag:s19] =	ssyncadd.s32 $0xFFFFFCE0  }
0x2c5: {  	v6 =	vld @!p0 [tilespmem:s1+$0x15880];
	_ =	sdelay $0x4  }
0x2c6: {  	(v2sf) =	vpush @!p0 v6, $0x0;
	_ =	sdelay $0xe  }
0x2c7: {  	s1 =	spop @!p0 (v2sf)  }
0x2c8: {  	s1 =	smul.u32 @!p0 $0x320, s1;
	_ =	sdelay $0x1  }
0x2c9: {  	s1 =	sadd.s32 @!p0 s4, s1  }
0x2ca: {  	s12 =	simm.s32 $0x0;
	s1 =	sshrl.u32 @!p0 s1, $0x3  }
0x2cb: {  	s2 =	simm.s32 @!p0 $0x0;
	s3 =	simm.s32 @!p0 $0x15D80;
	s1 =	sadd.s32 @!p0 s5, s1  }
0x2cc: {  	[tilespmem:s3], [sflag:$0x4] =	stream.linear.gather @!p0 [hbm4b:s1+s2], $0x320, $0x38;
	[tilespmem:$0x16680] =	vst v63  }
0x2cd: {  	v8 =	vld [tilespmem:s12+$0x160A0];
	_ =	sdelay $0x4  }
0x2ce: {  	vm0 =	vge.f32 v8, v5  }
0x2cf: {  	v6 =	vsel vm0, $0x1, v0  }
0x2d0: {  	(xrf0) =	vadd.scan.msk.s32 $0xffff, v6  }
0x2d1: {  	v6 =	vld [tilespmem:s0+$0x15881];
	_ =	sdelay $0x4  }
0x2d2: {  	(v2sf) =	vpush v6, $0x0;
	v6, _, _ =	vpop (xrf0)  }
0x2d3: {  	(v2sf) =	vpush v6, $0xF;
	_ =	sdelay $0xd  }
0x2d4: {  	s22 =	spop (v2sf)  }
0x2d5: {  	s23 =	spop (v2sf)  }
0x2d6: {  	p1 =	slt.s32 s23, $0x1  }
0x2d7: {  	v7 =	vmov @!p1 s31  }
0x2d8: {  	v7 =	vadd.s32 @!p1 $0xFFFFFFFF, v7  }
0x2d9: {  	v7 =	vbroadcast @!p1 v7, $0x0;
	_ =	sdelay $0x1  }
0x2da: {  	v6 =	vadd.s32 @!p1 v6, v7  }
0x2db: {  	vm0 =	vge.f32 @!p1 v8, v5;
	vm1 =	vlt.s32 @!p1 v6, $0xFF  }
0x2dc: {  	v7 =	vnsel @!p1 vm1, $0xFF, v6;
	_ =	sdelay $0x2  }
0x2dd: {  	s1 =	smul.u32 $0x320, s22  }
0x2de: {  	s22 =	simm.s32 $0x80;
	s0 =	sadd.s32 s31, s23;
	s2 =	simm.s32 @!p1 $0x163C0;
	v6 =	vlaneseq.u32 @!p1  }
0x2df: {  	s23 =	simm.s32 $0x40;
	s3 =	simm.s32 @!p1 $0x164C0;
	v6 =	vor.u32 @!p1 s1, v6;
	[tilespmem:v7+s2+$0x0] =	vst.idx.msk @!p1 vm0, v8;
	s2 =	smov.u32 s0  }
.LBB2_23:
0x2e0: {  	s7 =	sshra.s32 s23, $0x2  }
0x2e1: {  	[tilespmem:v7+s3+$0x0] =	vst.idx.msk @!p1 vm0, v6;
	s1 =	sadd.s32 $0x10, s1;
	s23 =	smov.u32 s22;
	s22 =	sadd.s32 $0x40, s22  }
0x2e2: {  	p0 =	sne.s32 s22, $0xC80;
	v8 =	vld [tilespmem:s7+$0x160A0];
	_ =	sdelay $0x4  }
0x2e3: {  	vm0 =	vge.f32 v8, v5  }
0x2e4: {  	v6 =	vsel vm0, $0x1, v0  }
0x2e5: {  	(xrf0) =	vadd.scan.msk.s32 $0xffff, v6;
	_ =	sdelay $0x5  }
0x2e6: {  	v7, _, _ =	vpop (xrf0)  }
0x2e7: {  	(v2sf) =	vpush v7, $0xF;
	_ =	sdelay $0xe  }
0x2e8: {  	s3 =	spop (v2sf)  }
0x2e9: {  	p1 =	slt.s32 s3, $0x1;
	s0 =	sadd.s32 s0, s3  }
0x2ea: {  	v6 =	vmov @!p1 s2;
	v9 =	vlaneseq.u32 @!p1;
	s2 =	smov.u32 s0  }
0x2eb: {  	v10 =	vadd.s32 @!p1 $0xFFFFFFFF, v6;
	v6 =	vor.u32 @!p1 s1, v9  }
0x2ec: {  	v9 =	vbroadcast @!p1 v10, $0x0;
	_ =	sdelay $0x1  }
0x2ed: {  	v7 =	vadd.s32 @!p1 v7, v9  }
0x2ee: {  	vm0 =	vge.f32 @!p1 v8, v5;
	vm1 =	vlt.s32 @!p1 v7, $0xFF  }
0x2ef: {  	v7 =	vnsel @!p1 vm1, $0xFF, v7  }
.Ltmp15:
0x2f0: {  	(pc) =	sbr.rel @p0 .LBB2_23-.Ltmp15, $3  }
0x2f1: {  	_ =	sdelay $0x1  }
0x2f2: {  	s3 =	simm.s32 @!p1 $0x163C0  }
0x2f3: {  	[tilespmem:v7+s3+$0x0] =	vst.idx.msk @!p1 vm0, v8;
	s3 =	simm.s32 @!p1 $0x164C0  }
0x2f4: {  	_ =	sdelay $0x4  }
0x2f5: {  	s7 =	sshra.s32 s23, $0x2;
	[tilespmem:v7+s3+$0x0] =	vst.idx.msk @!p1 vm0, v6  }
0x2f6: {  	v6 =	vld [tilespmem:s7+$0x160A0];
	_ =	sdelay $0x4  }
0x2f7: {  	vm15 =	vge.f32 v6, v5  }
0x2f8: {  	v7 =	vsel vm15, $0x1, v0  }
0x2f9: {  	(xrf0) =	vadd.scan.msk.s32 $0xffff, v7;
	_ =	sdelay $0x5  }
0x2fa: {  	v7, _, _ =	vpop (xrf0)  }
0x2fb: {  	(v2sf) =	vpush v7, $0xF;
	_ =	sdelay $0xe  }
0x2fc: {  	s23 =	spop (v2sf)  }
0x2fd: {  	p0 =	slt.s32 s23, $0x1  }
0x2fe: {  	v8 =	vmov @!p0 s2  }
0x2ff: {  	v8 =	vadd.s32 @!p0 $0xFFFFFFFF, v8  }
0x300: {  	v8 =	vbroadcast @!p0 v8, $0x0;
	_ =	sdelay $0x1  }
0x301: {  	v7 =	vadd.s32 @!p0 v7, v8  }
0x302: {  	vm0 =	vge.f32 @!p0 v6, v5;
	vm1 =	vlt.s32 @!p0 v7, $0xFF  }
0x303: {  	v7 =	vnsel @!p0 vm1, $0xFF, v7;
	_ =	sdelay $0x1  }
.Ltmp16:
0x304: {  	_ = 	snop;
	(pc) =	sbr.rel .LBB2_25-.Ltmp16, $4  }
0x305: {  	_ = 	snop  }
0x306: {  	s1 =	sadd.s32 $0x10, s1;
	s2 =	simm.s32 @!p0 $0x163C0;
	v8 =	vlaneseq.u32 @!p0  }
0x307: {  	v8 =	vor.u32 @!p0 s1, v8;
	s1 =	simm.s32 @!p0 $0x164C0;
	[tilespmem:v7+s2+$0x0] =	vst.idx.msk @!p0 vm0, v6  }
0x308: {  	s31 =	sadd.s32 s0, s23;
	[tilespmem:v7+s1+$0x0] =	vst.idx.msk @!p0 vm0, v8  }
.LBB2_26:
0x309: {  	v5 =	vld [tilespmem:$0x163C0]  }
0x30a: {  	v6 =	vld [tilespmem:$0x164C0];
	_ =	sdelay $0x2  }
0x30b: {  	v7 =	vld [tilespmem:$0x164D0]  }
0x30c: {  	v8 =	vld [tilespmem:$0x163D0];
	vm0 =	vlt.f32 v5, $-Inf  }
0x30d: {  	vm1 =	vgt.f32 v5, $-Inf;
	vm2 =	veq.f32 v5, $-Inf;
	vm3 =	vne.s32 v6, $0x7FFFFFFF  }
0x30e: {  	vm0 =	vmor vm1, vm0;
	vm5 =	vmand vm2, vm3  }
0x30f: {  	v9 =	vld [tilespmem:$0x164E0];
	vm0 =	vmor vm0, vm5  }
0x310: {  	v10 =	vld [tilespmem:$0x163E0];
	v5 =	vnsel vm0, $0xFF800000, v5;
	v6 =	vnsel vm0, $0x7FFFFFFF, v6  }
0x311: {  	vm6 =	veq.f32 v8, v5;
	vm7 =	vlt.s32 v7, v6  }
0x312: {  	vm8 =	vgt.f32 v8, v5;
	vm0 =	vmand vm6, vm7  }
0x313: {  	v11 =	vld [tilespmem:$0x164F0];
	vm0 =	vmor vm8, vm0  }
0x314: {  	v5 =	vsel vm0, v8, v5;
	v6 =	vsel vm0, v7, v6;
	v7 =	vld [tilespmem:$0x163F0]  }
0x315: {  	vm9 =	veq.f32 v10, v5;
	vm10 =	vlt.s32 v9, v6  }
0x316: {  	vm11 =	vgt.f32 v10, v5;
	vm0 =	vmand vm9, vm10  }
0x317: {  	v8 =	vld [tilespmem:$0x16500];
	vm0 =	vmor vm11, vm0  }
0x318: {  	v5 =	vsel vm0, v10, v5;
	v6 =	vsel vm0, v9, v6;
	v9 =	vld [tilespmem:$0x16400]  }
0x319: {  	vm12 =	veq.f32 v7, v5;
	vm13 =	vlt.s32 v11, v6  }
0x31a: {  	vm14 =	vgt.f32 v7, v5;
	vm0 =	vmand vm12, vm13  }
0x31b: {  	v10 =	vld [tilespmem:$0x16510];
	vm0 =	vmor vm14, vm0  }
0x31c: {  	v5 =	vsel vm0, v7, v5;
	v6 =	vsel vm0, v11, v6;
	v7 =	vld [tilespmem:$0x16410]  }
0x31d: {  	vm15 =	veq.f32 v9, v5;
	vm4 =	vlt.s32 v8, v6  }
0x31e: {  	vm5 =	vgt.f32 v9, v5;
	vm0 =	vmand vm15, vm4  }
0x31f: {  	v11 =	vld [tilespmem:$0x16520];
	vm0 =	vmor vm5, vm0  }
0x320: {  	v5 =	vsel vm0, v9, v5;
	v6 =	vsel vm0, v8, v6;
	v8 =	vld [tilespmem:$0x16420]  }
0x321: {  	vm6 =	veq.f32 v7, v5;
	vm7 =	vlt.s32 v10, v6  }
0x322: {  	vm8 =	vgt.f32 v7, v5;
	vm0 =	vmand vm6, vm7  }
0x323: {  	v9 =	vld [tilespmem:$0x16530];
	vm0 =	vmor vm8, vm0  }
0x324: {  	v5 =	vsel vm0, v7, v5;
	v6 =	vsel vm0, v10, v6;
	v7 =	vld [tilespmem:$0x16430]  }
0x325: {  	vm9 =	veq.f32 v8, v5;
	vm10 =	vlt.s32 v11, v6  }
0x326: {  	vm11 =	vgt.f32 v8, v5;
	vm0 =	vmand vm9, vm10  }
0x327: {  	v10 =	vld [tilespmem:$0x16540];
	vm0 =	vmor vm11, vm0  }
0x328: {  	v5 =	vsel vm0, v8, v5;
	v6 =	vsel vm0, v11, v6;
	v8 =	vld [tilespmem:$0x16440]  }
0x329: {  	vm12 =	veq.f32 v7, v5;
	vm13 =	vlt.s32 v9, v6  }
0x32a: {  	vm14 =	vgt.f32 v7, v5;
	vm0 =	vmand vm12, vm13  }
0x32b: {  	v11 =	vld [tilespmem:$0x16550];
	vm0 =	vmor vm14, vm0  }
0x32c: {  	v5 =	vsel vm0, v7, v5;
	v6 =	vsel vm0, v9, v6;
	v7 =	vld [tilespmem:$0x16450]  }
0x32d: {  	vm15 =	veq.f32 v8, v5;
	vm4 =	vlt.s32 v10, v6  }
0x32e: {  	vm5 =	vgt.f32 v8, v5;
	vm0 =	vmand vm15, vm4  }
0x32f: {  	v9 =	vld [tilespmem:$0x16560];
	vm0 =	vmor vm5, vm0  }
0x330: {  	v5 =	vsel vm0, v8, v5;
	v6 =	vsel vm0, v10, v6;
	v8 =	vld [tilespmem:$0x16460]  }
0x331: {  	vm6 =	veq.f32 v7, v5;
	vm7 =	vlt.s32 v11, v6  }
0x332: {  	vm8 =	vgt.f32 v7, v5;
	vm0 =	vmand vm6, vm7  }
0x333: {  	v10 =	vld [tilespmem:$0x16570];
	vm0 =	vmor vm8, vm0  }
0x334: {  	v5 =	vsel vm0, v7, v5;
	v6 =	vsel vm0, v11, v6;
	v7 =	vld [tilespmem:$0x16470]  }
0x335: {  	vm9 =	veq.f32 v8, v5;
	vm10 =	vlt.s32 v9, v6  }
0x336: {  	vm11 =	vgt.f32 v8, v5;
	vm0 =	vmand vm9, vm10  }
0x337: {  	v11 =	vld [tilespmem:$0x16580];
	vm0 =	vmor vm11, vm0  }
0x338: {  	v5 =	vsel vm0, v8, v5;
	v6 =	vsel vm0, v9, v6;
	v8 =	vld [tilespmem:$0x16480]  }
0x339: {  	vm12 =	veq.f32 v7, v5;
	vm13 =	vlt.s32 v10, v6  }
0x33a: {  	vm14 =	vgt.f32 v7, v5;
	vm0 =	vmand vm12, vm13  }
0x33b: {  	v9 =	vld [tilespmem:$0x16590];
	vm0 =	vmor vm14, vm0  }
0x33c: {  	v5 =	vsel vm0, v7, v5;
	v6 =	vsel vm0, v10, v6;
	v7 =	vld [tilespmem:$0x16490]  }
0x33d: {  	vm15 =	veq.f32 v8, v5;
	vm4 =	vlt.s32 v11, v6  }
0x33e: {  	vm5 =	vgt.f32 v8, v5;
	vm0 =	vmand vm15, vm4  }
0x33f: {  	v10 =	vld [tilespmem:$0x165A0];
	vm0 =	vmor vm5, vm0  }
0x340: {  	v5 =	vsel vm0, v8, v5;
	v6 =	vsel vm0, v11, v6;
	v8 =	vld [tilespmem:$0x164A0]  }
0x341: {  	vm6 =	veq.f32 v7, v5;
	vm7 =	vlt.s32 v9, v6  }
0x342: {  	vm8 =	vgt.f32 v7, v5;
	vm0 =	vmand vm6, vm7  }
0x343: {  	v11 =	vld [tilespmem:$0x165B0];
	vm0 =	vmor vm8, vm0  }
0x344: {  	v5 =	vsel vm0, v7, v5;
	v6 =	vsel vm0, v9, v6;
	v7 =	vld [tilespmem:$0x164B0]  }
0x345: {  	vm9 =	veq.f32 v8, v5;
	vm10 =	vlt.s32 v10, v6  }
0x346: {  	vm11 =	vgt.f32 v8, v5;
	vm0 =	vmand vm9, vm10  }
0x347: {  	vm0 =	vmor vm11, vm0  }
0x348: {  	v5 =	vsel vm0, v8, v5;
	v6 =	vsel vm0, v10, v6  }
0x349: {  	vm12 =	veq.f32 v7, v5;
	vm13 =	vlt.s32 v11, v6  }
0x34a: {  	vm14 =	vgt.f32 v7, v5;
	vm0 =	vmand vm12, vm13  }
0x34b: {  	vm0 =	vmor vm14, vm0  }
0x34c: {  	v5 =	vsel vm0, v7, v5  }
0x34d: {  	(xrf0) =	vmax.scan.msk.f32 $0xffff, v5;
	_ =	sdelay $0x5  }
0x34e: {  	v7, _, _ =	vpop (xrf0)  }
0x34f: {  	v7 =	vbroadcast v7, $0xF  }
0x350: {  	v6 =	vsel vm0, v11, v6  }
0x351: {  	vm15 =	veq.f32 v5, v7;
	v5 =	vxor.u32 $0x80000000, v6  }
0x352: {  	v5 =	vnsel vm15, $0xFFFFFFFF, v5  }
0x353: {  	(xrf0) =	vmin.scan.msk.u32 $0xffff, v5;
	_ =	sdelay $0x5  }
0x354: {  	v5, _, _ =	vpop (xrf0)  }
0x355: {  	(v2sf) =	vpush v5, $0xF;
	_ =	sdelay $0xa  }
0x356: {  	s0 =	simm.s32 $0x0  }
0x357: {  	v5 =	vmov s0;
	_ =	sdelay $0x2  }
0x358: {  	v6 =	vadd.f32 $0.0e+00, v7;
	s31 =	spop (v2sf)  }
0x359: {  	s0 =	sxor.u32 $0x80000000, s31  }
0x35a: {  	[tilespmem:v5+s20+$0x0] =	vst.idx.msk $0x1, v6;
	v6 =	vmov s0  }
0x35b: {  	[tilespmem:v5+s21+$0x0] =	vst.idx.msk $0x1, v6  }
0x35c: {  	v6 =	vld [tilespmem:$0x16460]  }
0x35d: {  	v7 =	vld [tilespmem:$0x16480]  }
0x35e: {  	v8 =	vld [tilespmem:$0x163E0]  }
0x35f: {  	v9 =	vld [tilespmem:$0x163C0]  }
0x360: {  	v5 =	vld [tilespmem:$0x163F0]  }
0x361: {  	v11 =	vld [tilespmem:$0x16440]  }
0x362: {  	s28 =	simm.s32 $0x1;
	v10 =	vld [tilespmem:$0x16420]  }
.LBB2_27:
0x363: {  	p0 =	sne.s32 s28, $0x31;
	v12 =	vld [tilespmem:$0x16490];
	s29 =	smov.u32 s28;
	s28 =	sadd.s32 $0x1, s28  }
0x364: {  	v13 =	vld [tilespmem:$0x16430]  }
0x365: {  	v14 =	vld [tilespmem:$0x16470]  }
0x366: {  	v15 =	vld [tilespmem:$0x16450]  }
0x367: {  	v16 =	vld [tilespmem:$0x16400]  }
0x368: {  	v17 =	vld [tilespmem:$0x16410]  }
0x369: {  	v18 =	vld [tilespmem:$0x16540]  }
0x36a: {  	v19 =	vld [tilespmem:$0x16530]  }
0x36b: {  	v20 =	vld [tilespmem:$0x16520]  }
0x36c: {  	v21 =	vld [tilespmem:$0x164B0]  }
0x36d: {  	v22 =	vld [tilespmem:$0x164A0]  }
0x36e: {  	vm0 =	veq.s32 v18, s0;
	v18 =	vld [tilespmem:$0x16550]  }
0x36f: {  	vm1 =	veq.s32 v19, s0;
	v11 =	vsel vm0, $0xFF800000, v11;
	v19 =	vld [tilespmem:$0x165A0]  }
0x370: {  	v23 =	vld [tilespmem:$0x16510];
	vm0 =	veq.s32 v20, s0;
	v13 =	vsel vm1, $0xFF800000, v13;
	[tilespmem:$0x16440] =	vst v11  }
0x371: {  	v11 =	vld [tilespmem:$0x16500];
	v10 =	vsel vm0, $0xFF800000, v10;
	[tilespmem:$0x16430] =	vst v13  }
0x372: {  	[tilespmem:$0x16420] =	vst v10;
	v10 =	vld [tilespmem:$0x165B0]  }
0x373: {  	v13 =	vld [tilespmem:$0x164C0];
	vm0 =	veq.s32 v18, s0  }
0x374: {  	v15 =	vsel vm0, $0xFF800000, v15;
	v18 =	vld [tilespmem:$0x16580];
	vm0 =	veq.s32 v19, s0  }
0x375: {  	v19 =	vld [tilespmem:$0x164E0];
	vm1 =	veq.s32 v23, s0;
	[tilespmem:$0x16450] =	vst v15;
	v15 =	vsel vm0, $0xFF800000, v22  }
0x376: {  	vm0 =	veq.s32 v11, s0;
	v11 =	vsel vm1, $0xFF800000, v17;
	v17 =	vld [tilespmem:$0x16590];
	[tilespmem:$0x164A0] =	vst v15  }
0x377: {  	v15 =	vsel vm0, $0xFF800000, v16;
	[tilespmem:$0x16410] =	vst v11;
	v11 =	vld [tilespmem:$0x16560];
	vm0 =	veq.s32 v10, s0  }
0x378: {  	vm1 =	veq.s32 v13, s0;
	[tilespmem:$0x16400] =	vst v15;
	v10 =	vld [tilespmem:$0x16570];
	v13 =	vsel vm0, $0xFF800000, v21  }
0x379: {  	v9 =	vsel vm1, $0xFF800000, v9;
	v15 =	vld [tilespmem:$0x164D0];
	[tilespmem:$0x164B0] =	vst v13  }
0x37a: {  	vm1 =	veq.s32 v18, s0;
	[tilespmem:$0x163C0] =	vst v9;
	vm0 =	veq.s32 v19, s0;
	v9 =	vld [tilespmem:$0x164F0]  }
0x37b: {  	v7 =	vsel vm1, $0xFF800000, v7;
	v13 =	vld [tilespmem:$0x163D0];
	v8 =	vsel vm0, $0xFF800000, v8  }
0x37c: {  	vm1 =	veq.s32 v17, s0;
	[tilespmem:$0x163E0] =	vst v8;
	vm0 =	veq.s32 v11, s0  }
0x37d: {  	[tilespmem:$0x16480] =	vst v7;
	v7 =	vsel vm1, $0xFF800000, v12  }
0x37e: {  	v6 =	vsel vm0, $0xFF800000, v6;
	vm0 =	veq.s32 v10, s0  }
0x37f: {  	vm1 =	veq.s32 v15, s0;
	v8 =	vld [tilespmem:$0x163C0];
	vm2 =	veq.s32 v9, s0;
	[tilespmem:$0x16460] =	vst v6;
	v6 =	vsel vm0, $0xFF800000, v14  }
0x380: {  	v9 =	vld [tilespmem:$0x164C0];
	v10 =	vsel vm1, $0xFF800000, v13;
	v5 =	vsel vm2, $0xFF800000, v5;
	[tilespmem:$0x16470] =	vst v6  }
0x381: {  	[tilespmem:$0x163D0] =	vst v10  }
0x382: {  	[tilespmem:$0x163F0] =	vst v5  }
0x383: {  	v5 =	vld [tilespmem:$0x164D0];
	[tilespmem:$0x16490] =	vst v7  }
0x384: {  	vm0 =	vlt.f32 v8, $-Inf;
	vm1 =	vgt.f32 v8, $-Inf;
	v6 =	vld [tilespmem:$0x163D0]  }
0x385: {  	vm0 =	vmor vm1, vm0;
	vm1 =	veq.f32 v8, $-Inf;
	vm2 =	vne.s32 v9, $0x7FFFFFFF  }
0x386: {  	vm1 =	vmand vm1, vm2  }
0x387: {  	vm0 =	vmor vm0, vm1;
	v7 =	vld [tilespmem:$0x164E0]  }
0x388: {  	v8 =	vnsel vm0, $0xFF800000, v8;
	v9 =	vnsel vm0, $0x7FFFFFFF, v9;
	v10 =	vld [tilespmem:$0x163E0]  }
0x389: {  	vm0 =	veq.f32 v6, v8;
	vm1 =	vlt.s32 v5, v9  }
0x38a: {  	vm2 =	vgt.f32 v6, v8;
	vm0 =	vmand vm0, vm1  }
0x38b: {  	vm0 =	vmor vm2, vm0;
	v11 =	vld [tilespmem:$0x164F0]  }
0x38c: {  	v6 =	vsel vm0, v6, v8;
	v5 =	vsel vm0, v5, v9;
	v8 =	vld [tilespmem:$0x163F0]  }
0x38d: {  	vm0 =	veq.f32 v10, v6;
	vm1 =	vlt.s32 v7, v5  }
0x38e: {  	vm2 =	vgt.f32 v10, v6;
	vm0 =	vmand vm0, vm1  }
0x38f: {  	vm0 =	vmor vm2, vm0;
	v9 =	vld [tilespmem:$0x16500]  }
0x390: {  	v6 =	vsel vm0, v10, v6;
	v5 =	vsel vm0, v7, v5;
	v7 =	vld [tilespmem:$0x16400]  }
0x391: {  	vm0 =	veq.f32 v8, v6;
	vm1 =	vlt.s32 v11, v5  }
0x392: {  	vm2 =	vgt.f32 v8, v6;
	vm0 =	vmand vm0, vm1  }
0x393: {  	vm0 =	vmor vm2, vm0;
	v10 =	vld [tilespmem:$0x16510]  }
0x394: {  	v6 =	vsel vm0, v8, v6;
	v5 =	vsel vm0, v11, v5;
	v8 =	vld [tilespmem:$0x16410]  }
0x395: {  	vm0 =	veq.f32 v7, v6;
	vm1 =	vlt.s32 v9, v5  }
0x396: {  	vm2 =	vgt.f32 v7, v6;
	vm0 =	vmand vm0, vm1  }
0x397: {  	vm0 =	vmor vm2, vm0;
	v11 =	vld [tilespmem:$0x16520]  }
0x398: {  	v6 =	vsel vm0, v7, v6;
	v5 =	vsel vm0, v9, v5;
	v7 =	vld [tilespmem:$0x16420]  }
0x399: {  	vm0 =	veq.f32 v8, v6;
	vm1 =	vlt.s32 v10, v5  }
0x39a: {  	vm2 =	vgt.f32 v8, v6;
	vm0 =	vmand vm0, vm1  }
0x39b: {  	vm0 =	vmor vm2, vm0;
	v9 =	vld [tilespmem:$0x16530]  }
0x39c: {  	v6 =	vsel vm0, v8, v6;
	v5 =	vsel vm0, v10, v5;
	v8 =	vld [tilespmem:$0x16430]  }
0x39d: {  	vm0 =	veq.f32 v7, v6;
	vm1 =	vlt.s32 v11, v5  }
0x39e: {  	vm2 =	vgt.f32 v7, v6;
	vm0 =	vmand vm0, vm1  }
0x39f: {  	vm0 =	vmor vm2, vm0;
	v10 =	vld [tilespmem:$0x16540]  }
0x3a0: {  	v6 =	vsel vm0, v7, v6;
	v5 =	vsel vm0, v11, v5;
	v7 =	vld [tilespmem:$0x16440]  }
0x3a1: {  	vm0 =	veq.f32 v8, v6;
	vm1 =	vlt.s32 v9, v5  }
0x3a2: {  	vm2 =	vgt.f32 v8, v6;
	vm0 =	vmand vm0, vm1  }
0x3a3: {  	vm0 =	vmor vm2, vm0;
	v11 =	vld [tilespmem:$0x16550]  }
0x3a4: {  	v6 =	vsel vm0, v8, v6;
	v5 =	vsel vm0, v9, v5;
	v8 =	vld [tilespmem:$0x16450]  }
0x3a5: {  	vm0 =	veq.f32 v7, v6;
	vm1 =	vlt.s32 v10, v5  }
0x3a6: {  	vm2 =	vgt.f32 v7, v6;
	vm0 =	vmand vm0, vm1  }
0x3a7: {  	vm0 =	vmor vm2, vm0;
	v9 =	vld [tilespmem:$0x16560]  }
0x3a8: {  	v6 =	vsel vm0, v7, v6;
	v5 =	vsel vm0, v10, v5;
	v7 =	vld [tilespmem:$0x16460]  }
0x3a9: {  	vm0 =	veq.f32 v8, v6;
	vm1 =	vlt.s32 v11, v5  }
0x3aa: {  	vm2 =	vgt.f32 v8, v6;
	vm0 =	vmand vm0, vm1  }
0x3ab: {  	vm0 =	vmor vm2, vm0;
	v10 =	vld [tilespmem:$0x16570]  }
0x3ac: {  	v6 =	vsel vm0, v8, v6;
	v5 =	vsel vm0, v11, v5;
	v8 =	vld [tilespmem:$0x16470]  }
0x3ad: {  	vm0 =	veq.f32 v7, v6;
	vm1 =	vlt.s32 v9, v5  }
0x3ae: {  	vm2 =	vgt.f32 v7, v6;
	vm0 =	vmand vm0, vm1  }
0x3af: {  	vm0 =	vmor vm2, vm0;
	v11 =	vld [tilespmem:$0x16580]  }
0x3b0: {  	v6 =	vsel vm0, v7, v6;
	v5 =	vsel vm0, v9, v5;
	v7 =	vld [tilespmem:$0x16480]  }
0x3b1: {  	vm0 =	veq.f32 v8, v6;
	vm1 =	vlt.s32 v10, v5  }
0x3b2: {  	vm2 =	vgt.f32 v8, v6;
	vm0 =	vmand vm0, vm1  }
0x3b3: {  	vm0 =	vmor vm2, vm0;
	v9 =	vld [tilespmem:$0x16590]  }
0x3b4: {  	v6 =	vsel vm0, v8, v6;
	v5 =	vsel vm0, v10, v5;
	v8 =	vld [tilespmem:$0x16490]  }
0x3b5: {  	vm0 =	veq.f32 v7, v6;
	vm1 =	vlt.s32 v11, v5  }
0x3b6: {  	vm2 =	vgt.f32 v7, v6;
	vm0 =	vmand vm0, vm1  }
0x3b7: {  	vm0 =	vmor vm2, vm0;
	v10 =	vld [tilespmem:$0x165A0]  }
0x3b8: {  	v6 =	vsel vm0, v7, v6;
	v5 =	vsel vm0, v11, v5;
	v7 =	vld [tilespmem:$0x164A0]  }
0x3b9: {  	vm0 =	veq.f32 v8, v6;
	vm1 =	vlt.s32 v9, v5  }
0x3ba: {  	vm2 =	vgt.f32 v8, v6;
	vm0 =	vmand vm0, vm1  }
0x3bb: {  	vm0 =	vmor vm2, vm0;
	v11 =	vld [tilespmem:$0x165B0]  }
0x3bc: {  	v6 =	vsel vm0, v8, v6;
	v5 =	vsel vm0, v9, v5;
	v8 =	vld [tilespmem:$0x164B0]  }
0x3bd: {  	vm0 =	veq.f32 v7, v6;
	vm1 =	vlt.s32 v10, v5  }
0x3be: {  	vm2 =	vgt.f32 v7, v6;
	vm0 =	vmand vm0, vm1  }
0x3bf: {  	vm0 =	vmor vm2, vm0  }
0x3c0: {  	v6 =	vsel vm0, v7, v6;
	v5 =	vsel vm0, v10, v5  }
0x3c1: {  	vm0 =	veq.f32 v8, v6;
	vm1 =	vlt.s32 v11, v5  }
0x3c2: {  	vm2 =	vgt.f32 v8, v6;
	vm0 =	vmand vm0, vm1  }
0x3c3: {  	vm0 =	vmor vm2, vm0  }
0x3c4: {  	v6 =	vsel vm0, v8, v6;
	v5 =	vsel vm0, v11, v5  }
0x3c5: {  	(xrf0) =	vmax.scan.msk.f32 $0xffff, v6;
	_ =	sdelay $0x5  }
0x3c6: {  	v7, _, _ =	vpop (xrf0)  }
0x3c7: {  	v7 =	vbroadcast v7, $0xF;
	_ =	sdelay $0x1  }
0x3c8: {  	v5 =	vxor.u32 $0x80000000, v5;
	vm0 =	veq.f32 v6, v7;
	v6 =	vadd.f32 $0.0e+00, v7  }
0x3c9: {  	v5 =	vnsel vm0, $0xFFFFFFFF, v5  }
0x3ca: {  	(xrf0) =	vmin.scan.msk.u32 $0xffff, v5;
	_ =	sdelay $0x5  }
0x3cb: {  	v5, _, _ =	vpop (xrf0)  }
0x3cc: {  	(v2sf) =	vpush v5, $0xF;
	_ =	sdelay $0xb  }
0x3cd: {  	v5 =	vmov s29;
	_ =	sdelay $0x2  }
0x3ce: {  	s0 =	spop (v2sf)  }
0x3cf: {  	s0 =	sxor.u32 $0x80000000, s0  }
0x3d0: {  	[tilespmem:v5+s20+$0x0] =	vst.idx.msk $0x1, v6;
	v6 =	vmov s0  }
0x3d1: {  	[tilespmem:v5+s21+$0x0] =	vst.idx.msk $0x1, v6  }
0x3d2: {  	v6 =	vld [tilespmem:$0x16460]  }
0x3d3: {  	v7 =	vld [tilespmem:$0x16480]  }
.Ltmp17:
0x3d4: {  	v8 =	vld [tilespmem:$0x163E0];
	(pc) =	sbr.rel @p0 .LBB2_27-.Ltmp17, $4  }
0x3d5: {  	v9 =	vld [tilespmem:$0x163C0]  }
0x3d6: {  	v5 =	vld [tilespmem:$0x163F0]  }
0x3d7: {  	v11 =	vld [tilespmem:$0x16440]  }
0x3d8: {  	v10 =	vld [tilespmem:$0x16420]  }
0x3d9: {  	v12 =	vld [tilespmem:$0x16430]  }
0x3da: {  	v13 =	vld [tilespmem:$0x16470]  }
0x3db: {  	v14 =	vld [tilespmem:$0x16450]  }
0x3dc: {  	v15 =	vld [tilespmem:$0x16400]  }
0x3dd: {  	v16 =	vld [tilespmem:$0x16410]  }
0x3de: {  	v17 =	vld [tilespmem:$0x16540]  }
0x3df: {  	v18 =	vld [tilespmem:$0x16530]  }
0x3e0: {  	v19 =	vld [tilespmem:$0x16520]  }
0x3e1: {  	v20 =	vld [tilespmem:$0x164B0]  }
0x3e2: {  	v21 =	vld [tilespmem:$0x164A0]  }
0x3e3: {  	v22 =	vld [tilespmem:$0x16550]  }
0x3e4: {  	v23 =	vld [tilespmem:$0x165A0]  }
0x3e5: {  	v24 =	vld [tilespmem:$0x16510]  }
0x3e6: {  	v49 =	vld [tilespmem:$0x16500];
	vm0 =	veq.s32 v17, s0  }
0x3e7: {  	v50 =	vld [tilespmem:$0x165B0];
	vm1 =	veq.s32 v18, s0;
	v11 =	vsel vm0, $0xFF800000, v11  }
0x3e8: {  	v51 =	vld [tilespmem:$0x164C0];
	vm14 =	veq.s32 v19, s0;
	v12 =	vsel vm1, $0xFF800000, v12;
	[tilespmem:$0x16440] =	vst v11  }
0x3e9: {  	v52 =	vld [tilespmem:$0x16580];
	vm15 =	veq.s32 v22, s0;
	v10 =	vsel vm14, $0xFF800000, v10;
	[tilespmem:$0x16430] =	vst v12  }
0x3ea: {  	v54 =	vld [tilespmem:$0x164E0];
	vm4 =	veq.s32 v23, s0;
	v53 =	vsel vm15, $0xFF800000, v14;
	[tilespmem:$0x16420] =	vst v10  }
0x3eb: {  	v56 =	vld [tilespmem:$0x16560];
	vm5 =	veq.s32 v24, s0;
	v55 =	vsel vm4, $0xFF800000, v21;
	[tilespmem:$0x16450] =	vst v53  }
0x3ec: {  	v57 =	vld [tilespmem:$0x16570];
	vm6 =	veq.s32 v49, s0;
	v16 =	vsel vm5, $0xFF800000, v16;
	[tilespmem:$0x164A0] =	vst v55  }
0x3ed: {  	v58 =	vld [tilespmem:$0x164D0];
	vm7 =	veq.s32 v50, s0;
	v15 =	vsel vm6, $0xFF800000, v15;
	[tilespmem:$0x16410] =	vst v16  }
0x3ee: {  	v60 =	vld [tilespmem:$0x164F0];
	vm8 =	veq.s32 v51, s0;
	v59 =	vsel vm7, $0xFF800000, v20;
	[tilespmem:$0x16400] =	vst v15  }
0x3ef: {  	v61 =	vld [tilespmem:$0x163D0];
	vm9 =	veq.s32 v54, s0;
	v9 =	vsel vm8, $0xFF800000, v9;
	[tilespmem:$0x164B0] =	vst v59  }
0x3f0: {  	v62 =	vld [tilespmem:$0x16590];
	vm10 =	veq.s32 v52, s0;
	v8 =	vsel vm9, $0xFF800000, v8;
	[tilespmem:$0x163C0] =	vst v9  }
0x3f1: {  	v63 =	vld [tilespmem:$0x16490];
	vm11 =	veq.s32 v56, s0;
	v7 =	vsel vm10, $0xFF800000, v7;
	[tilespmem:$0x163E0] =	vst v8  }
0x3f2: {  	vm12 =	veq.s32 v57, s0;
	v6 =	vsel vm11, $0xFF800000, v6;
	[tilespmem:$0x16480] =	vst v7  }
0x3f3: {  	vm13 =	veq.s32 v58, s0;
	[tilespmem:$0x16460] =	vst v6;
	v6 =	vsel vm12, $0xFF800000, v13  }
0x3f4: {  	vm14 =	veq.s32 v60, s0;
	v7 =	vsel vm13, $0xFF800000, v61;
	[tilespmem:$0x16470] =	vst v6  }
0x3f5: {  	vm15 =	veq.s32 v62, s0;
	v5 =	vsel vm14, $0xFF800000, v5;
	[tilespmem:$0x163D0] =	vst v7  }
0x3f6: {  	v6 =	vsel vm15, $0xFF800000, v63;
	[tilespmem:$0x163F0] =	vst v5  }
0x3f7: {  	s23 =	rddreg [dreg:$0x1];
	s1 =	simm.s32 $0x40;
	s2 =	simm.s32 $0x16640;
	[tilespmem:$0x16490] =	vst v6  }
0x3f8: {  	[tilespmem:s2], [sflag:$0x6] =	stream.indirect.gather [hbm4b:s23+s1], $0x1, s21, s1, $0xb8;
	[tilespmem:$0x16680] =	vst v63  }
0x3f9: {  	_ =	swait.ge [sflag:s24], $0x40  }
0x3fa: {  	[sflag:s24] =	ssyncset.done $0x0  }
0x3fb: {  	s28 =	simm.s32 $0x0;
	s29 =	rddreg [dreg:$0x5];
	[sflag:s24] =	ssyncadd.s32 $0xFFFFFFC0  }
0x3fc: {  	[hbm4b:s29+s28] =	stream.linear.scatter [tilespmem:s20], [sflag:$0x7], $0x40, $0x38;
	[tilespmem:$0x16680] =	vst v63  }
0x3fd: {  	_ =	swait.ge [sflag:s25], $0x40  }
0x3fe: {  	[sflag:s25] =	ssyncset.done $0x0  }
0x3ff: {  	s30 =	rddreg [dreg:$0x6];
	[sflag:s25] =	ssyncadd.s32 $0xFFFFFFC0  }
0x400: {  	[hbm4b:s30+s28] =	stream.linear.scatter [tilespmem:s2], [sflag:$0x7], $0x40, $0x38;
	[tilespmem:$0x16680] =	vst v63  }
0x401: {  	_ =	swait.ge [sflag:s25], $0x40  }
0x402: {  	s26 =	sadd.s32 $0x1, s26;
	s31 =	rddreg [dreg:$0x7]  }
0x403: {  	p0 =	sne.s32 s26, s31  }
.Ltmp18:
0x404: {  	_ = 	snop;
	(pc) =	sbr.rel @p0 .LBB2_1-.Ltmp18, $3  }
0x405: {  	_ =	sdelay $0x1  }
0x406: {  	[sflag:s25] =	ssyncset.done $0x0  }
0x407: {  	[sflag:s25] =	ssyncadd.s32 $0xFFFFFFC0  }
0x408: {  	_ =	sfence.sel $0x180000  }
0x409: {  	[bflag:$0x0] =	sbarrier.arrive $0xFFFF  }
0x40a: {  	_ =	strace $0x90000047  }
0x40b: {  	s0 =	stileid.u32;
	[bflag:$0x2] =	sbarrier.arrive $0xFFFF  }
0x40c: {  	p0 =	sne.s32 s0, $0x0;
	s0 =	rddreg [dreg:$0x3]  }
0x40d: {  	s0 =	sadd.s32 @!p0 $0x100000, s0  }
0x40e: {  	[sflag:s0] =	ssyncadd.tile.s32 @!p0 $0x1;
	_ =	shalt  }
.Lfunc_end2:
_tile_overlayer_lowered:
.L_overlay_start_2:
0x40f: {  	(tag) =	ssettag $0x2  }
0x410: {  	s0 =	rddreg [dreg:$0x0];
	s2 =	stileid.u32  }
0x411: {  	s1 =	rddreg [dreg:$0x1];
	p0 =	sne.s32 s2, $0x0  }
0x412: {  	s3 =	rddreg [dreg:$0x2];
	[bflag:$0x3] =	sbarrier.arrive $0xFFFF;
	s2 =	simm.s32 @!p0 $0x1C07  }
0x413: {  	[timem:s3], [sflag:s2] =	dma.local @!p0 [hbm:s0], s1  }
0x414: {  	s0 =	simm.s32 @!p0 $0x7  }
0x415: {  	_ =	swait.ge @!p0 [sflag:s0], s1  }
0x416: {  	s1 =	ssub.s32 @!p0 $0x0, s1;
	[sflag:s0] =	ssyncset.done @!p0 $0x0  }
0x417: {  	[sflag:s0] =	ssyncadd.s32 @!p0 s1  }
0x418: {  	[bflag:$0x3] =	sbarrier.arrive $0xFFFF  }
0x419: {  	_ =	shalt  }

</sc_bundles>
